<compile_context>
chip_gen: v7x
topology: tpu7x:2x2x1
jax: 0.10.2.dev20260603
libtpu: 0.0.44.dev20260713+nightly
codegen_flags: <defaults>
</compile_context>

<pallas_src>
import functools

import jax
import jax.numpy as jnp
from jax import lax
from jax.experimental import pallas as pl
from jax.experimental.pallas import tpu as pltpu
from jax.experimental.pallas import tpu_sc as plsc

N_NODES = 10000
N_EDGES = 320000
FEAT = 128

NUM_CORES = 2
NUM_SUBCORES = 16
NUM_WORKERS = NUM_CORES * NUM_SUBCORES

CHUNK = 128
CHUNKS_PER_WORKER = 80
HALF = CHUNKS_PER_WORKER // 2
EDGES_PER_WORKER = CHUNKS_PER_WORKER * CHUNK
E_PAD = NUM_WORKERS * EDGES_PER_WORKER

N_PAD = 10240
ROWS_PER_TILE = N_PAD // NUM_SUBCORES


def _sc_agg_body(with_cnt, h_hbm, eidx_hbm, agg_hbm, *rest):
    if with_cnt:
        (cnt_hbm, ebuf, buf0, buf1, ones_v, acc, cnt_acc, sem0, sem1) = rest
    else:
        cnt_hbm = None
        (ebuf, buf0, buf1, ones_v, acc, cnt_acc, sem0, sem1) = rest
    cid = lax.axis_index("c")
    sid = lax.axis_index("s")
    wid = cid * NUM_SUBCORES + sid
    eidx_w = eidx_hbm.at[wid]

    zero16 = jnp.zeros((16,), jnp.float32)
    ones16 = jnp.ones((16,), jnp.float32)

    @pl.loop(0, CHUNK)
    def _(i):
        for j in range(FEAT // 16):
            buf0[i, pl.ds(j * 16, 16)] = zero16

    base = sid * ROWS_PER_TILE
    for k in range(ROWS_PER_TILE // CHUNK):
        pltpu.sync_copy(buf0, acc.at[pl.ds(base + k * CHUNK, CHUNK)])
    if with_cnt:
        for j in range(CHUNK // 16):
            ones_v[pl.ds(j * 16, 16)] = ones16
        for k in range(ROWS_PER_TILE // CHUNK):
            pltpu.sync_copy(
                buf0.at[0],
                cnt_acc.at[pl.ds(base + k * CHUNK, CHUNK)],
            )
    plsc.subcore_barrier()

    def scatter(cl, buf):
        pltpu.sync_copy(buf, acc.at[ebuf.at[cl, 1]], add=True)
        if with_cnt:
            pltpu.sync_copy(ones_v, cnt_acc.at[ebuf.at[cl, 1]], add=True)

    def gather(cl, buf, sem):
        return pltpu.async_copy(h_hbm.at[ebuf.at[cl, 0]], buf, sem)

    def wait_gather(cl, buf, sem):
        pltpu.make_async_copy(h_hbm.at[ebuf.at[cl, 0]], buf, sem).wait()

    pltpu.sync_copy(eidx_w.at[pl.ds(0, HALF)], ebuf)
    for half in range(2):
        gather(0, buf0, sem0)
        gather(1, buf1, sem1)

        @pl.loop(0, HALF // 2 - 1)
        def _(g):
            cl = g * 2
            wait_gather(cl, buf0, sem0)
            scatter(cl, buf0)
            gather(cl + 2, buf0, sem0)
            wait_gather(cl + 1, buf1, sem1)
            scatter(cl + 1, buf1)
            gather(cl + 3, buf1, sem1)

        wait_gather(HALF - 2, buf0, sem0)
        scatter(HALF - 2, buf0)
        wait_gather(HALF - 1, buf1, sem1)
        scatter(HALF - 1, buf1)

        if half == 0:
            pltpu.sync_copy(eidx_w.at[pl.ds(HALF, HALF)], ebuf)

    plsc.subcore_barrier()

    pltpu.sync_copy(acc.at[pl.ds(base, ROWS_PER_TILE)],
                    agg_hbm.at[cid].at[pl.ds(base, ROWS_PER_TILE)])
    if with_cnt:
        pltpu.sync_copy(cnt_acc.at[pl.ds(base, ROWS_PER_TILE)],
                        cnt_hbm.at[cid].at[pl.ds(base, ROWS_PER_TILE)])


def _make_sc_agg(with_cnt):
    outs = [jax.ShapeDtypeStruct((NUM_CORES, N_PAD, FEAT), jnp.float32)]
    if with_cnt:
        outs.append(jax.ShapeDtypeStruct((NUM_CORES, N_PAD), jnp.float32))
    scratch = [
        pltpu.VMEM((HALF, 2, CHUNK), jnp.int32),
        pltpu.VMEM((CHUNK, FEAT), jnp.float32),
        pltpu.VMEM((CHUNK, FEAT), jnp.float32),
        pltpu.VMEM((CHUNK,), jnp.float32),
        pltpu.VMEM_SHARED((N_PAD, FEAT), jnp.float32),
        pltpu.VMEM_SHARED((N_PAD,), jnp.float32),
        pltpu.SemaphoreType.DMA,
        pltpu.SemaphoreType.DMA,
    ]
    body = functools.partial(_sc_agg_body, with_cnt)
    return pl.kernel(
        body,
        out_type=tuple(outs) if with_cnt else outs[0],
        mesh=plsc.VectorSubcoreMesh(core_axis_name="c", subcore_axis_name="s"),
        scratch_types=scratch,
        name="sage_sc_agg" + ("_cnt" if with_cnt else ""),
    )


def _tc_body(relu, agg_ref, cnt_ref, h_ref, wl_ref, wr_ref, b_ref, o_ref):
    agg = agg_ref[0, :N_NODES, :] + agg_ref[1, :N_NODES, :]
    cnt = cnt_ref[0, :N_NODES] + cnt_ref[1, :N_NODES]
    inv = 1.0 / jnp.maximum(cnt, 1.0)
    mean = agg * inv[:, None]
    out = (
        jnp.dot(mean, wl_ref[...].T, preferred_element_type=jnp.float32)
        + b_ref[...]
        + jnp.dot(h_ref[...], wr_ref[...].T, preferred_element_type=jnp.float32)
    )
    if relu:
        out = jnp.maximum(out, 0.0)
    o_ref[...] = out


def _make_tc(relu):
    return pl.pallas_call(
        functools.partial(_tc_body, relu),
        out_shape=jax.ShapeDtypeStruct((N_NODES, FEAT), jnp.float32),
        name="sage_tc_matmul",
    )


@jax.jit
def kernel(x, edge_index, W1l, b1, W1r, W2l, b2, W2r):
    src = edge_index[0]
    dst = edge_index[1]
    pad = E_PAD - N_EDGES
    pad_ids = jnp.arange(pad, dtype=jnp.int32)
    src_p = jnp.concatenate([src, pad_ids % N_NODES])
    dst_p = jnp.concatenate([dst, N_NODES + pad_ids % (N_PAD - N_NODES)])
    src3 = src_p.reshape(NUM_WORKERS, CHUNKS_PER_WORKER, CHUNK)
    dst3 = dst_p.reshape(NUM_WORKERS, CHUNKS_PER_WORKER, CHUNK)
    eidx = jnp.stack([src3, dst3], axis=2)

    agg1, cnt = _make_sc_agg(True)(x, eidx)
    h = _make_tc(True)(agg1, cnt, x, W1l, W1r, b1)
    agg2 = _make_sc_agg(False)(h, eidx)
    return _make_tc(False)(agg2, cnt, h, W2l, W2r, b2)

# --- scband reference (transcript-rebuilt; emitter-appended) ---
"""Pipeline reference for scband-graph-sageencoder-46351287058738 (READ-ONLY COPY).

The authoritative reference and input builder live on the scoring server;
editing this copy changes nothing except your own understanding.
"""

import jax, jax.numpy as jnp
import numpy as np

N = 10000
E = 320000
D = 128
H = 128


def setup_inputs(seed: int = 0) -> dict:
    key = jax.random.key(seed)
    ks = jax.random.split(key, 8)
    x = jax.random.normal(ks[0], (N, D), dtype=jnp.float32)
    edge_index = jax.random.randint(ks[1], (2, E), 0, N, dtype=jnp.int32)
    # SAGEConv layer 1: out = lin_l(mean_neighbors) + lin_r(x)
    W1l = jax.random.normal(ks[2], (H, D), dtype=jnp.float32) * 0.05
    b1 = jnp.zeros((H,), dtype=jnp.float32)
    W1r = jax.random.normal(ks[3], (H, D), dtype=jnp.float32) * 0.05
    # SAGEConv layer 2
    W2l = jax.random.normal(ks[4], (H, H), dtype=jnp.float32) * 0.05
    b2 = jnp.zeros((H,), dtype=jnp.float32)
    W2r = jax.random.normal(ks[5], (H, H), dtype=jnp.float32) * 0.05
    return {"x": x, "edge_index": edge_index, "W1l": W1l, "b1": b1, "W1r": W1r,
            "W2l": W2l, "b2": b2, "W2r": W2r}


def _sage_conv(h, edge_index, Wl, bl, Wr):
    src = edge_index[0]
    dst = edge_index[1]
    msgs = h[src]  # gather source-node features [E, d]
    agg = jax.ops.segment_sum(msgs, dst, num_segments=N)
    cnt = jax.ops.segment_sum(jnp.ones((E,), dtype=h.dtype), dst, num_segments=N)
    mean = agg / jnp.maximum(cnt, 1.0)[:, None]
    return mean @ Wl.T + bl + h @ Wr.T


def reference(x, edge_index, W1l, b1, W1r, W2l, b2, W2r):
    # Layer 1 + ReLU (dropout is identity in eval mode)
    h = _sage_conv(x, edge_index, W1l, b1, W1r)
    h = jax.nn.relu(h)
    # Layer 2 (no activation after last layer)
    h = _sage_conv(h, edge_index, W2l, b2, W2r)
    return h

if __name__ == "__main__":
    import jax
    _d = setup_inputs()
    print(jax.jit(kernel)(*tuple(_d.values())))

</pallas_src>

<mosaic_0001>
#map = affine_map<(d0, d1) -> (0, 0)>
#map1 = affine_map<(d0, d1) -> (0, 0, 0, 0)>
#map2 = affine_map<(d0, d1) -> (0, 0, 0)>
module attributes {stable_mosaic.version = 14 : i64} {
  func.func @sage_sc_agg_cnt(%arg0: i32, %arg1: i32, %arg2: memref<10000x128xf32, #tpu.memory_space<hbm>>, %arg3: memref<32x80x2x128xi32, #tpu.memory_space<hbm>>, %arg4: memref<2x10240x128xf32, #tpu.memory_space<hbm>>, %arg5: memref<2x10240xf32, #tpu.memory_space<hbm>>, %arg6: memref<40x2x128xi32, #tpu.memory_space<vmem>>, %arg7: memref<128x128xf32, #tpu.memory_space<vmem>>, %arg8: memref<128x128xf32, #tpu.memory_space<vmem>>, %arg9: memref<128xf32, #tpu.memory_space<vmem>>, %arg10: memref<10240x128xf32, #tpu.memory_space<vmem_shared>>, %arg11: memref<10240xf32, #tpu.memory_space<vmem_shared>>, %arg12: memref<!tpu.dma_semaphore, #tpu.memory_space<semaphore_mem>>, %arg13: memref<!tpu.dma_semaphore, #tpu.memory_space<semaphore_mem>>) attributes {dimension_semantics = [#tpu.dimension_semantics<core_parallel>, #tpu.dimension_semantics<subcore_parallel>], iteration_bounds = array<i64: 2, 16>, scalar_prefetch = 0 : i64, scratch_operands = 8 : i64, tpu.core_type = #tpu.core_type<sc_vector_subcore>, window_params = [{transform_indices = #map}, {transform_indices = #map1}, {transform_indices = #map2}, {transform_indices = #map}]} {
    %mul3A = arith.constant 16 : i32
    %mul3A_0 = arith.muli %arg0, %mul3A : i32
    %add3A = arith.addi %mul3A_0, %arg1 : i32
    %broadcast_in_dim3A = arith.constant 0.000000e+00 : f32
    %broadcast_in_dim3A_1 = vector.broadcast %broadcast_in_dim3A : f32 to vector<16xf32>
    %broadcast_in_dim3A_2 = arith.constant 1.000000e+00 : f32
    %broadcast_in_dim3A_3 = vector.broadcast %broadcast_in_dim3A_2 : f32 to vector<16xf32>
    %scan3A = arith.constant 0 : i32
    %scan3A_4 = arith.constant 128 : i32
    %scan3A_5 = arith.addi %scan3A, %scan3A_4 : i32
    %scan3A_6 = arith.constant 1 : i32
    scf.for %scan3A_154 = %scan3A to %scan3A_5 step %scan3A_6  : i32 {
      %mul3A_155 = arith.constant 1 : i32
      %mul3A_156 = arith.muli %scan3A_154, %mul3A_155 : i32
      %add3A_157 = arith.constant 0 : i32
      %add3A_158 = arith.addi %add3A_157, %mul3A_156 : i32
      %swap3A_159 = arith.index_cast %add3A_158 : i32 to index
      %swap3A_160 = arith.constant 0 : index
      %swap3A_161 = tpu.vector_load %arg7[%swap3A_159, %swap3A_160] {strides = array<i32>} : memref<128x128xf32, #tpu.memory_space<vmem>>, vector<1x16xf32>,
      %swap3A_162 = vector.shape_cast %swap3A_161 : vector<1x16xf32> to vector<16xf32>
      %swap3A_163 = vector.shape_cast %broadcast_in_dim3A_1 : vector<16xf32> to vector<1x16xf32>
      tpu.vector_store %arg7[%swap3A_159, %swap3A_160], %swap3A_163 {strides = array<i32>} : memref<128x128xf32, #tpu.memory_space<vmem>>, vector<1x16xf32>,
      %swap3A_164 = arith.index_cast %add3A_158 : i32 to index
      %swap3A_165 = arith.constant 16 : index
      %swap3A_166 = tpu.vector_load %arg7[%swap3A_164, %swap3A_165] {strides = array<i32>} : memref<128x128xf32, #tpu.memory_space<vmem>>, vector<1x16xf32>,
      %swap3A_167 = vector.shape_cast %swap3A_166 : vector<1x16xf32> to vector<16xf32>
      %swap3A_168 = vector.shape_cast %broadcast_in_dim3A_1 : vector<16xf32> to vector<1x16xf32>
      tpu.vector_store %arg7[%swap3A_164, %swap3A_165], %swap3A_168 {strides = array<i32>} : memref<128x128xf32, #tpu.memory_space<vmem>>, vector<1x16xf32>,
      %swap3A_169 = arith.index_cast %add3A_158 : i32 to index
      %swap3A_170 = arith.constant 32 : index
      %swap3A_171 = tpu.vector_load %arg7[%swap3A_169, %swap3A_170] {strides = array<i32>} : memref<128x128xf32, #tpu.memory_space<vmem>>, vector<1x16xf32>,
      %swap3A_172 = vector.shape_cast %swap3A_171 : vector<1x16xf32> to vector<16xf32>
      %swap3A_173 = vector.shape_cast %broadcast_in_dim3A_1 : vector<16xf32> to vector<1x16xf32>
      tpu.vector_store %arg7[%swap3A_169, %swap3A_170], %swap3A_173 {strides = array<i32>} : memref<128x128xf32, #tpu.memory_space<vmem>>, vector<1x16xf32>,
      %swap3A_174 = arith.index_cast %add3A_158 : i32 to index
      %swap3A_175 = arith.constant 48 : index
      %swap3A_176 = tpu.vector_load %arg7[%swap3A_174, %swap3A_175] {strides = array<i32>} : memref<128x128xf32, #tpu.memory_space<vmem>>, vector<1x16xf32>,
      %swap3A_177 = vector.shape_cast %swap3A_176 : vector<1x16xf32> to vector<16xf32>
      %swap3A_178 = vector.shape_cast %broadcast_in_dim3A_1 : vector<16xf32> to vector<1x16xf32>
      tpu.vector_store %arg7[%swap3A_174, %swap3A_175], %swap3A_178 {strides = array<i32>} : memref<128x128xf32, #tpu.memory_space<vmem>>, vector<1x16xf32>,
      %swap3A_179 = arith.index_cast %add3A_158 : i32 to index
      %swap3A_180 = arith.constant 64 : index
      %swap3A_181 = tpu.vector_load %arg7[%swap3A_179, %swap3A_180] {strides = array<i32>} : memref<128x128xf32, #tpu.memory_space<vmem>>, vector<1x16xf32>,
      %swap3A_182 = vector.shape_cast %swap3A_181 : vector<1x16xf32> to vector<16xf32>
      %swap3A_183 = vector.shape_cast %broadcast_in_dim3A_1 : vector<16xf32> to vector<1x16xf32>
      tpu.vector_store %arg7[%swap3A_179, %swap3A_180], %swap3A_183 {strides = array<i32>} : memref<128x128xf32, #tpu.memory_space<vmem>>, vector<1x16xf32>,
      %swap3A_184 = arith.index_cast %add3A_158 : i32 to index
      %swap3A_185 = arith.constant 80 : index
      %swap3A_186 = tpu.vector_load %arg7[%swap3A_184, %swap3A_185] {strides = array<i32>} : memref<128x128xf32, #tpu.memory_space<vmem>>, vector<1x16xf32>,
      %swap3A_187 = vector.shape_cast %swap3A_186 : vector<1x16xf32> to vector<16xf32>
      %swap3A_188 = vector.shape_cast %broadcast_in_dim3A_1 : vector<16xf32> to vector<1x16xf32>
      tpu.vector_store %arg7[%swap3A_184, %swap3A_185], %swap3A_188 {strides = array<i32>} : memref<128x128xf32, #tpu.memory_space<vmem>>, vector<1x16xf32>,
      %swap3A_189 = arith.index_cast %add3A_158 : i32 to index
      %swap3A_190 = arith.constant 96 : index
      %swap3A_191 = tpu.vector_load %arg7[%swap3A_189, %swap3A_190] {strides = array<i32>} : memref<128x128xf32, #tpu.memory_space<vmem>>, vector<1x16xf32>,
      %swap3A_192 = vector.shape_cast %swap3A_191 : vector<1x16xf32> to vector<16xf32>
      %swap3A_193 = vector.shape_cast %broadcast_in_dim3A_1 : vector<16xf32> to vector<1x16xf32>
      tpu.vector_store %arg7[%swap3A_189, %swap3A_190], %swap3A_193 {strides = array<i32>} : memref<128x128xf32, #tpu.memory_space<vmem>>, vector<1x16xf32>,
      %swap3A_194 = arith.index_cast %add3A_158 : i32 to index
      %swap3A_195 = arith.constant 112 : index
      %swap3A_196 = tpu.vector_load %arg7[%swap3A_194, %swap3A_195] {strides = array<i32>} : memref<128x128xf32, #tpu.memory_space<vmem>>, vector<1x16xf32>,
      %swap3A_197 = vector.shape_cast %swap3A_196 : vector<1x16xf32> to vector<16xf32>
      %swap3A_198 = vector.shape_cast %broadcast_in_dim3A_1 : vector<16xf32> to vector<1x16xf32>
      tpu.vector_store %arg7[%swap3A_194, %swap3A_195], %swap3A_198 {strides = array<i32>} : memref<128x128xf32, #tpu.memory_space<vmem>>, vector<1x16xf32>,
    }
    %scan3A_7 = arith.constant 128 : i32
    %mul3A_8 = arith.constant 640 : i32
    %mul3A_9 = arith.muli %arg1, %mul3A_8 : i32
    %add3A_10 = arith.constant 0 : i32
    %add3A_11 = arith.addi %mul3A_9, %add3A_10 : i32
    "tpu.region"() ({
      %run_scoped3A_154 = tpu.sem_alloc : memref<!tpu.dma_semaphore, #tpu.memory_space<semaphore_mem>>
      %dma_start3A_155 = arith.constant 0 : i32
      %dma_start3A_156 = tpu.memref_slice %arg10[%add3A_11, %dma_start3A_155] : memref<10240x128xf32, #tpu.memory_space<vmem_shared>> -> memref<128x128xf32, #tpu.memory_space<vmem_shared>>
      %dma_start3A_157 = arith.constant 0 : i32
      %dma_start3A_158 = tpu.memref_slice %arg10[%add3A_11, %dma_start3A_157] : memref<10240x128xf32, #tpu.memory_space<vmem_shared>> -> memref<128x128xf32, #tpu.memory_space<vmem_shared>>
      tpu.enqueue_dma source(%arg7 : memref<128x128xf32, #tpu.memory_space<vmem>>) target(%dma_start3A_158 : memref<128x128xf32, #tpu.memory_space<vmem_shared>>) target_semaphore(%run_scoped3A_154 : memref<!tpu.dma_semaphore, #tpu.memory_space<semaphore_mem>>)
      %dma_wait3A_159 = arith.constant 0 : i32
      %dma_wait3A_160 = tpu.memref_slice %arg10[%add3A_11, %dma_wait3A_159] : memref<10240x128xf32, #tpu.memory_space<vmem_shared>> -> memref<128x128xf32, #tpu.memory_space<vmem_shared>>
      %dma_wait3A_161 = arith.constant 0 : i32
      %dma_wait3A_162 = tpu.memref_slice %arg10[%add3A_11, %dma_wait3A_161] : memref<10240x128xf32, #tpu.memory_space<vmem_shared>> -> memref<128x128xf32, #tpu.memory_space<vmem_shared>>
      tpu.wait_dma2 semaphore(%run_scoped3A_154 : memref<!tpu.dma_semaphore, #tpu.memory_space<semaphore_mem>>) src(%arg7 : memref<128x128xf32, #tpu.memory_space<vmem>>) dst(%dma_wait3A_162 : memref<128x128xf32, #tpu.memory_space<vmem_shared>>)
      tpu.yield
    }) : () -> ()
    %add3A_12 = arith.constant 128 : i32
    %add3A_13 = arith.addi %mul3A_9, %add3A_12 : i32
    "tpu.region"() ({
      %run_scoped3A_154 = tpu.sem_alloc : memref<!tpu.dma_semaphore, #tpu.memory_space<semaphore_mem>>
      %dma_start3A_155 = arith.constant 0 : i32
      %dma_start3A_156 = tpu.memref_slice %arg10[%add3A_13, %dma_start3A_155] : memref<10240x128xf32, #tpu.memory_space<vmem_shared>> -> memref<128x128xf32, #tpu.memory_space<vmem_shared>>
      %dma_start3A_157 = arith.constant 0 : i32
      %dma_start3A_158 = tpu.memref_slice %arg10[%add3A_13, %dma_start3A_157] : memref<10240x128xf32, #tpu.memory_space<vmem_shared>> -> memref<128x128xf32, #tpu.memory_space<vmem_shared>>
      tpu.enqueue_dma source(%arg7 : memref<128x128xf32, #tpu.memory_space<vmem>>) target(%dma_start3A_158 : memref<128x128xf32, #tpu.memory_space<vmem_shared>>) target_semaphore(%run_scoped3A_154 : memref<!tpu.dma_semaphore, #tpu.memory_space<semaphore_mem>>)
      %dma_wait3A_159 = arith.constant 0 : i32
      %dma_wait3A_160 = tpu.memref_slice %arg10[%add3A_13, %dma_wait3A_159] : memref<10240x128xf32, #tpu.memory_space<vmem_shared>> -> memref<128x128xf32, #tpu.memory_space<vmem_shared>>
      %dma_wait3A_161 = arith.constant 0 : i32
      %dma_wait3A_162 = tpu.memref_slice %arg10[%add3A_13, %dma_wait3A_161] : memref<10240x128xf32, #tpu.memory_space<vmem_shared>> -> memref<128x128xf32, #tpu.memory_space<vmem_shared>>
      tpu.wait_dma2 semaphore(%run_scoped3A_154 : memref<!tpu.dma_semaphore, #tpu.memory_space<semaphore_mem>>) src(%arg7 : memref<128x128xf32, #tpu.memory_space<vmem>>) dst(%dma_wait3A_162 : memref<128x128xf32, #tpu.memory_space<vmem_shared>>)
      tpu.yield
    }) : () -> ()
    %add3A_14 = arith.constant 256 : i32
    %add3A_15 = arith.addi %mul3A_9, %add3A_14 : i32
    "tpu.region"() ({
      %run_scoped3A_154 = tpu.sem_alloc : memref<!tpu.dma_semaphore, #tpu.memory_space<semaphore_mem>>
      %dma_start3A_155 = arith.constant 0 : i32
      %dma_start3A_156 = tpu.memref_slice %arg10[%add3A_15, %dma_start3A_155] : memref<10240x128xf32, #tpu.memory_space<vmem_shared>> -> memref<128x128xf32, #tpu.memory_space<vmem_shared>>
      %dma_start3A_157 = arith.constant 0 : i32
      %dma_start3A_158 = tpu.memref_slice %arg10[%add3A_15, %dma_start3A_157] : memref<10240x128xf32, #tpu.memory_space<vmem_shared>> -> memref<128x128xf32, #tpu.memory_space<vmem_shared>>
      tpu.enqueue_dma source(%arg7 : memref<128x128xf32, #tpu.memory_space<vmem>>) target(%dma_start3A_158 : memref<128x128xf32, #tpu.memory_space<vmem_shared>>) target_semaphore(%run_scoped3A_154 : memref<!tpu.dma_semaphore, #tpu.memory_space<semaphore_mem>>)
      %dma_wait3A_159 = arith.constant 0 : i32
      %dma_wait3A_160 = tpu.memref_slice %arg10[%add3A_15, %dma_wait3A_159] : memref<10240x128xf32, #tpu.memory_space<vmem_shared>> -> memref<128x128xf32, #tpu.memory_space<vmem_shared>>
      %dma_wait3A_161 = arith.constant 0 : i32
      %dma_wait3A_162 = tpu.memref_slice %arg10[%add3A_15, %dma_wait3A_161] : memref<10240x128xf32, #tpu.memory_space<vmem_shared>> -> memref<128x128xf32, #tpu.memory_space<vmem_shared>>
      tpu.wait_dma2 semaphore(%run_scoped3A_154 : memref<!tpu.dma_semaphore, #tpu.memory_space<semaphore_mem>>) src(%arg7 : memref<128x128xf32, #tpu.memory_space<vmem>>) dst(%dma_wait3A_162 : memref<128x128xf32, #tpu.memory_space<vmem_shared>>)
      tpu.yield
    }) : () -> ()
    %add3A_16 = arith.constant 384 : i32
    %add3A_17 = arith.addi %mul3A_9, %add3A_16 : i32
    "tpu.region"() ({
      %run_scoped3A_154 = tpu.sem_alloc : memref<!tpu.dma_semaphore, #tpu.memory_space<semaphore_mem>>
      %dma_start3A_155 = arith.constant 0 : i32
      %dma_start3A_156 = tpu.memref_slice %arg10[%add3A_17, %dma_start3A_155] : memref<10240x128xf32, #tpu.memory_space<vmem_shared>> -> memref<128x128xf32, #tpu.memory_space<vmem_shared>>
      %dma_start3A_157 = arith.constant 0 : i32
      %dma_start3A_158 = tpu.memref_slice %arg10[%add3A_17, %dma_start3A_157] : memref<10240x128xf32, #tpu.memory_space<vmem_shared>> -> memref<128x128xf32, #tpu.memory_space<vmem_shared>>
      tpu.enqueue_dma source(%arg7 : memref<128x128xf32, #tpu.memory_space<vmem>>) target(%dma_start3A_158 : memref<128x128xf32, #tpu.memory_space<vmem_shared>>) target_semaphore(%run_scoped3A_154 : memref<!tpu.dma_semaphore, #tpu.memory_space<semaphore_mem>>)
      %dma_wait3A_159 = arith.constant 0 : i32
      %dma_wait3A_160 = tpu.memref_slice %arg10[%add3A_17, %dma_wait3A_159] : memref<10240x128xf32, #tpu.memory_space<vmem_shared>> -> memref<128x128xf32, #tpu.memory_space<vmem_shared>>
      %dma_wait3A_161 = arith.constant 0 : i32
      %dma_wait3A_162 = tpu.memref_slice %arg10[%add3A_17, %dma_wait3A_161] : memref<10240x128xf32, #tpu.memory_space<vmem_shared>> -> memref<128x128xf32, #tpu.memory_space<vmem_shared>>
      tpu.wait_dma2 semaphore(%run_scoped3A_154 : memref<!tpu.dma_semaphore, #tpu.memory_space<semaphore_mem>>) src(%arg7 : memref<128x128xf32, #tpu.memory_space<vmem>>) dst(%dma_wait3A_162 : memref<128x128xf32, #tpu.memory_space<vmem_shared>>)
      tpu.yield
    }) : () -> ()
    %add3A_18 = arith.constant 512 : i32
    %add3A_19 = arith.addi %mul3A_9, %add3A_18 : i32
    "tpu.region"() ({
      %run_scoped3A_154 = tpu.sem_alloc : memref<!tpu.dma_semaphore, #tpu.memory_space<semaphore_mem>>
      %dma_start3A_155 = arith.constant 0 : i32
      %dma_start3A_156 = tpu.memref_slice %arg10[%add3A_19, %dma_start3A_155] : memref<10240x128xf32, #tpu.memory_space<vmem_shared>> -> memref<128x128xf32, #tpu.memory_space<vmem_shared>>
      %dma_start3A_157 = arith.constant 0 : i32
      %dma_start3A_158 = tpu.memref_slice %arg10[%add3A_19, %dma_start3A_157] : memref<10240x128xf32, #tpu.memory_space<vmem_shared>> -> memref<128x128xf32, #tpu.memory_space<vmem_shared>>
      tpu.enqueue_dma source(%arg7 : memref<128x128xf32, #tpu.memory_space<vmem>>) target(%dma_start3A_158 : memref<128x128xf32, #tpu.memory_space<vmem_shared>>) target_semaphore(%run_scoped3A_154 : memref<!tpu.dma_semaphore, #tpu.memory_space<semaphore_mem>>)
      %dma_wait3A_159 = arith.constant 0 : i32
      %dma_wait3A_160 = tpu.memref_slice %arg10[%add3A_19, %dma_wait3A_159] : memref<10240x128xf32, #tpu.memory_space<vmem_shared>> -> memref<128x128xf32, #tpu.memory_space<vmem_shared>>
      %dma_wait3A_161 = arith.constant 0 : i32
      %dma_wait3A_162 = tpu.memref_slice %arg10[%add3A_19, %dma_wait3A_161] : memref<10240x128xf32, #tpu.memory_space<vmem_shared>> -> memref<128x128xf32, #tpu.memory_space<vmem_shared>>
      tpu.wait_dma2 semaphore(%run_scoped3A_154 : memref<!tpu.dma_semaphore, #tpu.memory_space<semaphore_mem>>) src(%arg7 : memref<128x128xf32, #tpu.memory_space<vmem>>) dst(%dma_wait3A_162 : memref<128x128xf32, #tpu.memory_space<vmem_shared>>)
      tpu.yield
    }) : () -> ()
    %swap3A = arith.constant 0 : index
    %swap3A_20 = tpu.vector_load %arg9[%swap3A] {strides = array<i32>} : memref<128xf32, #tpu.memory_space<vmem>>, vector<16xf32>,
    %swap3A_21 = vector.shape_cast %swap3A_20 : vector<16xf32> to vector<16xf32>
    %swap3A_22 = vector.shape_cast %broadcast_in_dim3A_3 : vector<16xf32> to vector<16xf32>
    tpu.vector_store %arg9[%swap3A], %swap3A_22 {strides = array<i32>} : memref<128xf32, #tpu.memory_space<vmem>>, vector<16xf32>,
    %swap3A_23 = arith.constant 16 : index
    %swap3A_24 = tpu.vector_load %arg9[%swap3A_23] {strides = array<i32>} : memref<128xf32, #tpu.memory_space<vmem>>, vector<16xf32>,
    %swap3A_25 = vector.shape_cast %swap3A_24 : vector<16xf32> to vector<16xf32>
    %swap3A_26 = vector.shape_cast %broadcast_in_dim3A_3 : vector<16xf32> to vector<16xf32>
    tpu.vector_store %arg9[%swap3A_23], %swap3A_26 {strides = array<i32>} : memref<128xf32, #tpu.memory_space<vmem>>, vector<16xf32>,
    %swap3A_27 = arith.constant 32 : index
    %swap3A_28 = tpu.vector_load %arg9[%swap3A_27] {strides = array<i32>} : memref<128xf32, #tpu.memory_space<vmem>>, vector<16xf32>,
    %swap3A_29 = vector.shape_cast %swap3A_28 : vector<16xf32> to vector<16xf32>
    %swap3A_30 = vector.shape_cast %broadcast_in_dim3A_3 : vector<16xf32> to vector<16xf32>
    tpu.vector_store %arg9[%swap3A_27], %swap3A_30 {strides = array<i32>} : memref<128xf32, #tpu.memory_space<vmem>>, vector<16xf32>,
    %swap3A_31 = arith.constant 48 : index
    %swap3A_32 = tpu.vector_load %arg9[%swap3A_31] {strides = array<i32>} : memref<128xf32, #tpu.memory_space<vmem>>, vector<16xf32>,
    %swap3A_33 = vector.shape_cast %swap3A_32 : vector<16xf32> to vector<16xf32>
    %swap3A_34 = vector.shape_cast %broadcast_in_dim3A_3 : vector<16xf32> to vector<16xf32>
    tpu.vector_store %arg9[%swap3A_31], %swap3A_34 {strides = array<i32>} : memref<128xf32, #tpu.memory_space<vmem>>, vector<16xf32>,
    %swap3A_35 = arith.constant 64 : index
    %swap3A_36 = tpu.vector_load %arg9[%swap3A_35] {strides = array<i32>} : memref<128xf32, #tpu.memory_space<vmem>>, vector<16xf32>,
    %swap3A_37 = vector.shape_cast %swap3A_36 : vector<16xf32> to vector<16xf32>
    %swap3A_38 = vector.shape_cast %broadcast_in_dim3A_3 : vector<16xf32> to vector<16xf32>
    tpu.vector_store %arg9[%swap3A_35], %swap3A_38 {strides = array<i32>} : memref<128xf32, #tpu.memory_space<vmem>>, vector<16xf32>,
    %swap3A_39 = arith.constant 80 : index
    %swap3A_40 = tpu.vector_load %arg9[%swap3A_39] {strides = array<i32>} : memref<128xf32, #tpu.memory_space<vmem>>, vector<16xf32>,
    %swap3A_41 = vector.shape_cast %swap3A_40 : vector<16xf32> to vector<16xf32>
    %swap3A_42 = vector.shape_cast %broadcast_in_dim3A_3 : vector<16xf32> to vector<16xf32>
    tpu.vector_store %arg9[%swap3A_39], %swap3A_42 {strides = array<i32>} : memref<128xf32, #tpu.memory_space<vmem>>, vector<16xf32>,
    %swap3A_43 = arith.constant 96 : index
    %swap3A_44 = tpu.vector_load %arg9[%swap3A_43] {strides = array<i32>} : memref<128xf32, #tpu.memory_space<vmem>>, vector<16xf32>,
    %swap3A_45 = vector.shape_cast %swap3A_44 : vector<16xf32> to vector<16xf32>
    %swap3A_46 = vector.shape_cast %broadcast_in_dim3A_3 : vector<16xf32> to vector<16xf32>
    tpu.vector_store %arg9[%swap3A_43], %swap3A_46 {strides = array<i32>} : memref<128xf32, #tpu.memory_space<vmem>>, vector<16xf32>,
    %swap3A_47 = arith.constant 112 : index
    %swap3A_48 = tpu.vector_load %arg9[%swap3A_47] {strides = array<i32>} : memref<128xf32, #tpu.memory_space<vmem>>, vector<16xf32>,
    %swap3A_49 = vector.shape_cast %swap3A_48 : vector<16xf32> to vector<16xf32>
    %swap3A_50 = vector.shape_cast %broadcast_in_dim3A_3 : vector<16xf32> to vector<16xf32>
    tpu.vector_store %arg9[%swap3A_47], %swap3A_50 {strides = array<i32>} : memref<128xf32, #tpu.memory_space<vmem>>, vector<16xf32>,
    %add3A_51 = arith.constant 0 : i32
    %add3A_52 = arith.addi %mul3A_9, %add3A_51 : i32
    %run_scoped3A = arith.constant 0 : i32
    "tpu.region"() ({
      %run_scoped3A_154 = tpu.sem_alloc : memref<!tpu.dma_semaphore, #tpu.memory_space<semaphore_mem>>
      %dma_start3A_155 = arith.constant 0 : i32
      %dma_start3A_156 = tpu.memref_slice %arg7[%run_scoped3A, %dma_start3A_155] : memref<128x128xf32, #tpu.memory_space<vmem>> -> memref<1x128xf32, #tpu.memory_space<vmem>>
      %dma_start3A_157 = tpu.memref_squeeze %dma_start3A_156 : memref<1x128xf32, #tpu.memory_space<vmem>> -> memref<128xf32, #tpu.memory_space<vmem>>
      %dma_start3A_158 = tpu.memref_slice %arg11[%add3A_52] : memref<10240xf32, #tpu.memory_space<vmem_shared>> -> memref<128xf32, #tpu.memory_space<vmem_shared>>
      %dma_start3A_159 = tpu.memref_slice %arg11[%add3A_52] : memref<10240xf32, #tpu.memory_space<vmem_shared>> -> memref<128xf32, #tpu.memory_space<vmem_shared>>
      %dma_start3A_160 = arith.constant 0 : i32
      %dma_start3A_161 = tpu.memref_slice %arg7[%run_scoped3A, %dma_start3A_160] : memref<128x128xf32, #tpu.memory_space<vmem>> -> memref<1x128xf32, #tpu.memory_space<vmem>>
      %dma_start3A_162 = tpu.memref_squeeze %dma_start3A_161 : memref<1x128xf32, #tpu.memory_space<vmem>> -> memref<128xf32, #tpu.memory_space<vmem>>
      tpu.enqueue_dma source(%dma_start3A_162 : memref<128xf32, #tpu.memory_space<vmem>>) target(%dma_start3A_159 : memref<128xf32, #tpu.memory_space<vmem_shared>>) target_semaphore(%run_scoped3A_154 : memref<!tpu.dma_semaphore, #tpu.memory_space<semaphore_mem>>)
      %dma_wait3A_163 = arith.constant 0 : i32
      %dma_wait3A_164 = tpu.memref_slice %arg7[%run_scoped3A, %dma_wait3A_163] : memref<128x128xf32, #tpu.memory_space<vmem>> -> memref<1x128xf32, #tpu.memory_space<vmem>>
      %dma_wait3A_165 = tpu.memref_squeeze %dma_wait3A_164 : memref<1x128xf32, #tpu.memory_space<vmem>> -> memref<128xf32, #tpu.memory_space<vmem>>
      %dma_wait3A_166 = tpu.memref_slice %arg11[%add3A_52] : memref<10240xf32, #tpu.memory_space<vmem_shared>> -> memref<128xf32, #tpu.memory_space<vmem_shared>>
      %dma_wait3A_167 = tpu.memref_slice %arg11[%add3A_52] : memref<10240xf32, #tpu.memory_space<vmem_shared>> -> memref<128xf32, #tpu.memory_space<vmem_shared>>
      %dma_wait3A_168 = arith.constant 0 : i32
      %dma_wait3A_169 = tpu.memref_slice %arg7[%run_scoped3A, %dma_wait3A_168] : memref<128x128xf32, #tpu.memory_space<vmem>> -> memref<1x128xf32, #tpu.memory_space<vmem>>
      %dma_wait3A_170 = tpu.memref_squeeze %dma_wait3A_169 : memref<1x128xf32, #tpu.memory_space<vmem>> -> memref<128xf32, #tpu.memory_space<vmem>>
      tpu.wait_dma2 semaphore(%run_scoped3A_154 : memref<!tpu.dma_semaphore, #tpu.memory_space<semaphore_mem>>) src(%dma_wait3A_170 : memref<128xf32, #tpu.memory_space<vmem>>) dst(%dma_wait3A_167 : memref<128xf32, #tpu.memory_space<vmem_shared>>)
      tpu.yield
    }) : () -> ()
    %add3A_53 = arith.constant 128 : i32
    %add3A_54 = arith.addi %mul3A_9, %add3A_53 : i32
    %run_scoped3A_55 = arith.constant 0 : i32
    "tpu.region"() ({
      %run_scoped3A_154 = tpu.sem_alloc : memref<!tpu.dma_semaphore, #tpu.memory_space<semaphore_mem>>
      %dma_start3A_155 = arith.constant 0 : i32
      %dma_start3A_156 = tpu.memref_slice %arg7[%run_scoped3A_55, %dma_start3A_155] : memref<128x128xf32, #tpu.memory_space<vmem>> -> memref<1x128xf32, #tpu.memory_space<vmem>>
      %dma_start3A_157 = tpu.memref_squeeze %dma_start3A_156 : memref<1x128xf32, #tpu.memory_space<vmem>> -> memref<128xf32, #tpu.memory_space<vmem>>
      %dma_start3A_158 = tpu.memref_slice %arg11[%add3A_54] : memref<10240xf32, #tpu.memory_space<vmem_shared>> -> memref<128xf32, #tpu.memory_space<vmem_shared>>
      %dma_start3A_159 = tpu.memref_slice %arg11[%add3A_54] : memref<10240xf32, #tpu.memory_space<vmem_shared>> -> memref<128xf32, #tpu.memory_space<vmem_shared>>
      %dma_start3A_160 = arith.constant 0 : i32
      %dma_start3A_161 = tpu.memref_slice %arg7[%run_scoped3A_55, %dma_start3A_160] : memref<128x128xf32, #tpu.memory_space<vmem>> -> memref<1x128xf32, #tpu.memory_space<vmem>>
      %dma_start3A_162 = tpu.memref_squeeze %dma_start3A_161 : memref<1x128xf32, #tpu.memory_space<vmem>> -> memref<128xf32, #tpu.memory_space<vmem>>
      tpu.enqueue_dma source(%dma_start3A_162 : memref<128xf32, #tpu.memory_space<vmem>>) target(%dma_start3A_159 : memref<128xf32, #tpu.memory_space<vmem_shared>>) target_semaphore(%run_scoped3A_154 : memref<!tpu.dma_semaphore, #tpu.memory_space<semaphore_mem>>)
      %dma_wait3A_163 = arith.constant 0 : i32
      %dma_wait3A_164 = tpu.memref_slice %arg7[%run_scoped3A_55, %dma_wait3A_163] : memref<128x128xf32, #tpu.memory_space<vmem>> -> memref<1x128xf32, #tpu.memory_space<vmem>>
      %dma_wait3A_165 = tpu.memref_squeeze %dma_wait3A_164 : memref<1x128xf32, #tpu.memory_space<vmem>> -> memref<128xf32, #tpu.memory_space<vmem>>
      %dma_wait3A_166 = tpu.memref_slice %arg11[%add3A_54] : memref<10240xf32, #tpu.memory_space<vmem_shared>> -> memref<128xf32, #tpu.memory_space<vmem_shared>>
      %dma_wait3A_167 = tpu.memref_slice %arg11[%add3A_54] : memref<10240xf32, #tpu.memory_space<vmem_shared>> -> memref<128xf32, #tpu.memory_space<vmem_shared>>
      %dma_wait3A_168 = arith.constant 0 : i32
      %dma_wait3A_169 = tpu.memref_slice %arg7[%run_scoped3A_55, %dma_wait3A_168] : memref<128x128xf32, #tpu.memory_space<vmem>> -> memref<1x128xf32, #tpu.memory_space<vmem>>
      %dma_wait3A_170 = tpu.memref_squeeze %dma_wait3A_169 : memref<1x128xf32, #tpu.memory_space<vmem>> -> memref<128xf32, #tpu.memory_space<vmem>>
      tpu.wait_dma2 semaphore(%run_scoped3A_154 : memref<!tpu.dma_semaphore, #tpu.memory_space<semaphore_mem>>) src(%dma_wait3A_170 : memref<128xf32, #tpu.memory_space<vmem>>) dst(%dma_wait3A_167 : memref<128xf32, #tpu.memory_space<vmem_shared>>)
      tpu.yield
    }) : () -> ()
    %add3A_56 = arith.constant 256 : i32
    %add3A_57 = arith.addi %mul3A_9, %add3A_56 : i32
    %run_scoped3A_58 = arith.constant 0 : i32
    "tpu.region"() ({
      %run_scoped3A_154 = tpu.sem_alloc : memref<!tpu.dma_semaphore, #tpu.memory_space<semaphore_mem>>
      %dma_start3A_155 = arith.constant 0 : i32
      %dma_start3A_156 = tpu.memref_slice %arg7[%run_scoped3A_58, %dma_start3A_155] : memref<128x128xf32, #tpu.memory_space<vmem>> -> memref<1x128xf32, #tpu.memory_space<vmem>>
      %dma_start3A_157 = tpu.memref_squeeze %dma_start3A_156 : memref<1x128xf32, #tpu.memory_space<vmem>> -> memref<128xf32, #tpu.memory_space<vmem>>
      %dma_start3A_158 = tpu.memref_slice %arg11[%add3A_57] : memref<10240xf32, #tpu.memory_space<vmem_shared>> -> memref<128xf32, #tpu.memory_space<vmem_shared>>
      %dma_start3A_159 = tpu.memref_slice %arg11[%add3A_57] : memref<10240xf32, #tpu.memory_space<vmem_shared>> -> memref<128xf32, #tpu.memory_space<vmem_shared>>
      %dma_start3A_160 = arith.constant 0 : i32
      %dma_start3A_161 = tpu.memref_slice %arg7[%run_scoped3A_58, %dma_start3A_160] : memref<128x128xf32, #tpu.memory_space<vmem>> -> memref<1x128xf32, #tpu.memory_space<vmem>>
      %dma_start3A_162 = tpu.memref_squeeze %dma_start3A_161 : memref<1x128xf32, #tpu.memory_space<vmem>> -> memref<128xf32, #tpu.memory_space<vmem>>
      tpu.enqueue_dma source(%dma_start3A_162 : memref<128xf32, #tpu.memory_space<vmem>>) target(%dma_start3A_159 : memref<128xf32, #tpu.memory_space<vmem_shared>>) target_semaphore(%run_scoped3A_154 : memref<!tpu.dma_semaphore, #tpu.memory_space<semaphore_mem>>)
      %dma_wait3A_163 = arith.constant 0 : i32
      %dma_wait3A_164 = tpu.memref_slice %arg7[%run_scoped3A_58, %dma_wait3A_163] : memref<128x128xf32, #tpu.memory_space<vmem>> -> memref<1x128xf32, #tpu.memory_space<vmem>>
      %dma_wait3A_165 = tpu.memref_squeeze %dma_wait3A_164 : memref<1x128xf32, #tpu.memory_space<vmem>> -> memref<128xf32, #tpu.memory_space<vmem>>
      %dma_wait3A_166 = tpu.memref_slice %arg11[%add3A_57] : memref<10240xf32, #tpu.memory_space<vmem_shared>> -> memref<128xf32, #tpu.memory_space<vmem_shared>>
      %dma_wait3A_167 = tpu.memref_slice %arg11[%add3A_57] : memref<10240xf32, #tpu.memory_space<vmem_shared>> -> memref<128xf32, #tpu.memory_space<vmem_shared>>
      %dma_wait3A_168 = arith.constant 0 : i32
      %dma_wait3A_169 = tpu.memref_slice %arg7[%run_scoped3A_58, %dma_wait3A_168] : memref<128x128xf32, #tpu.memory_space<vmem>> -> memref<1x128xf32, #tpu.memory_space<vmem>>
      %dma_wait3A_170 = tpu.memref_squeeze %dma_wait3A_169 : memref<1x128xf32, #tpu.memory_space<vmem>> -> memref<128xf32, #tpu.memory_space<vmem>>
      tpu.wait_dma2 semaphore(%run_scoped3A_154 : memref<!tpu.dma_semaphore, #tpu.memory_space<semaphore_mem>>) src(%dma_wait3A_170 : memref<128xf32, #tpu.memory_space<vmem>>) dst(%dma_wait3A_167 : memref<128xf32, #tpu.memory_space<vmem_shared>>)
      tpu.yield
    }) : () -> ()
    %add3A_59 = arith.constant 384 : i32
    %add3A_60 = arith.addi %mul3A_9, %add3A_59 : i32
    %run_scoped3A_61 = arith.constant 0 : i32
    "tpu.region"() ({
      %run_scoped3A_154 = tpu.sem_alloc : memref<!tpu.dma_semaphore, #tpu.memory_space<semaphore_mem>>
      %dma_start3A_155 = arith.constant 0 : i32
      %dma_start3A_156 = tpu.memref_slice %arg7[%run_scoped3A_61, %dma_start3A_155] : memref<128x128xf32, #tpu.memory_space<vmem>> -> memref<1x128xf32, #tpu.memory_space<vmem>>
      %dma_start3A_157 = tpu.memref_squeeze %dma_start3A_156 : memref<1x128xf32, #tpu.memory_space<vmem>> -> memref<128xf32, #tpu.memory_space<vmem>>
      %dma_start3A_158 = tpu.memref_slice %arg11[%add3A_60] : memref<10240xf32, #tpu.memory_space<vmem_shared>> -> memref<128xf32, #tpu.memory_space<vmem_shared>>
      %dma_start3A_159 = tpu.memref_slice %arg11[%add3A_60] : memref<10240xf32, #tpu.memory_space<vmem_shared>> -> memref<128xf32, #tpu.memory_space<vmem_shared>>
      %dma_start3A_160 = arith.constant 0 : i32
      %dma_start3A_161 = tpu.memref_slice %arg7[%run_scoped3A_61, %dma_start3A_160] : memref<128x128xf32, #tpu.memory_space<vmem>> -> memref<1x128xf32, #tpu.memory_space<vmem>>
      %dma_start3A_162 = tpu.memref_squeeze %dma_start3A_161 : memref<1x128xf32, #tpu.memory_space<vmem>> -> memref<128xf32, #tpu.memory_space<vmem>>
      tpu.enqueue_dma source(%dma_start3A_162 : memref<128xf32, #tpu.memory_space<vmem>>) target(%dma_start3A_159 : memref<128xf32, #tpu.memory_space<vmem_shared>>) target_semaphore(%run_scoped3A_154 : memref<!tpu.dma_semaphore, #tpu.memory_space<semaphore_mem>>)
      %dma_wait3A_163 = arith.constant 0 : i32
      %dma_wait3A_164 = tpu.memref_slice %arg7[%run_scoped3A_61, %dma_wait3A_163] : memref<128x128xf32, #tpu.memory_space<vmem>> -> memref<1x128xf32, #tpu.memory_space<vmem>>
      %dma_wait3A_165 = tpu.memref_squeeze %dma_wait3A_164 : memref<1x128xf32, #tpu.memory_space<vmem>> -> memref<128xf32, #tpu.memory_space<vmem>>
      %dma_wait3A_166 = tpu.memref_slice %arg11[%add3A_60] : memref<10240xf32, #tpu.memory_space<vmem_shared>> -> memref<128xf32, #tpu.memory_space<vmem_shared>>
      %dma_wait3A_167 = tpu.memref_slice %arg11[%add3A_60] : memref<10240xf32, #tpu.memory_space<vmem_shared>> -> memref<128xf32, #tpu.memory_space<vmem_shared>>
      %dma_wait3A_168 = arith.constant 0 : i32
      %dma_wait3A_169 = tpu.memref_slice %arg7[%run_scoped3A_61, %dma_wait3A_168] : memref<128x128xf32, #tpu.memory_space<vmem>> -> memref<1x128xf32, #tpu.memory_space<vmem>>
      %dma_wait3A_170 = tpu.memref_squeeze %dma_wait3A_169 : memref<1x128xf32, #tpu.memory_space<vmem>> -> memref<128xf32, #tpu.memory_space<vmem>>
      tpu.wait_dma2 semaphore(%run_scoped3A_154 : memref<!tpu.dma_semaphore, #tpu.memory_space<semaphore_mem>>) src(%dma_wait3A_170 : memref<128xf32, #tpu.memory_space<vmem>>) dst(%dma_wait3A_167 : memref<128xf32, #tpu.memory_space<vmem_shared>>)
      tpu.yield
    }) : () -> ()
    %add3A_62 = arith.constant 512 : i32
    %add3A_63 = arith.addi %mul3A_9, %add3A_62 : i32
    %run_scoped3A_64 = arith.constant 0 : i32
    "tpu.region"() ({
      %run_scoped3A_154 = tpu.sem_alloc : memref<!tpu.dma_semaphore, #tpu.memory_space<semaphore_mem>>
      %dma_start3A_155 = arith.constant 0 : i32
      %dma_start3A_156 = tpu.memref_slice %arg7[%run_scoped3A_64, %dma_start3A_155] : memref<128x128xf32, #tpu.memory_space<vmem>> -> memref<1x128xf32, #tpu.memory_space<vmem>>
      %dma_start3A_157 = tpu.memref_squeeze %dma_start3A_156 : memref<1x128xf32, #tpu.memory_space<vmem>> -> memref<128xf32, #tpu.memory_space<vmem>>
      %dma_start3A_158 = tpu.memref_slice %arg11[%add3A_63] : memref<10240xf32, #tpu.memory_space<vmem_shared>> -> memref<128xf32, #tpu.memory_space<vmem_shared>>
      %dma_start3A_159 = tpu.memref_slice %arg11[%add3A_63] : memref<10240xf32, #tpu.memory_space<vmem_shared>> -> memref<128xf32, #tpu.memory_space<vmem_shared>>
      %dma_start3A_160 = arith.constant 0 : i32
      %dma_start3A_161 = tpu.memref_slice %arg7[%run_scoped3A_64, %dma_start3A_160] : memref<128x128xf32, #tpu.memory_space<vmem>> -> memref<1x128xf32, #tpu.memory_space<vmem>>
      %dma_start3A_162 = tpu.memref_squeeze %dma_start3A_161 : memref<1x128xf32, #tpu.memory_space<vmem>> -> memref<128xf32, #tpu.memory_space<vmem>>
      tpu.enqueue_dma source(%dma_start3A_162 : memref<128xf32, #tpu.memory_space<vmem>>) target(%dma_start3A_159 : memref<128xf32, #tpu.memory_space<vmem_shared>>) target_semaphore(%run_scoped3A_154 : memref<!tpu.dma_semaphore, #tpu.memory_space<semaphore_mem>>)
      %dma_wait3A_163 = arith.constant 0 : i32
      %dma_wait3A_164 = tpu.memref_slice %arg7[%run_scoped3A_64, %dma_wait3A_163] : memref<128x128xf32, #tpu.memory_space<vmem>> -> memref<1x128xf32, #tpu.memory_space<vmem>>
      %dma_wait3A_165 = tpu.memref_squeeze %dma_wait3A_164 : memref<1x128xf32, #tpu.memory_space<vmem>> -> memref<128xf32, #tpu.memory_space<vmem>>
      %dma_wait3A_166 = tpu.memref_slice %arg11[%add3A_63] : memref<10240xf32, #tpu.memory_space<vmem_shared>> -> memref<128xf32, #tpu.memory_space<vmem_shared>>
      %dma_wait3A_167 = tpu.memref_slice %arg11[%add3A_63] : memref<10240xf32, #tpu.memory_space<vmem_shared>> -> memref<128xf32, #tpu.memory_space<vmem_shared>>
      %dma_wait3A_168 = arith.constant 0 : i32
      %dma_wait3A_169 = tpu.memref_slice %arg7[%run_scoped3A_64, %dma_wait3A_168] : memref<128x128xf32, #tpu.memory_space<vmem>> -> memref<1x128xf32, #tpu.memory_space<vmem>>
      %dma_wait3A_170 = tpu.memref_squeeze %dma_wait3A_169 : memref<1x128xf32, #tpu.memory_space<vmem>> -> memref<128xf32, #tpu.memory_space<vmem>>
      tpu.wait_dma2 semaphore(%run_scoped3A_154 : memref<!tpu.dma_semaphore, #tpu.memory_space<semaphore_mem>>) src(%dma_wait3A_170 : memref<128xf32, #tpu.memory_space<vmem>>) dst(%dma_wait3A_167 : memref<128xf32, #tpu.memory_space<vmem_shared>>)
      tpu.yield
    }) : () -> ()
    %barrier3A = arith.constant 0 : index
    tpu.barrier barrier_id(%barrier3A)
    "tpu.region"() ({
      %run_scoped3A_154 = tpu.sem_alloc : memref<!tpu.dma_semaphore, #tpu.memory_space<semaphore_mem>>
      %dma_start3A_155 = arith.constant 0 : i32
      %dma_start3A_156 = arith.constant 0 : i32
      %dma_start3A_157 = arith.constant 0 : i32
      %dma_start3A_158 = tpu.memref_slice %arg3[%add3A, %dma_start3A_155, %dma_start3A_156, %dma_start3A_157] : memref<32x80x2x128xi32, #tpu.memory_space<hbm>> -> memref<1x80x2x128xi32, #tpu.memory_space<hbm>>
      %dma_start3A_159 = tpu.memref_squeeze %dma_start3A_158 : memref<1x80x2x128xi32, #tpu.memory_space<hbm>> -> memref<80x2x128xi32, #tpu.memory_space<hbm>>
      %dma_start3A_160 = arith.constant 0 : i32
      %dma_start3A_161 = arith.constant 0 : i32
      %dma_start3A_162 = arith.constant 0 : i32
      %dma_start3A_163 = tpu.memref_slice %dma_start3A_159[%dma_start3A_160, %dma_start3A_161, %dma_start3A_162] : memref<80x2x128xi32, #tpu.memory_space<hbm>> -> memref<40x2x128xi32, #tpu.memory_space<hbm>>
      %dma_start3A_164 = arith.constant 0 : i32
      %dma_start3A_165 = arith.constant 0 : i32
      %dma_start3A_166 = arith.constant 0 : i32
      %dma_start3A_167 = tpu.memref_slice %arg3[%add3A, %dma_start3A_164, %dma_start3A_165, %dma_start3A_166] : memref<32x80x2x128xi32, #tpu.memory_space<hbm>> -> memref<1x80x2x128xi32, #tpu.memory_space<hbm>>
      %dma_start3A_168 = tpu.memref_squeeze %dma_start3A_167 : memref<1x80x2x128xi32, #tpu.memory_space<hbm>> -> memref<80x2x128xi32, #tpu.memory_space<hbm>>
      %dma_start3A_169 = arith.constant 0 : i32
      %dma_start3A_170 = arith.constant 0 : i32
      %dma_start3A_171 = arith.constant 0 : i32
      %dma_start3A_172 = tpu.memref_slice %dma_start3A_168[%dma_start3A_169, %dma_start3A_170, %dma_start3A_171] : memref<80x2x128xi32, #tpu.memory_space<hbm>> -> memref<40x2x128xi32, #tpu.memory_space<hbm>>
      tpu.enqueue_dma source(%dma_start3A_172 : memref<40x2x128xi32, #tpu.memory_space<hbm>>) target(%arg6 : memref<40x2x128xi32, #tpu.memory_space<vmem>>) target_semaphore(%run_scoped3A_154 : memref<!tpu.dma_semaphore, #tpu.memory_space<semaphore_mem>>)
      %dma_wait3A_173 = arith.constant 0 : i32
      %dma_wait3A_174 = arith.constant 0 : i32
      %dma_wait3A_175 = arith.constant 0 : i32
      %dma_wait3A_176 = tpu.memref_slice %arg3[%add3A, %dma_wait3A_173, %dma_wait3A_174, %dma_wait3A_175] : memref<32x80x2x128xi32, #tpu.memory_space<hbm>> -> memref<1x80x2x128xi32, #tpu.memory_space<hbm>>
      %dma_wait3A_177 = tpu.memref_squeeze %dma_wait3A_176 : memref<1x80x2x128xi32, #tpu.memory_space<hbm>> -> memref<80x2x128xi32, #tpu.memory_space<hbm>>
      %dma_wait3A_178 = arith.constant 0 : i32
      %dma_wait3A_179 = arith.constant 0 : i32
      %dma_wait3A_180 = arith.constant 0 : i32
      %dma_wait3A_181 = tpu.memref_slice %dma_wait3A_177[%dma_wait3A_178, %dma_wait3A_179, %dma_wait3A_180] : memref<80x2x128xi32, #tpu.memory_space<hbm>> -> memref<40x2x128xi32, #tpu.memory_space<hbm>>
      %dma_wait3A_182 = arith.constant 0 : i32
      %dma_wait3A_183 = arith.constant 0 : i32
      %dma_wait3A_184 = arith.constant 0 : i32
      %dma_wait3A_185 = tpu.memref_slice %arg3[%add3A, %dma_wait3A_182, %dma_wait3A_183, %dma_wait3A_184] : memref<32x80x2x128xi32, #tpu.memory_space<hbm>> -> memref<1x80x2x128xi32, #tpu.memory_space<hbm>>
      %dma_wait3A_186 = tpu.memref_squeeze %dma_wait3A_185 : memref<1x80x2x128xi32, #tpu.memory_space<hbm>> -> memref<80x2x128xi32, #tpu.memory_space<hbm>>
      %dma_wait3A_187 = arith.constant 0 : i32
      %dma_wait3A_188 = arith.constant 0 : i32
      %dma_wait3A_189 = arith.constant 0 : i32
      %dma_wait3A_190 = tpu.memref_slice %dma_wait3A_186[%dma_wait3A_187, %dma_wait3A_188, %dma_wait3A_189] : memref<80x2x128xi32, #tpu.memory_space<hbm>> -> memref<40x2x128xi32, #tpu.memory_space<hbm>>
      tpu.wait_dma2 semaphore(%run_scoped3A_154 : memref<!tpu.dma_semaphore, #tpu.memory_space<semaphore_mem>>) src(%dma_wait3A_190 : memref<40x2x128xi32, #tpu.memory_space<hbm>>) dst(%arg6 : memref<40x2x128xi32, #tpu.memory_space<vmem>>)
      tpu.yield
    }) : () -> ()
    %dma_start3A = arith.constant 0 : i32
    %dma_start3A_65 = arith.constant 0 : i32
    %dma_start3A_66 = arith.constant 0 : i32
    %dma_start3A_67 = tpu.memref_slice %arg6[%dma_start3A, %dma_start3A_65, %dma_start3A_66] : memref<40x2x128xi32, #tpu.memory_space<vmem>> -> memref<1x1x128xi32, #tpu.memory_space<vmem>>
    %dma_start3A_68 = tpu.memref_squeeze %dma_start3A_67 : memref<1x1x128xi32, #tpu.memory_space<vmem>> -> memref<128xi32, #tpu.memory_space<vmem>>
    %dma_start3A_69 = arith.constant 0 : i32
    %dma_start3A_70 = arith.constant 0 : i32
    %dma_start3A_71 = tpu.memref_slice %arg2[%dma_start3A_69, %dma_start3A_70] : memref<10000x128xf32, #tpu.memory_space<hbm>> -> memref<10000x128xf32, #tpu.memory_space<hbm>>
    tpu.enqueue_indirect_dma source(%dma_start3A_71 : memref<10000x128xf32, #tpu.memory_space<hbm>>) target(%arg7 : memref<128x128xf32, #tpu.memory_space<vmem>>) offsets(%dma_start3A_68 : memref<128xi32, #tpu.memory_space<vmem>>) semaphore(%arg12 : memref<!tpu.dma_semaphore, #tpu.memory_space<semaphore_mem>>)
    %dma_start3A_72 = arith.constant 1 : i32
    %dma_start3A_73 = arith.constant 0 : i32
    %dma_start3A_74 = arith.constant 0 : i32
    %dma_start3A_75 = tpu.memref_slice %arg6[%dma_start3A_72, %dma_start3A_73, %dma_start3A_74] : memref<40x2x128xi32, #tpu.memory_space<vmem>> -> memref<1x1x128xi32, #tpu.memory_space<vmem>>
    %dma_start3A_76 = tpu.memref_squeeze %dma_start3A_75 : memref<1x1x128xi32, #tpu.memory_space<vmem>> -> memref<128xi32, #tpu.memory_space<vmem>>
    %dma_start3A_77 = arith.constant 0 : i32
    %dma_start3A_78 = arith.constant 0 : i32
    %dma_start3A_79 = tpu.memref_slice %arg2[%dma_start3A_77, %dma_start3A_78] : memref<10000x128xf32, #tpu.memory_space<hbm>> -> memref<10000x128xf32, #tpu.memory_space<hbm>>
    tpu.enqueue_indirect_dma source(%dma_start3A_79 : memref<10000x128xf32, #tpu.memory_space<hbm>>) target(%arg8 : memref<128x128xf32, #tpu.memory_space<vmem>>) offsets(%dma_start3A_76 : memref<128xi32, #tpu.memory_space<vmem>>) semaphore(%arg13 : memref<!tpu.dma_semaphore, #tpu.memory_space<semaphore_mem>>)
    %scan3A_80 = arith.constant 0 : i32
    %scan3A_81 = arith.constant 19 : i32
    %scan3A_82 = arith.addi %scan3A_80, %scan3A_81 : i32
    %scan3A_83 = arith.constant 1 : i32
    scf.for %scan3A_154 = %scan3A_80 to %scan3A_82 step %scan3A_83  : i32 {
      %mul3A_155 = arith.constant 1 : i32
      %mul3A_156 = arith.muli %scan3A_154, %mul3A_155 : i32
      %add3A_157 = arith.constant 0 : i32
      %add3A_158 = arith.addi %add3A_157, %mul3A_156 : i32
      %mul3A_159 = arith.constant 2 : i32
      %mul3A_160 = arith.muli %add3A_158, %mul3A_159 : i32
      %dma_wait3A_161 = arith.constant 0 : i32
      %dma_wait3A_162 = arith.constant 0 : i32
      %dma_wait3A_163 = tpu.memref_slice %arg6[%mul3A_160, %dma_wait3A_161, %dma_wait3A_162] : memref<40x2x128xi32, #tpu.memory_space<vmem>> -> memref<1x1x128xi32, #tpu.memory_space<vmem>>
      %dma_wait3A_164 = tpu.memref_squeeze %dma_wait3A_163 : memref<1x1x128xi32, #tpu.memory_space<vmem>> -> memref<128xi32, #tpu.memory_space<vmem>>
      %dma_wait3A_165 = arith.constant 0 : i32
      %dma_wait3A_166 = arith.constant 0 : i32
      %dma_wait3A_167 = tpu.memref_slice %arg2[%dma_wait3A_165, %dma_wait3A_166] : memref<10000x128xf32, #tpu.memory_space<hbm>> -> memref<10000x128xf32, #tpu.memory_space<hbm>>
      tpu.wait_indirect_dma semaphore(%arg12 : memref<!tpu.dma_semaphore, #tpu.memory_space<semaphore_mem>>) src(%dma_wait3A_167 : memref<10000x128xf32, #tpu.memory_space<hbm>>) dst(%arg7 : memref<128x128xf32, #tpu.memory_space<vmem>>)
      %run_scoped3A_168 = arith.constant 1 : i32
      "tpu.region"() ({
        %run_scoped3A_201 = tpu.sem_alloc : memref<!tpu.dma_semaphore, #tpu.memory_space<semaphore_mem>>
        %dma_start3A_202 = arith.constant 0 : i32
        %dma_start3A_203 = tpu.memref_slice %arg6[%mul3A_160, %run_scoped3A_168, %dma_start3A_202] : memref<40x2x128xi32, #tpu.memory_space<vmem>> -> memref<1x1x128xi32, #tpu.memory_space<vmem>>
        %dma_start3A_204 = tpu.memref_squeeze %dma_start3A_203 : memref<1x1x128xi32, #tpu.memory_space<vmem>> -> memref<128xi32, #tpu.memory_space<vmem>>
        %dma_start3A_205 = arith.constant 0 : i32
        %dma_start3A_206 = arith.constant 0 : i32
        %dma_start3A_207 = tpu.memref_slice %arg10[%dma_start3A_205, %dma_start3A_206] : memref<10240x128xf32, #tpu.memory_space<vmem_shared>> -> memref<10240x128xf32, #tpu.memory_space<vmem_shared>>
        tpu.enqueue_indirect_dma source(%arg7 : memref<128x128xf32, #tpu.memory_space<vmem>>) target(%dma_start3A_207 : memref<10240x128xf32, #tpu.memory_space<vmem_shared>>) offsets(%dma_start3A_204 : memref<128xi32, #tpu.memory_space<vmem>>) semaphore(%run_scoped3A_201 : memref<!tpu.dma_semaphore, #tpu.memory_space<semaphore_mem>>) {add = true}
        %dma_wait3A_208 = arith.constant 0 : i32
        %dma_wait3A_209 = tpu.memref_slice %arg6[%mul3A_160, %run_scoped3A_168, %dma_wait3A_208] : memref<40x2x128xi32, #tpu.memory_space<vmem>> -> memref<1x1x128xi32, #tpu.memory_space<vmem>>
        %dma_wait3A_210 = tpu.memref_squeeze %dma_wait3A_209 : memref<1x1x128xi32, #tpu.memory_space<vmem>> -> memref<128xi32, #tpu.memory_space<vmem>>
        %dma_wait3A_211 = arith.constant 0 : i32
        %dma_wait3A_212 = arith.constant 0 : i32
        %dma_wait3A_213 = tpu.memref_slice %arg10[%dma_wait3A_211, %dma_wait3A_212] : memref<10240x128xf32, #tpu.memory_space<vmem_shared>> -> memref<10240x128xf32, #tpu.memory_space<vmem_shared>>
        tpu.wait_indirect_dma semaphore(%run_scoped3A_201 : memref<!tpu.dma_semaphore, #tpu.memory_space<semaphore_mem>>) src(%arg7 : memref<128x128xf32, #tpu.memory_space<vmem>>) dst(%dma_wait3A_213 : memref<10240x128xf32, #tpu.memory_space<vmem_shared>>)
        tpu.yield
      }) : () -> ()
      %run_scoped3A_169 = arith.constant 1 : i32
      "tpu.region"() ({
        %run_scoped3A_201 = tpu.sem_alloc : memref<!tpu.dma_semaphore, #tpu.memory_space<semaphore_mem>>
        %dma_start3A_202 = arith.constant 0 : i32
        %dma_start3A_203 = tpu.memref_slice %arg6[%mul3A_160, %run_scoped3A_169, %dma_start3A_202] : memref<40x2x128xi32, #tpu.memory_space<vmem>> -> memref<1x1x128xi32, #tpu.memory_space<vmem>>
        %dma_start3A_204 = tpu.memref_squeeze %dma_start3A_203 : memref<1x1x128xi32, #tpu.memory_space<vmem>> -> memref<128xi32, #tpu.memory_space<vmem>>
        %dma_start3A_205 = arith.constant 0 : i32
        %dma_start3A_206 = tpu.memref_slice %arg11[%dma_start3A_205] : memref<10240xf32, #tpu.memory_space<vmem_shared>> -> memref<10240xf32, #tpu.memory_space<vmem_shared>>
        tpu.enqueue_indirect_dma source(%arg9 : memref<128xf32, #tpu.memory_space<vmem>>) target(%dma_start3A_206 : memref<10240xf32, #tpu.memory_space<vmem_shared>>) offsets(%dma_start3A_204 : memref<128xi32, #tpu.memory_space<vmem>>) semaphore(%run_scoped3A_201 : memref<!tpu.dma_semaphore, #tpu.memory_space<semaphore_mem>>) {add = true}
        %dma_wait3A_207 = arith.constant 0 : i32
        %dma_wait3A_208 = tpu.memref_slice %arg6[%mul3A_160, %run_scoped3A_169, %dma_wait3A_207] : memref<40x2x128xi32, #tpu.memory_space<vmem>> -> memref<1x1x128xi32, #tpu.memory_space<vmem>>
        %dma_wait3A_209 = tpu.memref_squeeze %dma_wait3A_208 : memref<1x1x128xi32, #tpu.memory_space<vmem>> -> memref<128xi32, #tpu.memory_space<vmem>>
        %dma_wait3A_210 = arith.constant 0 : i32
        %dma_wait3A_211 = tpu.memref_slice %arg11[%dma_wait3A_210] : memref<10240xf32, #tpu.memory_space<vmem_shared>> -> memref<10240xf32, #tpu.memory_space<vmem_shared>>
        tpu.wait_indirect_dma semaphore(%run_scoped3A_201 : memref<!tpu.dma_semaphore, #tpu.memory_space<semaphore_mem>>) src(%arg9 : memref<128xf32, #tpu.memory_space<vmem>>) dst(%dma_wait3A_211 : memref<10240xf32, #tpu.memory_space<vmem_shared>>)
        tpu.yield
      }) : () -> ()
      %add3A_170 = arith.constant 2 : i32
      %add3A_171 = arith.addi %mul3A_160, %add3A_170 : i32
      %dma_start3A_172 = arith.constant 0 : i32
      %dma_start3A_173 = arith.constant 0 : i32
      %dma_start3A_174 = tpu.memref_slice %arg6[%add3A_171, %dma_start3A_172, %dma_start3A_173] : memref<40x2x128xi32, #tpu.memory_space<vmem>> -> memref<1x1x128xi32, #tpu.memory_space<vmem>>
      %dma_start3A_175 = tpu.memref_squeeze %dma_start3A_174 : memref<1x1x128xi32, #tpu.memory_space<vmem>> -> memref<128xi32, #tpu.memory_space<vmem>>
      %dma_start3A_176 = arith.constant 0 : i32
      %dma_start3A_177 = arith.constant 0 : i32
      %dma_start3A_178 = tpu.memref_slice %arg2[%dma_start3A_176, %dma_start3A_177] : memref<10000x128xf32, #tpu.memory_space<hbm>> -> memref<10000x128xf32, #tpu.memory_space<hbm>>
      tpu.enqueue_indirect_dma source(%dma_start3A_178 : memref<10000x128xf32, #tpu.memory_space<hbm>>) target(%arg7 : memref<128x128xf32, #tpu.memory_space<vmem>>) offsets(%dma_start3A_175 : memref<128xi32, #tpu.memory_space<vmem>>) semaphore(%arg12 : memref<!tpu.dma_semaphore, #tpu.memory_space<semaphore_mem>>)
      %add3A_179 = arith.constant 1 : i32
      %add3A_180 = arith.addi %mul3A_160, %add3A_179 : i32
      %dma_wait3A_181 = arith.constant 0 : i32
      %dma_wait3A_182 = arith.constant 0 : i32
      %dma_wait3A_183 = tpu.memref_slice %arg6[%add3A_180, %dma_wait3A_181, %dma_wait3A_182] : memref<40x2x128xi32, #tpu.memory_space<vmem>> -> memref<1x1x128xi32, #tpu.memory_space<vmem>>
      %dma_wait3A_184 = tpu.memref_squeeze %dma_wait3A_183 : memref<1x1x128xi32, #tpu.memory_space<vmem>> -> memref<128xi32, #tpu.memory_space<vmem>>
      %dma_wait3A_185 = arith.constant 0 : i32
      %dma_wait3A_186 = arith.constant 0 : i32
      %dma_wait3A_187 = tpu.memref_slice %arg2[%dma_wait3A_185, %dma_wait3A_186] : memref<10000x128xf32, #tpu.memory_space<hbm>> -> memref<10000x128xf32, #tpu.memory_space<hbm>>
      tpu.wait_indirect_dma semaphore(%arg13 : memref<!tpu.dma_semaphore, #tpu.memory_space<semaphore_mem>>) src(%dma_wait3A_187 : memref<10000x128xf32, #tpu.memory_space<hbm>>) dst(%arg8 : memref<128x128xf32, #tpu.memory_space<vmem>>)
      %add3A_188 = arith.constant 1 : i32
      %add3A_189 = arith.addi %mul3A_160, %add3A_188 : i32
      %run_scoped3A_190 = arith.constant 1 : i32
      "tpu.region"() ({
        %run_scoped3A_201 = tpu.sem_alloc : memref<!tpu.dma_semaphore, #tpu.memory_space<semaphore_mem>>
        %dma_start3A_202 = arith.constant 0 : i32
        %dma_start3A_203 = tpu.memref_slice %arg6[%add3A_189, %run_scoped3A_190, %dma_start3A_202] : memref<40x2x128xi32, #tpu.memory_space<vmem>> -> memref<1x1x128xi32, #tpu.memory_space<vmem>>
        %dma_start3A_204 = tpu.memref_squeeze %dma_start3A_203 : memref<1x1x128xi32, #tpu.memory_space<vmem>> -> memref<128xi32, #tpu.memory_space<vmem>>
        %dma_start3A_205 = arith.constant 0 : i32
        %dma_start3A_206 = arith.constant 0 : i32
        %dma_start3A_207 = tpu.memref_slice %arg10[%dma_start3A_205, %dma_start3A_206] : memref<10240x128xf32, #tpu.memory_space<vmem_shared>> -> memref<10240x128xf32, #tpu.memory_space<vmem_shared>>
        tpu.enqueue_indirect_dma source(%arg8 : memref<128x128xf32, #tpu.memory_space<vmem>>) target(%dma_start3A_207 : memref<10240x128xf32, #tpu.memory_space<vmem_shared>>) offsets(%dma_start3A_204 : memref<128xi32, #tpu.memory_space<vmem>>) semaphore(%run_scoped3A_201 : memref<!tpu.dma_semaphore, #tpu.memory_space<semaphore_mem>>) {add = true}
        %dma_wait3A_208 = arith.constant 0 : i32
        %dma_wait3A_209 = tpu.memref_slice %arg6[%add3A_189, %run_scoped3A_190, %dma_wait3A_208] : memref<40x2x128xi32, #tpu.memory_space<vmem>> -> memref<1x1x128xi32, #tpu.memory_space<vmem>>
        %dma_wait3A_210 = tpu.memref_squeeze %dma_wait3A_209 : memref<1x1x128xi32, #tpu.memory_space<vmem>> -> memref<128xi32, #tpu.memory_space<vmem>>
        %dma_wait3A_211 = arith.constant 0 : i32
        %dma_wait3A_212 = arith.constant 0 : i32
        %dma_wait3A_213 = tpu.memref_slice %arg10[%dma_wait3A_211, %dma_wait3A_212] : memref<10240x128xf32, #tpu.memory_space<vmem_shared>> -> memref<10240x128xf32, #tpu.memory_space<vmem_shared>>
        tpu.wait_indirect_dma semaphore(%run_scoped3A_201 : memref<!tpu.dma_semaphore, #tpu.memory_space<semaphore_mem>>) src(%arg8 : memref<128x128xf32, #tpu.memory_space<vmem>>) dst(%dma_wait3A_213 : memref<10240x128xf32, #tpu.memory_space<vmem_shared>>)
        tpu.yield
      }) : () -> ()
      %run_scoped3A_191 = arith.constant 1 : i32
      "tpu.region"() ({
        %run_scoped3A_201 = tpu.sem_alloc : memref<!tpu.dma_semaphore, #tpu.memory_space<semaphore_mem>>
        %dma_start3A_202 = arith.constant 0 : i32
        %dma_start3A_203 = tpu.memref_slice %arg6[%add3A_189, %run_scoped3A_191, %dma_start3A_202] : memref<40x2x128xi32, #tpu.memory_space<vmem>> -> memref<1x1x128xi32, #tpu.memory_space<vmem>>
        %dma_start3A_204 = tpu.memref_squeeze %dma_start3A_203 : memref<1x1x128xi32, #tpu.memory_space<vmem>> -> memref<128xi32, #tpu.memory_space<vmem>>
        %dma_start3A_205 = arith.constant 0 : i32
        %dma_start3A_206 = tpu.memref_slice %arg11[%dma_start3A_205] : memref<10240xf32, #tpu.memory_space<vmem_shared>> -> memref<10240xf32, #tpu.memory_space<vmem_shared>>
        tpu.enqueue_indirect_dma source(%arg9 : memref<128xf32, #tpu.memory_space<vmem>>) target(%dma_start3A_206 : memref<10240xf32, #tpu.memory_space<vmem_shared>>) offsets(%dma_start3A_204 : memref<128xi32, #tpu.memory_space<vmem>>) semaphore(%run_scoped3A_201 : memref<!tpu.dma_semaphore, #tpu.memory_space<semaphore_mem>>) {add = true}
        %dma_wait3A_207 = arith.constant 0 : i32
        %dma_wait3A_208 = tpu.memref_slice %arg6[%add3A_189, %run_scoped3A_191, %dma_wait3A_207] : memref<40x2x128xi32, #tpu.memory_space<vmem>> -> memref<1x1x128xi32, #tpu.memory_space<vmem>>
        %dma_wait3A_209 = tpu.memref_squeeze %dma_wait3A_208 : memref<1x1x128xi32, #tpu.memory_space<vmem>> -> memref<128xi32, #tpu.memory_space<vmem>>
        %dma_wait3A_210 = arith.constant 0 : i32
        %dma_wait3A_211 = tpu.memref_slice %arg11[%dma_wait3A_210] : memref<10240xf32, #tpu.memory_space<vmem_shared>> -> memref<10240xf32, #tpu.memory_space<vmem_shared>>
        tpu.wait_indirect_dma semaphore(%run_scoped3A_201 : memref<!tpu.dma_semaphore, #tpu.memory_space<semaphore_mem>>) src(%arg9 : memref<128xf32, #tpu.memory_space<vmem>>) dst(%dma_wait3A_211 : memref<10240xf32, #tpu.memory_space<vmem_shared>>)
        tpu.yield
      }) : () -> ()
      %add3A_192 = arith.constant 3 : i32
      %add3A_193 = arith.addi %mul3A_160, %add3A_192 : i32
      %dma_start3A_194 = arith.constant 0 : i32
      %dma_start3A_195 = arith.constant 0 : i32
      %dma_start3A_196 = tpu.memref_slice %arg6[%add3A_193, %dma_start3A_194, %dma_start3A_195] : memref<40x2x128xi32, #tpu.memory_space<vmem>> -> memref<1x1x128xi32, #tpu.memory_space<vmem>>
      %dma_start3A_197 = tpu.memref_squeeze %dma_start3A_196 : memref<1x1x128xi32, #tpu.memory_space<vmem>> -> memref<128xi32, #tpu.memory_space<vmem>>
      %dma_start3A_198 = arith.constant 0 : i32
      %dma_start3A_199 = arith.constant 0 : i32
      %dma_start3A_200 = tpu.memref_slice %arg2[%dma_start3A_198, %dma_start3A_199] : memref<10000x128xf32, #tpu.memory_space<hbm>> -> memref<10000x128xf32, #tpu.memory_space<hbm>>
      tpu.enqueue_indirect_dma source(%dma_start3A_200 : memref<10000x128xf32, #tpu.memory_space<hbm>>) target(%arg8 : memref<128x128xf32, #tpu.memory_space<vmem>>) offsets(%dma_start3A_197 : memref<128xi32, #tpu.memory_space<vmem>>) semaphore(%arg13 : memref<!tpu.dma_semaphore, #tpu.memory_space<semaphore_mem>>)
    }
    %scan3A_84 = arith.constant 19 : i32
    %dma_wait3A = arith.constant 38 : i32
    %dma_wait3A_85 = arith.constant 0 : i32
    %dma_wait3A_86 = arith.constant 0 : i32
    %dma_wait3A_87 = tpu.memref_slice %arg6[%dma_wait3A, %dma_wait3A_85, %dma_wait3A_86] : memref<40x2x128xi32, #tpu.memory_space<vmem>> -> memref<1x1x128xi32, #tpu.memory_space<vmem>>
    %dma_wait3A_88 = tpu.memref_squeeze %dma_wait3A_87 : memref<1x1x128xi32, #tpu.memory_space<vmem>> -> memref<128xi32, #tpu.memory_space<vmem>>
    %dma_wait3A_89 = arith.constant 0 : i32
    %dma_wait3A_90 = arith.constant 0 : i32
    %dma_wait3A_91 = tpu.memref_slice %arg2[%dma_wait3A_89, %dma_wait3A_90] : memref<10000x128xf32, #tpu.memory_space<hbm>> -> memref<10000x128xf32, #tpu.memory_space<hbm>>
    tpu.wait_indirect_dma semaphore(%arg12 : memref<!tpu.dma_semaphore, #tpu.memory_space<semaphore_mem>>) src(%dma_wait3A_91 : memref<10000x128xf32, #tpu.memory_space<hbm>>) dst(%arg7 : memref<128x128xf32, #tpu.memory_space<vmem>>)
    %run_scoped3A_92 = arith.constant 38 : i32
    %run_scoped3A_93 = arith.constant 1 : i32
    "tpu.region"() ({
      %run_scoped3A_154 = tpu.sem_alloc : memref<!tpu.dma_semaphore, #tpu.memory_space<semaphore_mem>>
      %dma_start3A_155 = arith.constant 0 : i32
      %dma_start3A_156 = tpu.memref_slice %arg6[%run_scoped3A_92, %run_scoped3A_93, %dma_start3A_155] : memref<40x2x128xi32, #tpu.memory_space<vmem>> -> memref<1x1x128xi32, #tpu.memory_space<vmem>>
      %dma_start3A_157 = tpu.memref_squeeze %dma_start3A_156 : memref<1x1x128xi32, #tpu.memory_space<vmem>> -> memref<128xi32, #tpu.memory_space<vmem>>
      %dma_start3A_158 = arith.constant 0 : i32
      %dma_start3A_159 = arith.constant 0 : i32
      %dma_start3A_160 = tpu.memref_slice %arg10[%dma_start3A_158, %dma_start3A_159] : memref<10240x128xf32, #tpu.memory_space<vmem_shared>> -> memref<10240x128xf32, #tpu.memory_space<vmem_shared>>
      tpu.enqueue_indirect_dma source(%arg7 : memref<128x128xf32, #tpu.memory_space<vmem>>) target(%dma_start3A_160 : memref<10240x128xf32, #tpu.memory_space<vmem_shared>>) offsets(%dma_start3A_157 : memref<128xi32, #tpu.memory_space<vmem>>) semaphore(%run_scoped3A_154 : memref<!tpu.dma_semaphore, #tpu.memory_space<semaphore_mem>>) {add = true}
      %dma_wait3A_161 = arith.constant 0 : i32
      %dma_wait3A_162 = tpu.memref_slice %arg6[%run_scoped3A_92, %run_scoped3A_93, %dma_wait3A_161] : memref<40x2x128xi32, #tpu.memory_space<vmem>> -> memref<1x1x128xi32, #tpu.memory_space<vmem>>
      %dma_wait3A_163 = tpu.memref_squeeze %dma_wait3A_162 : memref<1x1x128xi32, #tpu.memory_space<vmem>> -> memref<128xi32, #tpu.memory_space<vmem>>
      %dma_wait3A_164 = arith.constant 0 : i32
      %dma_wait3A_165 = arith.constant 0 : i32
      %dma_wait3A_166 = tpu.memref_slice %arg10[%dma_wait3A_164, %dma_wait3A_165] : memref<10240x128xf32, #tpu.memory_space<vmem_shared>> -> memref<10240x128xf32, #tpu.memory_space<vmem_shared>>
      tpu.wait_indirect_dma semaphore(%run_scoped3A_154 : memref<!tpu.dma_semaphore, #tpu.memory_space<semaphore_mem>>) src(%arg7 : memref<128x128xf32, #tpu.memory_space<vmem>>) dst(%dma_wait3A_166 : memref<10240x128xf32, #tpu.memory_space<vmem_shared>>)
      tpu.yield
    }) : () -> ()
    %run_scoped3A_94 = arith.constant 38 : i32
    %run_scoped3A_95 = arith.constant 1 : i32
    "tpu.region"() ({
      %run_scoped3A_154 = tpu.sem_alloc : memref<!tpu.dma_semaphore, #tpu.memory_space<semaphore_mem>>
      %dma_start3A_155 = arith.constant 0 : i32
      %dma_start3A_156 = tpu.memref_slice %arg6[%run_scoped3A_94, %run_scoped3A_95, %dma_start3A_155] : memref<40x2x128xi32, #tpu.memory_space<vmem>> -> memref<1x1x128xi32, #tpu.memory_space<vmem>>
      %dma_start3A_157 = tpu.memref_squeeze %dma_start3A_156 : memref<1x1x128xi32, #tpu.memory_space<vmem>> -> memref<128xi32, #tpu.memory_space<vmem>>
      %dma_start3A_158 = arith.constant 0 : i32
      %dma_start3A_159 = tpu.memref_slice %arg11[%dma_start3A_158] : memref<10240xf32, #tpu.memory_space<vmem_shared>> -> memref<10240xf32, #tpu.memory_space<vmem_shared>>
      tpu.enqueue_indirect_dma source(%arg9 : memref<128xf32, #tpu.memory_space<vmem>>) target(%dma_start3A_159 : memref<10240xf32, #tpu.memory_space<vmem_shared>>) offsets(%dma_start3A_157 : memref<128xi32, #tpu.memory_space<vmem>>) semaphore(%run_scoped3A_154 : memref<!tpu.dma_semaphore, #tpu.memory_space<semaphore_mem>>) {add = true}
      %dma_wait3A_160 = arith.constant 0 : i32
      %dma_wait3A_161 = tpu.memref_slice %arg6[%run_scoped3A_94, %run_scoped3A_95, %dma_wait3A_160] : memref<40x2x128xi32, #tpu.memory_space<vmem>> -> memref<1x1x128xi32, #tpu.memory_space<vmem>>
      %dma_wait3A_162 = tpu.memref_squeeze %dma_wait3A_161 : memref<1x1x128xi32, #tpu.memory_space<vmem>> -> memref<128xi32, #tpu.memory_space<vmem>>
      %dma_wait3A_163 = arith.constant 0 : i32
      %dma_wait3A_164 = tpu.memref_slice %arg11[%dma_wait3A_163] : memref<10240xf32, #tpu.memory_space<vmem_shared>> -> memref<10240xf32, #tpu.memory_space<vmem_shared>>
      tpu.wait_indirect_dma semaphore(%run_scoped3A_154 : memref<!tpu.dma_semaphore, #tpu.memory_space<semaphore_mem>>) src(%arg9 : memref<128xf32, #tpu.memory_space<vmem>>) dst(%dma_wait3A_164 : memref<10240xf32, #tpu.memory_space<vmem_shared>>)
      tpu.yield
    }) : () -> ()
    %dma_wait3A_96 = arith.constant 39 : i32
    %dma_wait3A_97 = arith.constant 0 : i32
    %dma_wait3A_98 = arith.constant 0 : i32
    %dma_wait3A_99 = tpu.memref_slice %arg6[%dma_wait3A_96, %dma_wait3A_97, %dma_wait3A_98] : memref<40x2x128xi32, #tpu.memory_space<vmem>> -> memref<1x1x128xi32, #tpu.memory_space<vmem>>
    %dma_wait3A_100 = tpu.memref_squeeze %dma_wait3A_99 : memref<1x1x128xi32, #tpu.memory_space<vmem>> -> memref<128xi32, #tpu.memory_space<vmem>>
    %dma_wait3A_101 = arith.constant 0 : i32
    %dma_wait3A_102 = arith.constant 0 : i32
    %dma_wait3A_103 = tpu.memref_slice %arg2[%dma_wait3A_101, %dma_wait3A_102] : memref<10000x128xf32, #tpu.memory_space<hbm>> -> memref<10000x128xf32, #tpu.memory_space<hbm>>
    tpu.wait_indirect_dma semaphore(%arg13 : memref<!tpu.dma_semaphore, #tpu.memory_space<semaphore_mem>>) src(%dma_wait3A_103 : memref<10000x128xf32, #tpu.memory_space<hbm>>) dst(%arg8 : memref<128x128xf32, #tpu.memory_space<vmem>>)
    %run_scoped3A_104 = arith.constant 39 : i32
    %run_scoped3A_105 = arith.constant 1 : i32
    "tpu.region"() ({
      %run_scoped3A_154 = tpu.sem_alloc : memref<!tpu.dma_semaphore, #tpu.memory_space<semaphore_mem>>
      %dma_start3A_155 = arith.constant 0 : i32
      %dma_start3A_156 = tpu.memref_slice %arg6[%run_scoped3A_104, %run_scoped3A_105, %dma_start3A_155] : memref<40x2x128xi32, #tpu.memory_space<vmem>> -> memref<1x1x128xi32, #tpu.memory_space<vmem>>
      %dma_start3A_157 = tpu.memref_squeeze %dma_start3A_156 : memref<1x1x128xi32, #tpu.memory_space<vmem>> -> memref<128xi32, #tpu.memory_space<vmem>>
      %dma_start3A_158 = arith.constant 0 : i32
      %dma_start3A_159 = arith.constant 0 : i32
      %dma_start3A_160 = tpu.memref_slice %arg10[%dma_start3A_158, %dma_start3A_159] : memref<10240x128xf32, #tpu.memory_space<vmem_shared>> -> memref<10240x128xf32, #tpu.memory_space<vmem_shared>>
      tpu.enqueue_indirect_dma source(%arg8 : memref<128x128xf32, #tpu.memory_space<vmem>>) target(%dma_start3A_160 : memref<10240x128xf32, #tpu.memory_space<vmem_shared>>) offsets(%dma_start3A_157 : memref<128xi32, #tpu.memory_space<vmem>>) semaphore(%run_scoped3A_154 : memref<!tpu.dma_semaphore, #tpu.memory_space<semaphore_mem>>) {add = true}
      %dma_wait3A_161 = arith.constant 0 : i32
      %dma_wait3A_162 = tpu.memref_slice %arg6[%run_scoped3A_104, %run_scoped3A_105, %dma_wait3A_161] : memref<40x2x128xi32, #tpu.memory_space<vmem>> -> memref<1x1x128xi32, #tpu.memory_space<vmem>>
      %dma_wait3A_163 = tpu.memref_squeeze %dma_wait3A_162 : memref<1x1x128xi32, #tpu.memory_space<vmem>> -> memref<128xi32, #tpu.memory_space<vmem>>
      %dma_wait3A_164 = arith.constant 0 : i32
      %dma_wait3A_165 = arith.constant 0 : i32
      %dma_wait3A_166 = tpu.memref_slice %arg10[%dma_wait3A_164, %dma_wait3A_165] : memref<10240x128xf32, #tpu.memory_space<vmem_shared>> -> memref<10240x128xf32, #tpu.memory_space<vmem_shared>>
      tpu.wait_indirect_dma semaphore(%run_scoped3A_154 : memref<!tpu.dma_semaphore, #tpu.memory_space<semaphore_mem>>) src(%arg8 : memref<128x128xf32, #tpu.memory_space<vmem>>) dst(%dma_wait3A_166 : memref<10240x128xf32, #tpu.memory_space<vmem_shared>>)
      tpu.yield
    }) : () -> ()
    %run_scoped3A_106 = arith.constant 39 : i32
    %run_scoped3A_107 = arith.constant 1 : i32
    "tpu.region"() ({
      %run_scoped3A_154 = tpu.sem_alloc : memref<!tpu.dma_semaphore, #tpu.memory_space<semaphore_mem>>
      %dma_start3A_155 = arith.constant 0 : i32
      %dma_start3A_156 = tpu.memref_slice %arg6[%run_scoped3A_106, %run_scoped3A_107, %dma_start3A_155] : memref<40x2x128xi32, #tpu.memory_space<vmem>> -> memref<1x1x128xi32, #tpu.memory_space<vmem>>
      %dma_start3A_157 = tpu.memref_squeeze %dma_start3A_156 : memref<1x1x128xi32, #tpu.memory_space<vmem>> -> memref<128xi32, #tpu.memory_space<vmem>>
      %dma_start3A_158 = arith.constant 0 : i32
      %dma_start3A_159 = tpu.memref_slice %arg11[%dma_start3A_158] : memref<10240xf32, #tpu.memory_space<vmem_shared>> -> memref<10240xf32, #tpu.memory_space<vmem_shared>>
      tpu.enqueue_indirect_dma source(%arg9 : memref<128xf32, #tpu.memory_space<vmem>>) target(%dma_start3A_159 : memref<10240xf32, #tpu.memory_space<vmem_shared>>) offsets(%dma_start3A_157 : memref<128xi32, #tpu.memory_space<vmem>>) semaphore(%run_scoped3A_154 : memref<!tpu.dma_semaphore, #tpu.memory_space<semaphore_mem>>) {add = true}
      %dma_wait3A_160 = arith.constant 0 : i32
      %dma_wait3A_161 = tpu.memref_slice %arg6[%run_scoped3A_106, %run_scoped3A_107, %dma_wait3A_160] : memref<40x2x128xi32, #tpu.memory_space<vmem>> -> memref<1x1x128xi32, #tpu.memory_space<vmem>>
      %dma_wait3A_162 = tpu.memref_squeeze %dma_wait3A_161 : memref<1x1x128xi32, #tpu.memory_space<vmem>> -> memref<128xi32, #tpu.memory_space<vmem>>
      %dma_wait3A_163 = arith.constant 0 : i32
      %dma_wait3A_164 = tpu.memref_slice %arg11[%dma_wait3A_163] : memref<10240xf32, #tpu.memory_space<vmem_shared>> -> memref<10240xf32, #tpu.memory_space<vmem_shared>>
      tpu.wait_indirect_dma semaphore(%run_scoped3A_154 : memref<!tpu.dma_semaphore, #tpu.memory_space<semaphore_mem>>) src(%arg9 : memref<128xf32, #tpu.memory_space<vmem>>) dst(%dma_wait3A_164 : memref<10240xf32, #tpu.memory_space<vmem_shared>>)
      tpu.yield
    }) : () -> ()
    "tpu.region"() ({
      %run_scoped3A_154 = tpu.sem_alloc : memref<!tpu.dma_semaphore, #tpu.memory_space<semaphore_mem>>
      %dma_start3A_155 = arith.constant 0 : i32
      %dma_start3A_156 = arith.constant 0 : i32
      %dma_start3A_157 = arith.constant 0 : i32
      %dma_start3A_158 = tpu.memref_slice %arg3[%add3A, %dma_start3A_155, %dma_start3A_156, %dma_start3A_157] : memref<32x80x2x128xi32, #tpu.memory_space<hbm>> -> memref<1x80x2x128xi32, #tpu.memory_space<hbm>>
      %dma_start3A_159 = tpu.memref_squeeze %dma_start3A_158 : memref<1x80x2x128xi32, #tpu.memory_space<hbm>> -> memref<80x2x128xi32, #tpu.memory_space<hbm>>
      %dma_start3A_160 = arith.constant 40 : i32
      %dma_start3A_161 = arith.constant 0 : i32
      %dma_start3A_162 = arith.constant 0 : i32
      %dma_start3A_163 = tpu.memref_slice %dma_start3A_159[%dma_start3A_160, %dma_start3A_161, %dma_start3A_162] : memref<80x2x128xi32, #tpu.memory_space<hbm>> -> memref<40x2x128xi32, #tpu.memory_space<hbm>>
      %dma_start3A_164 = arith.constant 0 : i32
      %dma_start3A_165 = arith.constant 0 : i32
      %dma_start3A_166 = arith.constant 0 : i32
      %dma_start3A_167 = tpu.memref_slice %arg3[%add3A, %dma_start3A_164, %dma_start3A_165, %dma_start3A_166] : memref<32x80x2x128xi32, #tpu.memory_space<hbm>> -> memref<1x80x2x128xi32, #tpu.memory_space<hbm>>
      %dma_start3A_168 = tpu.memref_squeeze %dma_start3A_167 : memref<1x80x2x128xi32, #tpu.memory_space<hbm>> -> memref<80x2x128xi32, #tpu.memory_space<hbm>>
      %dma_start3A_169 = arith.constant 40 : i32
      %dma_start3A_170 = arith.constant 0 : i32
      %dma_start3A_171 = arith.constant 0 : i32
      %dma_start3A_172 = tpu.memref_slice %dma_start3A_168[%dma_start3A_169, %dma_start3A_170, %dma_start3A_171] : memref<80x2x128xi32, #tpu.memory_space<hbm>> -> memref<40x2x128xi32, #tpu.memory_space<hbm>>
      tpu.enqueue_dma source(%dma_start3A_172 : memref<40x2x128xi32, #tpu.memory_space<hbm>>) target(%arg6 : memref<40x2x128xi32, #tpu.memory_space<vmem>>) target_semaphore(%run_scoped3A_154 : memref<!tpu.dma_semaphore, #tpu.memory_space<semaphore_mem>>)
      %dma_wait3A_173 = arith.constant 0 : i32
      %dma_wait3A_174 = arith.constant 0 : i32
      %dma_wait3A_175 = arith.constant 0 : i32
      %dma_wait3A_176 = tpu.memref_slice %arg3[%add3A, %dma_wait3A_173, %dma_wait3A_174, %dma_wait3A_175] : memref<32x80x2x128xi32, #tpu.memory_space<hbm>> -> memref<1x80x2x128xi32, #tpu.memory_space<hbm>>
      %dma_wait3A_177 = tpu.memref_squeeze %dma_wait3A_176 : memref<1x80x2x128xi32, #tpu.memory_space<hbm>> -> memref<80x2x128xi32, #tpu.memory_space<hbm>>
      %dma_wait3A_178 = arith.constant 40 : i32
      %dma_wait3A_179 = arith.constant 0 : i32
      %dma_wait3A_180 = arith.constant 0 : i32
      %dma_wait3A_181 = tpu.memref_slice %dma_wait3A_177[%dma_wait3A_178, %dma_wait3A_179, %dma_wait3A_180] : memref<80x2x128xi32, #tpu.memory_space<hbm>> -> memref<40x2x128xi32, #tpu.memory_space<hbm>>
      %dma_wait3A_182 = arith.constant 0 : i32
      %dma_wait3A_183 = arith.constant 0 : i32
      %dma_wait3A_184 = arith.constant 0 : i32
      %dma_wait3A_185 = tpu.memref_slice %arg3[%add3A, %dma_wait3A_182, %dma_wait3A_183, %dma_wait3A_184] : memref<32x80x2x128xi32, #tpu.memory_space<hbm>> -> memref<1x80x2x128xi32, #tpu.memory_space<hbm>>
      %dma_wait3A_186 = tpu.memref_squeeze %dma_wait3A_185 : memref<1x80x2x128xi32, #tpu.memory_space<hbm>> -> memref<80x2x128xi32, #tpu.memory_space<hbm>>
      %dma_wait3A_187 = arith.constant 40 : i32
      %dma_wait3A_188 = arith.constant 0 : i32
      %dma_wait3A_189 = arith.constant 0 : i32
      %dma_wait3A_190 = tpu.memref_slice %dma_wait3A_186[%dma_wait3A_187, %dma_wait3A_188, %dma_wait3A_189] : memref<80x2x128xi32, #tpu.memory_space<hbm>> -> memref<40x2x128xi32, #tpu.memory_space<hbm>>
      tpu.wait_dma2 semaphore(%run_scoped3A_154 : memref<!tpu.dma_semaphore, #tpu.memory_space<semaphore_mem>>) src(%dma_wait3A_190 : memref<40x2x128xi32, #tpu.memory_space<hbm>>) dst(%arg6 : memref<40x2x128xi32, #tpu.memory_space<vmem>>)
      tpu.yield
    }) : () -> ()
    %dma_start3A_108 = arith.constant 0 : i32
    %dma_start3A_109 = arith.constant 0 : i32
    %dma_start3A_110 = arith.constant 0 : i32
    %dma_start3A_111 = tpu.memref_slice %arg6[%dma_start3A_108, %dma_start3A_109, %dma_start3A_110] : memref<40x2x128xi32, #tpu.memory_space<vmem>> -> memref<1x1x128xi32, #tpu.memory_space<vmem>>
    %dma_start3A_112 = tpu.memref_squeeze %dma_start3A_111 : memref<1x1x128xi32, #tpu.memory_space<vmem>> -> memref<128xi32, #tpu.memory_space<vmem>>
    %dma_start3A_113 = arith.constant 0 : i32
    %dma_start3A_114 = arith.constant 0 : i32
    %dma_start3A_115 = tpu.memref_slice %arg2[%dma_start3A_113, %dma_start3A_114] : memref<10000x128xf32, #tpu.memory_space<hbm>> -> memref<10000x128xf32, #tpu.memory_space<hbm>>
    tpu.enqueue_indirect_dma source(%dma_start3A_115 : memref<10000x128xf32, #tpu.memory_space<hbm>>) target(%arg7 : memref<128x128xf32, #tpu.memory_space<vmem>>) offsets(%dma_start3A_112 : memref<128xi32, #tpu.memory_space<vmem>>) semaphore(%arg12 : memref<!tpu.dma_semaphore, #tpu.memory_space<semaphore_mem>>)
    %dma_start3A_116 = arith.constant 1 : i32
    %dma_start3A_117 = arith.constant 0 : i32
    %dma_start3A_118 = arith.constant 0 : i32
    %dma_start3A_119 = tpu.memref_slice %arg6[%dma_start3A_116, %dma_start3A_117, %dma_start3A_118] : memref<40x2x128xi32, #tpu.memory_space<vmem>> -> memref<1x1x128xi32, #tpu.memory_space<vmem>>
    %dma_start3A_120 = tpu.memref_squeeze %dma_start3A_119 : memref<1x1x128xi32, #tpu.memory_space<vmem>> -> memref<128xi32, #tpu.memory_space<vmem>>
    %dma_start3A_121 = arith.constant 0 : i32
    %dma_start3A_122 = arith.constant 0 : i32
    %dma_start3A_123 = tpu.memref_slice %arg2[%dma_start3A_121, %dma_start3A_122] : memref<10000x128xf32, #tpu.memory_space<hbm>> -> memref<10000x128xf32, #tpu.memory_space<hbm>>
    tpu.enqueue_indirect_dma source(%dma_start3A_123 : memref<10000x128xf32, #tpu.memory_space<hbm>>) target(%arg8 : memref<128x128xf32, #tpu.memory_space<vmem>>) offsets(%dma_start3A_120 : memref<128xi32, #tpu.memory_space<vmem>>) semaphore(%arg13 : memref<!tpu.dma_semaphore, #tpu.memory_space<semaphore_mem>>)
    %scan3A_124 = arith.constant 0 : i32
    %scan3A_125 = arith.constant 19 : i32
    %scan3A_126 = arith.addi %scan3A_124, %scan3A_125 : i32
    %scan3A_127 = arith.constant 1 : i32
    scf.for %scan3A_154 = %scan3A_124 to %scan3A_126 step %scan3A_127  : i32 {
      %mul3A_155 = arith.constant 1 : i32
      %mul3A_156 = arith.muli %scan3A_154, %mul3A_155 : i32
      %add3A_157 = arith.constant 0 : i32
      %add3A_158 = arith.addi %add3A_157, %mul3A_156 : i32
      %mul3A_159 = arith.constant 2 : i32
      %mul3A_160 = arith.muli %add3A_158, %mul3A_159 : i32
      %dma_wait3A_161 = arith.constant 0 : i32
      %dma_wait3A_162 = arith.constant 0 : i32
      %dma_wait3A_163 = tpu.memref_slice %arg6[%mul3A_160, %dma_wait3A_161, %dma_wait3A_162] : memref<40x2x128xi32, #tpu.memory_space<vmem>> -> memref<1x1x128xi32, #tpu.memory_space<vmem>>
      %dma_wait3A_164 = tpu.memref_squeeze %dma_wait3A_163 : memref<1x1x128xi32, #tpu.memory_space<vmem>> -> memref<128xi32, #tpu.memory_space<vmem>>
      %dma_wait3A_165 = arith.constant 0 : i32
      %dma_wait3A_166 = arith.constant 0 : i32
      %dma_wait3A_167 = tpu.memref_slice %arg2[%dma_wait3A_165, %dma_wait3A_166] : memref<10000x128xf32, #tpu.memory_space<hbm>> -> memref<10000x128xf32, #tpu.memory_space<hbm>>
      tpu.wait_indirect_dma semaphore(%arg12 : memref<!tpu.dma_semaphore, #tpu.memory_space<semaphore_mem>>) src(%dma_wait3A_167 : memref<10000x128xf32, #tpu.memory_space<hbm>>) dst(%arg7 : memref<128x128xf32, #tpu.memory_space<vmem>>)
      %run_scoped3A_168 = arith.constant 1 : i32
      "tpu.region"() ({
        %run_scoped3A_201 = tpu.sem_alloc : memref<!tpu.dma_semaphore, #tpu.memory_space<semaphore_mem>>
        %dma_start3A_202 = arith.constant 0 : i32
        %dma_start3A_203 = tpu.memref_slice %arg6[%mul3A_160, %run_scoped3A_168, %dma_start3A_202] : memref<40x2x128xi32, #tpu.memory_space<vmem>> -> memref<1x1x128xi32, #tpu.memory_space<vmem>>
        %dma_start3A_204 = tpu.memref_squeeze %dma_start3A_203 : memref<1x1x128xi32, #tpu.memory_space<vmem>> -> memref<128xi32, #tpu.memory_space<vmem>>
        %dma_start3A_205 = arith.constant 0 : i32
        %dma_start3A_206 = arith.constant 0 : i32
        %dma_start3A_207 = tpu.memref_slice %arg10[%dma_start3A_205, %dma_start3A_206] : memref<10240x128xf32, #tpu.memory_space<vmem_shared>> -> memref<10240x128xf32, #tpu.memory_space<vmem_shared>>
        tpu.enqueue_indirect_dma source(%arg7 : memref<128x128xf32, #tpu.memory_space<vmem>>) target(%dma_start3A_207 : memref<10240x128xf32, #tpu.memory_space<vmem_shared>>) offsets(%dma_start3A_204 : memref<128xi32, #tpu.memory_space<vmem>>) semaphore(%run_scoped3A_201 : memref<!tpu.dma_semaphore, #tpu.memory_space<semaphore_mem>>) {add = true}
        %dma_wait3A_208 = arith.constant 0 : i32
        %dma_wait3A_209 = tpu.memref_slice %arg6[%mul3A_160, %run_scoped3A_168, %dma_wait3A_208] : memref<40x2x128xi32, #tpu.memory_space<vmem>> -> memref<1x1x128xi32, #tpu.memory_space<vmem>>
        %dma_wait3A_210 = tpu.memref_squeeze %dma_wait3A_209 : memref<1x1x128xi32, #tpu.memory_space<vmem>> -> memref<128xi32, #tpu.memory_space<vmem>>
        %dma_wait3A_211 = arith.constant 0 : i32
        %dma_wait3A_212 = arith.constant 0 : i32
        %dma_wait3A_213 = tpu.memref_slice %arg10[%dma_wait3A_211, %dma_wait3A_212] : memref<10240x128xf32, #tpu.memory_space<vmem_shared>> -> memref<10240x128xf32, #tpu.memory_space<vmem_shared>>
        tpu.wait_indirect_dma semaphore(%run_scoped3A_201 : memref<!tpu.dma_semaphore, #tpu.memory_space<semaphore_mem>>) src(%arg7 : memref<128x128xf32, #tpu.memory_space<vmem>>) dst(%dma_wait3A_213 : memref<10240x128xf32, #tpu.memory_space<vmem_shared>>)
        tpu.yield
      }) : () -> ()
      %run_scoped3A_169 = arith.constant 1 : i32
      "tpu.region"() ({
        %run_scoped3A_201 = tpu.sem_alloc : memref<!tpu.dma_semaphore, #tpu.memory_space<semaphore_mem>>
        %dma_start3A_202 = arith.constant 0 : i32
        %dma_start3A_203 = tpu.memref_slice %arg6[%mul3A_160, %run_scoped3A_169, %dma_start3A_202] : memref<40x2x128xi32, #tpu.memory_space<vmem>> -> memref<1x1x128xi32, #tpu.memory_space<vmem>>
        %dma_start3A_204 = tpu.memref_squeeze %dma_start3A_203 : memref<1x1x128xi32, #tpu.memory_space<vmem>> -> memref<128xi32, #tpu.memory_space<vmem>>
        %dma_start3A_205 = arith.constant 0 : i32
        %dma_start3A_206 = tpu.memref_slice %arg11[%dma_start3A_205] : memref<10240xf32, #tpu.memory_space<vmem_shared>> -> memref<10240xf32, #tpu.memory_space<vmem_shared>>
        tpu.enqueue_indirect_dma source(%arg9 : memref<128xf32, #tpu.memory_space<vmem>>) target(%dma_start3A_206 : memref<10240xf32, #tpu.memory_space<vmem_shared>>) offsets(%dma_start3A_204 : memref<128xi32, #tpu.memory_space<vmem>>) semaphore(%run_scoped3A_201 : memref<!tpu.dma_semaphore, #tpu.memory_space<semaphore_mem>>) {add = true}
        %dma_wait3A_207 = arith.constant 0 : i32
        %dma_wait3A_208 = tpu.memref_slice %arg6[%mul3A_160, %run_scoped3A_169, %dma_wait3A_207] : memref<40x2x128xi32, #tpu.memory_space<vmem>> -> memref<1x1x128xi32, #tpu.memory_space<vmem>>
        %dma_wait3A_209 = tpu.memref_squeeze %dma_wait3A_208 : memref<1x1x128xi32, #tpu.memory_space<vmem>> -> memref<128xi32, #tpu.memory_space<vmem>>
        %dma_wait3A_210 = arith.constant 0 : i32
        %dma_wait3A_211 = tpu.memref_slice %arg11[%dma_wait3A_210] : memref<10240xf32, #tpu.memory_space<vmem_shared>> -> memref<10240xf32, #tpu.memory_space<vmem_shared>>
        tpu.wait_indirect_dma semaphore(%run_scoped3A_201 : memref<!tpu.dma_semaphore, #tpu.memory_space<semaphore_mem>>) src(%arg9 : memref<128xf32, #tpu.memory_space<vmem>>) dst(%dma_wait3A_211 : memref<10240xf32, #tpu.memory_space<vmem_shared>>)
        tpu.yield
      }) : () -> ()
      %add3A_170 = arith.constant 2 : i32
      %add3A_171 = arith.addi %mul3A_160, %add3A_170 : i32
      %dma_start3A_172 = arith.constant 0 : i32
      %dma_start3A_173 = arith.constant 0 : i32
      %dma_start3A_174 = tpu.memref_slice %arg6[%add3A_171, %dma_start3A_172, %dma_start3A_173] : memref<40x2x128xi32, #tpu.memory_space<vmem>> -> memref<1x1x128xi32, #tpu.memory_space<vmem>>
      %dma_start3A_175 = tpu.memref_squeeze %dma_start3A_174 : memref<1x1x128xi32, #tpu.memory_space<vmem>> -> memref<128xi32, #tpu.memory_space<vmem>>
      %dma_start3A_176 = arith.constant 0 : i32
      %dma_start3A_177 = arith.constant 0 : i32
      %dma_start3A_178 = tpu.memref_slice %arg2[%dma_start3A_176, %dma_start3A_177] : memref<10000x128xf32, #tpu.memory_space<hbm>> -> memref<10000x128xf32, #tpu.memory_space<hbm>>
      tpu.enqueue_indirect_dma source(%dma_start3A_178 : memref<10000x128xf32, #tpu.memory_space<hbm>>) target(%arg7 : memref<128x128xf32, #tpu.memory_space<vmem>>) offsets(%dma_start3A_175 : memref<128xi32, #tpu.memory_space<vmem>>) semaphore(%arg12 : memref<!tpu.dma_semaphore, #tpu.memory_space<semaphore_mem>>)
      %add3A_179 = arith.constant 1 : i32
      %add3A_180 = arith.addi %mul3A_160, %add3A_179 : i32
      %dma_wait3A_181 = arith.constant 0 : i32
      %dma_wait3A_182 = arith.constant 0 : i32
      %dma_wait3A_183 = tpu.memref_slice %arg6[%add3A_180, %dma_wait3A_181, %dma_wait3A_182] : memref<40x2x128xi32, #tpu.memory_space<vmem>> -> memref<1x1x128xi32, #tpu.memory_space<vmem>>
      %dma_wait3A_184 = tpu.memref_squeeze %dma_wait3A_183 : memref<1x1x128xi32, #tpu.memory_space<vmem>> -> memref<128xi32, #tpu.memory_space<vmem>>
      %dma_wait3A_185 = arith.constant 0 : i32
      %dma_wait3A_186 = arith.constant 0 : i32
      %dma_wait3A_187 = tpu.memref_slice %arg2[%dma_wait3A_185, %dma_wait3A_186] : memref<10000x128xf32, #tpu.memory_space<hbm>> -> memref<10000x128xf32, #tpu.memory_space<hbm>>
      tpu.wait_indirect_dma semaphore(%arg13 : memref<!tpu.dma_semaphore, #tpu.memory_space<semaphore_mem>>) src(%dma_wait3A_187 : memref<10000x128xf32, #tpu.memory_space<hbm>>) dst(%arg8 : memref<128x128xf32, #tpu.memory_space<vmem>>)
      %add3A_188 = arith.constant 1 : i32
      %add3A_189 = arith.addi %mul3A_160, %add3A_188 : i32
      %run_scoped3A_190 = arith.constant 1 : i32
      "tpu.region"() ({
        %run_scoped3A_201 = tpu.sem_alloc : memref<!tpu.dma_semaphore, #tpu.memory_space<semaphore_mem>>
        %dma_start3A_202 = arith.constant 0 : i32
        %dma_start3A_203 = tpu.memref_slice %arg6[%add3A_189, %run_scoped3A_190, %dma_start3A_202] : memref<40x2x128xi32, #tpu.memory_space<vmem>> -> memref<1x1x128xi32, #tpu.memory_space<vmem>>
        %dma_start3A_204 = tpu.memref_squeeze %dma_start3A_203 : memref<1x1x128xi32, #tpu.memory_space<vmem>> -> memref<128xi32, #tpu.memory_space<vmem>>
        %dma_start3A_205 = arith.constant 0 : i32
        %dma_start3A_206 = arith.constant 0 : i32
        %dma_start3A_207 = tpu.memref_slice %arg10[%dma_start3A_205, %dma_start3A_206] : memref<10240x128xf32, #tpu.memory_space<vmem_shared>> -> memref<10240x128xf32, #tpu.memory_space<vmem_shared>>
        tpu.enqueue_indirect_dma source(%arg8 : memref<128x128xf32, #tpu.memory_space<vmem>>) target(%dma_start3A_207 : memref<10240x128xf32, #tpu.memory_space<vmem_shared>>) offsets(%dma_start3A_204 : memref<128xi32, #tpu.memory_space<vmem>>) semaphore(%run_scoped3A_201 : memref<!tpu.dma_semaphore, #tpu.memory_space<semaphore_mem>>) {add = true}
        %dma_wait3A_208 = arith.constant 0 : i32
        %dma_wait3A_209 = tpu.memref_slice %arg6[%add3A_189, %run_scoped3A_190, %dma_wait3A_208] : memref<40x2x128xi32, #tpu.memory_space<vmem>> -> memref<1x1x128xi32, #tpu.memory_space<vmem>>
        %dma_wait3A_210 = tpu.memref_squeeze %dma_wait3A_209 : memref<1x1x128xi32, #tpu.memory_space<vmem>> -> memref<128xi32, #tpu.memory_space<vmem>>
        %dma_wait3A_211 = arith.constant 0 : i32
        %dma_wait3A_212 = arith.constant 0 : i32
        %dma_wait3A_213 = tpu.memref_slice %arg10[%dma_wait3A_211, %dma_wait3A_212] : memref<10240x128xf32, #tpu.memory_space<vmem_shared>> -> memref<10240x128xf32, #tpu.memory_space<vmem_shared>>
        tpu.wait_indirect_dma semaphore(%run_scoped3A_201 : memref<!tpu.dma_semaphore, #tpu.memory_space<semaphore_mem>>) src(%arg8 : memref<128x128xf32, #tpu.memory_space<vmem>>) dst(%dma_wait3A_213 : memref<10240x128xf32, #tpu.memory_space<vmem_shared>>)
        tpu.yield
      }) : () -> ()
      %run_scoped3A_191 = arith.constant 1 : i32
      "tpu.region"() ({
        %run_scoped3A_201 = tpu.sem_alloc : memref<!tpu.dma_semaphore, #tpu.memory_space<semaphore_mem>>
        %dma_start3A_202 = arith.constant 0 : i32
        %dma_start3A_203 = tpu.memref_slice %arg6[%add3A_189, %run_scoped3A_191, %dma_start3A_202] : memref<40x2x128xi32, #tpu.memory_space<vmem>> -> memref<1x1x128xi32, #tpu.memory_space<vmem>>
        %dma_start3A_204 = tpu.memref_squeeze %dma_start3A_203 : memref<1x1x128xi32, #tpu.memory_space<vmem>> -> memref<128xi32, #tpu.memory_space<vmem>>
        %dma_start3A_205 = arith.constant 0 : i32
        %dma_start3A_206 = tpu.memref_slice %arg11[%dma_start3A_205] : memref<10240xf32, #tpu.memory_space<vmem_shared>> -> memref<10240xf32, #tpu.memory_space<vmem_shared>>
        tpu.enqueue_indirect_dma source(%arg9 : memref<128xf32, #tpu.memory_space<vmem>>) target(%dma_start3A_206 : memref<10240xf32, #tpu.memory_space<vmem_shared>>) offsets(%dma_start3A_204 : memref<128xi32, #tpu.memory_space<vmem>>) semaphore(%run_scoped3A_201 : memref<!tpu.dma_semaphore, #tpu.memory_space<semaphore_mem>>) {add = true}
        %dma_wait3A_207 = arith.constant 0 : i32
        %dma_wait3A_208 = tpu.memref_slice %arg6[%add3A_189, %run_scoped3A_191, %dma_wait3A_207] : memref<40x2x128xi32, #tpu.memory_space<vmem>> -> memref<1x1x128xi32, #tpu.memory_space<vmem>>
        %dma_wait3A_209 = tpu.memref_squeeze %dma_wait3A_208 : memref<1x1x128xi32, #tpu.memory_space<vmem>> -> memref<128xi32, #tpu.memory_space<vmem>>
        %dma_wait3A_210 = arith.constant 0 : i32
        %dma_wait3A_211 = tpu.memref_slice %arg11[%dma_wait3A_210] : memref<10240xf32, #tpu.memory_space<vmem_shared>> -> memref<10240xf32, #tpu.memory_space<vmem_shared>>
        tpu.wait_indirect_dma semaphore(%run_scoped3A_201 : memref<!tpu.dma_semaphore, #tpu.memory_space<semaphore_mem>>) src(%arg9 : memref<128xf32, #tpu.memory_space<vmem>>) dst(%dma_wait3A_211 : memref<10240xf32, #tpu.memory_space<vmem_shared>>)
        tpu.yield
      }) : () -> ()
      %add3A_192 = arith.constant 3 : i32
      %add3A_193 = arith.addi %mul3A_160, %add3A_192 : i32
      %dma_start3A_194 = arith.constant 0 : i32
      %dma_start3A_195 = arith.constant 0 : i32
      %dma_start3A_196 = tpu.memref_slice %arg6[%add3A_193, %dma_start3A_194, %dma_start3A_195] : memref<40x2x128xi32, #tpu.memory_space<vmem>> -> memref<1x1x128xi32, #tpu.memory_space<vmem>>
      %dma_start3A_197 = tpu.memref_squeeze %dma_start3A_196 : memref<1x1x128xi32, #tpu.memory_space<vmem>> -> memref<128xi32, #tpu.memory_space<vmem>>
      %dma_start3A_198 = arith.constant 0 : i32
      %dma_start3A_199 = arith.constant 0 : i32
      %dma_start3A_200 = tpu.memref_slice %arg2[%dma_start3A_198, %dma_start3A_199] : memref<10000x128xf32, #tpu.memory_space<hbm>> -> memref<10000x128xf32, #tpu.memory_space<hbm>>
      tpu.enqueue_indirect_dma source(%dma_start3A_200 : memref<10000x128xf32, #tpu.memory_space<hbm>>) target(%arg8 : memref<128x128xf32, #tpu.memory_space<vmem>>) offsets(%dma_start3A_197 : memref<128xi32, #tpu.memory_space<vmem>>) semaphore(%arg13 : memref<!tpu.dma_semaphore, #tpu.memory_space<semaphore_mem>>)
    }
    %scan3A_128 = arith.constant 19 : i32
    %dma_wait3A_129 = arith.constant 38 : i32
    %dma_wait3A_130 = arith.constant 0 : i32
    %dma_wait3A_131 = arith.constant 0 : i32
    %dma_wait3A_132 = tpu.memref_slice %arg6[%dma_wait3A_129, %dma_wait3A_130, %dma_wait3A_131] : memref<40x2x128xi32, #tpu.memory_space<vmem>> -> memref<1x1x128xi32, #tpu.memory_space<vmem>>
    %dma_wait3A_133 = tpu.memref_squeeze %dma_wait3A_132 : memref<1x1x128xi32, #tpu.memory_space<vmem>> -> memref<128xi32, #tpu.memory_space<vmem>>
    %dma_wait3A_134 = arith.constant 0 : i32
    %dma_wait3A_135 = arith.constant 0 : i32
    %dma_wait3A_136 = tpu.memref_slice %arg2[%dma_wait3A_134, %dma_wait3A_135] : memref<10000x128xf32, #tpu.memory_space<hbm>> -> memref<10000x128xf32, #tpu.memory_space<hbm>>
    tpu.wait_indirect_dma semaphore(%arg12 : memref<!tpu.dma_semaphore, #tpu.memory_space<semaphore_mem>>) src(%dma_wait3A_136 : memref<10000x128xf32, #tpu.memory_space<hbm>>) dst(%arg7 : memref<128x128xf32, #tpu.memory_space<vmem>>)
    %run_scoped3A_137 = arith.constant 38 : i32
    %run_scoped3A_138 = arith.constant 1 : i32
    "tpu.region"() ({
      %run_scoped3A_154 = tpu.sem_alloc : memref<!tpu.dma_semaphore, #tpu.memory_space<semaphore_mem>>
      %dma_start3A_155 = arith.constant 0 : i32
      %dma_start3A_156 = tpu.memref_slice %arg6[%run_scoped3A_137, %run_scoped3A_138, %dma_start3A_155] : memref<40x2x128xi32, #tpu.memory_space<vmem>> -> memref<1x1x128xi32, #tpu.memory_space<vmem>>
      %dma_start3A_157 = tpu.memref_squeeze %dma_start3A_156 : memref<1x1x128xi32, #tpu.memory_space<vmem>> -> memref<128xi32, #tpu.memory_space<vmem>>
      %dma_start3A_158 = arith.constant 0 : i32
      %dma_start3A_159 = arith.constant 0 : i32
      %dma_start3A_160 = tpu.memref_slice %arg10[%dma_start3A_158, %dma_start3A_159] : memref<10240x128xf32, #tpu.memory_space<vmem_shared>> -> memref<10240x128xf32, #tpu.memory_space<vmem_shared>>
      tpu.enqueue_indirect_dma source(%arg7 : memref<128x128xf32, #tpu.memory_space<vmem>>) target(%dma_start3A_160 : memref<10240x128xf32, #tpu.memory_space<vmem_shared>>) offsets(%dma_start3A_157 : memref<128xi32, #tpu.memory_space<vmem>>) semaphore(%run_scoped3A_154 : memref<!tpu.dma_semaphore, #tpu.memory_space<semaphore_mem>>) {add = true}
      %dma_wait3A_161 = arith.constant 0 : i32
      %dma_wait3A_162 = tpu.memref_slice %arg6[%run_scoped3A_137, %run_scoped3A_138, %dma_wait3A_161] : memref<40x2x128xi32, #tpu.memory_space<vmem>> -> memref<1x1x128xi32, #tpu.memory_space<vmem>>
      %dma_wait3A_163 = tpu.memref_squeeze %dma_wait3A_162 : memref<1x1x128xi32, #tpu.memory_space<vmem>> -> memref<128xi32, #tpu.memory_space<vmem>>
      %dma_wait3A_164 = arith.constant 0 : i32
      %dma_wait3A_165 = arith.constant 0 : i32
      %dma_wait3A_166 = tpu.memref_slice %arg10[%dma_wait3A_164, %dma_wait3A_165] : memref<10240x128xf32, #tpu.memory_space<vmem_shared>> -> memref<10240x128xf32, #tpu.memory_space<vmem_shared>>
      tpu.wait_indirect_dma semaphore(%run_scoped3A_154 : memref<!tpu.dma_semaphore, #tpu.memory_space<semaphore_mem>>) src(%arg7 : memref<128x128xf32, #tpu.memory_space<vmem>>) dst(%dma_wait3A_166 : memref<10240x128xf32, #tpu.memory_space<vmem_shared>>)
      tpu.yield
    }) : () -> ()
    %run_scoped3A_139 = arith.constant 38 : i32
    %run_scoped3A_140 = arith.constant 1 : i32
    "tpu.region"() ({
      %run_scoped3A_154 = tpu.sem_alloc : memref<!tpu.dma_semaphore, #tpu.memory_space<semaphore_mem>>
      %dma_start3A_155 = arith.constant 0 : i32
      %dma_start3A_156 = tpu.memref_slice %arg6[%run_scoped3A_139, %run_scoped3A_140, %dma_start3A_155] : memref<40x2x128xi32, #tpu.memory_space<vmem>> -> memref<1x1x128xi32, #tpu.memory_space<vmem>>
      %dma_start3A_157 = tpu.memref_squeeze %dma_start3A_156 : memref<1x1x128xi32, #tpu.memory_space<vmem>> -> memref<128xi32, #tpu.memory_space<vmem>>
      %dma_start3A_158 = arith.constant 0 : i32
      %dma_start3A_159 = tpu.memref_slice %arg11[%dma_start3A_158] : memref<10240xf32, #tpu.memory_space<vmem_shared>> -> memref<10240xf32, #tpu.memory_space<vmem_shared>>
      tpu.enqueue_indirect_dma source(%arg9 : memref<128xf32, #tpu.memory_space<vmem>>) target(%dma_start3A_159 : memref<10240xf32, #tpu.memory_space<vmem_shared>>) offsets(%dma_start3A_157 : memref<128xi32, #tpu.memory_space<vmem>>) semaphore(%run_scoped3A_154 : memref<!tpu.dma_semaphore, #tpu.memory_space<semaphore_mem>>) {add = true}
      %dma_wait3A_160 = arith.constant 0 : i32
      %dma_wait3A_161 = tpu.memref_slice %arg6[%run_scoped3A_139, %run_scoped3A_140, %dma_wait3A_160] : memref<40x2x128xi32, #tpu.memory_space<vmem>> -> memref<1x1x128xi32, #tpu.memory_space<vmem>>
      %dma_wait3A_162 = tpu.memref_squeeze %dma_wait3A_161 : memref<1x1x128xi32, #tpu.memory_space<vmem>> -> memref<128xi32, #tpu.memory_space<vmem>>
      %dma_wait3A_163 = arith.constant 0 : i32
      %dma_wait3A_164 = tpu.memref_slice %arg11[%dma_wait3A_163] : memref<10240xf32, #tpu.memory_space<vmem_shared>> -> memref<10240xf32, #tpu.memory_space<vmem_shared>>
      tpu.wait_indirect_dma semaphore(%run_scoped3A_154 : memref<!tpu.dma_semaphore, #tpu.memory_space<semaphore_mem>>) src(%arg9 : memref<128xf32, #tpu.memory_space<vmem>>) dst(%dma_wait3A_164 : memref<10240xf32, #tpu.memory_space<vmem_shared>>)
      tpu.yield
    }) : () -> ()
    %dma_wait3A_141 = arith.constant 39 : i32
    %dma_wait3A_142 = arith.constant 0 : i32
    %dma_wait3A_143 = arith.constant 0 : i32
    %dma_wait3A_144 = tpu.memref_slice %arg6[%dma_wait3A_141, %dma_wait3A_142, %dma_wait3A_143] : memref<40x2x128xi32, #tpu.memory_space<vmem>> -> memref<1x1x128xi32, #tpu.memory_space<vmem>>
    %dma_wait3A_145 = tpu.memref_squeeze %dma_wait3A_144 : memref<1x1x128xi32, #tpu.memory_space<vmem>> -> memref<128xi32, #tpu.memory_space<vmem>>
    %dma_wait3A_146 = arith.constant 0 : i32
    %dma_wait3A_147 = arith.constant 0 : i32
    %dma_wait3A_148 = tpu.memref_slice %arg2[%dma_wait3A_146, %dma_wait3A_147] : memref<10000x128xf32, #tpu.memory_space<hbm>> -> memref<10000x128xf32, #tpu.memory_space<hbm>>
    tpu.wait_indirect_dma semaphore(%arg13 : memref<!tpu.dma_semaphore, #tpu.memory_space<semaphore_mem>>) src(%dma_wait3A_148 : memref<10000x128xf32, #tpu.memory_space<hbm>>) dst(%arg8 : memref<128x128xf32, #tpu.memory_space<vmem>>)
    %run_scoped3A_149 = arith.constant 39 : i32
    %run_scoped3A_150 = arith.constant 1 : i32
    "tpu.region"() ({
      %run_scoped3A_154 = tpu.sem_alloc : memref<!tpu.dma_semaphore, #tpu.memory_space<semaphore_mem>>
      %dma_start3A_155 = arith.constant 0 : i32
      %dma_start3A_156 = tpu.memref_slice %arg6[%run_scoped3A_149, %run_scoped3A_150, %dma_start3A_155] : memref<40x2x128xi32, #tpu.memory_space<vmem>> -> memref<1x1x128xi32, #tpu.memory_space<vmem>>
      %dma_start3A_157 = tpu.memref_squeeze %dma_start3A_156 : memref<1x1x128xi32, #tpu.memory_space<vmem>> -> memref<128xi32, #tpu.memory_space<vmem>>
      %dma_start3A_158 = arith.constant 0 : i32
      %dma_start3A_159 = arith.constant 0 : i32
      %dma_start3A_160 = tpu.memref_slice %arg10[%dma_start3A_158, %dma_start3A_159] : memref<10240x128xf32, #tpu.memory_space<vmem_shared>> -> memref<10240x128xf32, #tpu.memory_space<vmem_shared>>
      tpu.enqueue_indirect_dma source(%arg8 : memref<128x128xf32, #tpu.memory_space<vmem>>) target(%dma_start3A_160 : memref<10240x128xf32, #tpu.memory_space<vmem_shared>>) offsets(%dma_start3A_157 : memref<128xi32, #tpu.memory_space<vmem>>) semaphore(%run_scoped3A_154 : memref<!tpu.dma_semaphore, #tpu.memory_space<semaphore_mem>>) {add = true}
      %dma_wait3A_161 = arith.constant 0 : i32
      %dma_wait3A_162 = tpu.memref_slice %arg6[%run_scoped3A_149, %run_scoped3A_150, %dma_wait3A_161] : memref<40x2x128xi32, #tpu.memory_space<vmem>> -> memref<1x1x128xi32, #tpu.memory_space<vmem>>
      %dma_wait3A_163 = tpu.memref_squeeze %dma_wait3A_162 : memref<1x1x128xi32, #tpu.memory_space<vmem>> -> memref<128xi32, #tpu.memory_space<vmem>>
      %dma_wait3A_164 = arith.constant 0 : i32
      %dma_wait3A_165 = arith.constant 0 : i32
      %dma_wait3A_166 = tpu.memref_slice %arg10[%dma_wait3A_164, %dma_wait3A_165] : memref<10240x128xf32, #tpu.memory_space<vmem_shared>> -> memref<10240x128xf32, #tpu.memory_space<vmem_shared>>
      tpu.wait_indirect_dma semaphore(%run_scoped3A_154 : memref<!tpu.dma_semaphore, #tpu.memory_space<semaphore_mem>>) src(%arg8 : memref<128x128xf32, #tpu.memory_space<vmem>>) dst(%dma_wait3A_166 : memref<10240x128xf32, #tpu.memory_space<vmem_shared>>)
      tpu.yield
    }) : () -> ()
    %run_scoped3A_151 = arith.constant 39 : i32
    %run_scoped3A_152 = arith.constant 1 : i32
    "tpu.region"() ({
      %run_scoped3A_154 = tpu.sem_alloc : memref<!tpu.dma_semaphore, #tpu.memory_space<semaphore_mem>>
      %dma_start3A_155 = arith.constant 0 : i32
      %dma_start3A_156 = tpu.memref_slice %arg6[%run_scoped3A_151, %run_scoped3A_152, %dma_start3A_155] : memref<40x2x128xi32, #tpu.memory_space<vmem>> -> memref<1x1x128xi32, #tpu.memory_space<vmem>>
      %dma_start3A_157 = tpu.memref_squeeze %dma_start3A_156 : memref<1x1x128xi32, #tpu.memory_space<vmem>> -> memref<128xi32, #tpu.memory_space<vmem>>
      %dma_start3A_158 = arith.constant 0 : i32
      %dma_start3A_159 = tpu.memref_slice %arg11[%dma_start3A_158] : memref<10240xf32, #tpu.memory_space<vmem_shared>> -> memref<10240xf32, #tpu.memory_space<vmem_shared>>
      tpu.enqueue_indirect_dma source(%arg9 : memref<128xf32, #tpu.memory_space<vmem>>) target(%dma_start3A_159 : memref<10240xf32, #tpu.memory_space<vmem_shared>>) offsets(%dma_start3A_157 : memref<128xi32, #tpu.memory_space<vmem>>) semaphore(%run_scoped3A_154 : memref<!tpu.dma_semaphore, #tpu.memory_space<semaphore_mem>>) {add = true}
      %dma_wait3A_160 = arith.constant 0 : i32
      %dma_wait3A_161 = tpu.memref_slice %arg6[%run_scoped3A_151, %run_scoped3A_152, %dma_wait3A_160] : memref<40x2x128xi32, #tpu.memory_space<vmem>> -> memref<1x1x128xi32, #tpu.memory_space<vmem>>
      %dma_wait3A_162 = tpu.memref_squeeze %dma_wait3A_161 : memref<1x1x128xi32, #tpu.memory_space<vmem>> -> memref<128xi32, #tpu.memory_space<vmem>>
      %dma_wait3A_163 = arith.constant 0 : i32
      %dma_wait3A_164 = tpu.memref_slice %arg11[%dma_wait3A_163] : memref<10240xf32, #tpu.memory_space<vmem_shared>> -> memref<10240xf32, #tpu.memory_space<vmem_shared>>
      tpu.wait_indirect_dma semaphore(%run_scoped3A_154 : memref<!tpu.dma_semaphore, #tpu.memory_space<semaphore_mem>>) src(%arg9 : memref<128xf32, #tpu.memory_space<vmem>>) dst(%dma_wait3A_164 : memref<10240xf32, #tpu.memory_space<vmem_shared>>)
      tpu.yield
    }) : () -> ()
    %barrier3A_153 = arith.constant 0 : index
    tpu.barrier barrier_id(%barrier3A_153)
    "tpu.region"() ({
      %run_scoped3A_154 = tpu.sem_alloc : memref<!tpu.dma_semaphore, #tpu.memory_space<semaphore_mem>>
      %dma_start3A_155 = arith.constant 0 : i32
      %dma_start3A_156 = arith.constant 0 : i32
      %dma_start3A_157 = tpu.memref_slice %arg4[%arg0, %dma_start3A_155, %dma_start3A_156] : memref<2x10240x128xf32, #tpu.memory_space<hbm>> -> memref<1x10240x128xf32, #tpu.memory_space<hbm>>
      %dma_start3A_158 = tpu.memref_squeeze %dma_start3A_157 : memref<1x10240x128xf32, #tpu.memory_space<hbm>> -> memref<10240x128xf32, #tpu.memory_space<hbm>>
      %dma_start3A_159 = arith.constant 0 : i32
      %dma_start3A_160 = tpu.memref_slice %dma_start3A_158[%mul3A_9, %dma_start3A_159] : memref<10240x128xf32, #tpu.memory_space<hbm>> -> memref<640x128xf32, #tpu.memory_space<hbm>>
      %dma_start3A_161 = arith.constant 0 : i32
      %dma_start3A_162 = tpu.memref_slice %arg10[%mul3A_9, %dma_start3A_161] : memref<10240x128xf32, #tpu.memory_space<vmem_shared>> -> memref<640x128xf32, #tpu.memory_space<vmem_shared>>
      tpu.enqueue_dma source(%dma_start3A_162 : memref<640x128xf32, #tpu.memory_space<vmem_shared>>) target(%dma_start3A_160 : memref<640x128xf32, #tpu.memory_space<hbm>>) target_semaphore(%run_scoped3A_154 : memref<!tpu.dma_semaphore, #tpu.memory_space<semaphore_mem>>)
      %dma_wait3A_163 = arith.constant 0 : i32
      %dma_wait3A_164 = arith.constant 0 : i32
      %dma_wait3A_165 = tpu.memref_slice %arg4[%arg0, %dma_wait3A_163, %dma_wait3A_164] : memref<2x10240x128xf32, #tpu.memory_space<hbm>> -> memref<1x10240x128xf32, #tpu.memory_space<hbm>>
      %dma_wait3A_166 = tpu.memref_squeeze %dma_wait3A_165 : memref<1x10240x128xf32, #tpu.memory_space<hbm>> -> memref<10240x128xf32, #tpu.memory_space<hbm>>
      %dma_wait3A_167 = arith.constant 0 : i32
      %dma_wait3A_168 = tpu.memref_slice %dma_wait3A_166[%mul3A_9, %dma_wait3A_167] : memref<10240x128xf32, #tpu.memory_space<hbm>> -> memref<640x128xf32, #tpu.memory_space<hbm>>
      %dma_wait3A_169 = arith.constant 0 : i32
      %dma_wait3A_170 = tpu.memref_slice %arg10[%mul3A_9, %dma_wait3A_169] : memref<10240x128xf32, #tpu.memory_space<vmem_shared>> -> memref<640x128xf32, #tpu.memory_space<vmem_shared>>
      tpu.wait_dma2 semaphore(%run_scoped3A_154 : memref<!tpu.dma_semaphore, #tpu.memory_space<semaphore_mem>>) src(%dma_wait3A_170 : memref<640x128xf32, #tpu.memory_space<vmem_shared>>) dst(%dma_wait3A_168 : memref<640x128xf32, #tpu.memory_space<hbm>>)
      tpu.yield
    }) : () -> ()
    "tpu.region"() ({
      %run_scoped3A_154 = tpu.sem_alloc : memref<!tpu.dma_semaphore, #tpu.memory_space<semaphore_mem>>
      %dma_start3A_155 = arith.constant 0 : i32
      %dma_start3A_156 = tpu.memref_slice %arg5[%arg0, %dma_start3A_155] : memref<2x10240xf32, #tpu.memory_space<hbm>> -> memref<1x10240xf32, #tpu.memory_space<hbm>>
      %dma_start3A_157 = tpu.memref_squeeze %dma_start3A_156 : memref<1x10240xf32, #tpu.memory_space<hbm>> -> memref<10240xf32, #tpu.memory_space<hbm>>
      %dma_start3A_158 = tpu.memref_slice %dma_start3A_157[%mul3A_9] : memref<10240xf32, #tpu.memory_space<hbm>> -> memref<640xf32, #tpu.memory_space<hbm>>
      %dma_start3A_159 = tpu.memref_slice %arg11[%mul3A_9] : memref<10240xf32, #tpu.memory_space<vmem_shared>> -> memref<640xf32, #tpu.memory_space<vmem_shared>>
      tpu.enqueue_dma source(%dma_start3A_159 : memref<640xf32, #tpu.memory_space<vmem_shared>>) target(%dma_start3A_158 : memref<640xf32, #tpu.memory_space<hbm>>) target_semaphore(%run_scoped3A_154 : memref<!tpu.dma_semaphore, #tpu.memory_space<semaphore_mem>>)
      %dma_wait3A_160 = arith.constant 0 : i32
      %dma_wait3A_161 = tpu.memref_slice %arg5[%arg0, %dma_wait3A_160] : memref<2x10240xf32, #tpu.memory_space<hbm>> -> memref<1x10240xf32, #tpu.memory_space<hbm>>
      %dma_wait3A_162 = tpu.memref_squeeze %dma_wait3A_161 : memref<1x10240xf32, #tpu.memory_space<hbm>> -> memref<10240xf32, #tpu.memory_space<hbm>>
      %dma_wait3A_163 = tpu.memref_slice %dma_wait3A_162[%mul3A_9] : memref<10240xf32, #tpu.memory_space<hbm>> -> memref<640xf32, #tpu.memory_space<hbm>>
      %dma_wait3A_164 = tpu.memref_slice %arg11[%mul3A_9] : memref<10240xf32, #tpu.memory_space<vmem_shared>> -> memref<640xf32, #tpu.memory_space<vmem_shared>>
      tpu.wait_dma2 semaphore(%run_scoped3A_154 : memref<!tpu.dma_semaphore, #tpu.memory_space<semaphore_mem>>) src(%dma_wait3A_164 : memref<640xf32, #tpu.memory_space<vmem_shared>>) dst(%dma_wait3A_163 : memref<640xf32, #tpu.memory_space<hbm>>)
      tpu.yield
    }) : () -> ()
    return
  }
}

#map = affine_map<(d0, d1) -> (0, 0)>
#map1 = affine_map<(d0, d1) -> (0, 0, 0, 0)>
#map2 = affine_map<(d0, d1) -> (0, 0, 0)>
module attributes {stable_mosaic.version = 14 : i64} {
  func.func @sage_sc_agg(%arg0: i32, %arg1: i32, %arg2: memref<10000x128xf32, #tpu.memory_space<hbm>>, %arg3: memref<32x80x2x128xi32, #tpu.memory_space<hbm>>, %arg4: memref<2x10240x128xf32, #tpu.memory_space<hbm>>, %arg5: memref<40x2x128xi32, #tpu.memory_space<vmem>>, %arg6: memref<128x128xf32, #tpu.memory_space<vmem>>, %arg7: memref<128x128xf32, #tpu.memory_space<vmem>>, %arg8: memref<128xf32, #tpu.memory_space<vmem>>, %arg9: memref<10240x128xf32, #tpu.memory_space<vmem_shared>>, %arg10: memref<10240xf32, #tpu.memory_space<vmem_shared>>, %arg11: memref<!tpu.dma_semaphore, #tpu.memory_space<semaphore_mem>>, %arg12: memref<!tpu.dma_semaphore, #tpu.memory_space<semaphore_mem>>) attributes {dimension_semantics = [#tpu.dimension_semantics<core_parallel>, #tpu.dimension_semantics<subcore_parallel>], iteration_bounds = array<i64: 2, 16>, scalar_prefetch = 0 : i64, scratch_operands = 8 : i64, tpu.core_type = #tpu.core_type<sc_vector_subcore>, window_params = [{transform_indices = #map}, {transform_indices = #map1}, {transform_indices = #map2}]} {
    %mul3A = arith.constant 16 : i32
    %mul3A_0 = arith.muli %arg0, %mul3A : i32
    %add3A = arith.addi %mul3A_0, %arg1 : i32
    %broadcast_in_dim3A = arith.constant 0.000000e+00 : f32
    %broadcast_in_dim3A_1 = vector.broadcast %broadcast_in_dim3A : f32 to vector<16xf32>
    %broadcast_in_dim3A_2 = arith.constant 1.000000e+00 : f32
    %broadcast_in_dim3A_3 = vector.broadcast %broadcast_in_dim3A_2 : f32 to vector<16xf32>
    %scan3A = arith.constant 0 : i32
    %scan3A_4 = arith.constant 128 : i32
    %scan3A_5 = arith.addi %scan3A, %scan3A_4 : i32
    %scan3A_6 = arith.constant 1 : i32
    scf.for %scan3A_100 = %scan3A to %scan3A_5 step %scan3A_6  : i32 {
      %mul3A_101 = arith.constant 1 : i32
      %mul3A_102 = arith.muli %scan3A_100, %mul3A_101 : i32
      %add3A_103 = arith.constant 0 : i32
      %add3A_104 = arith.addi %add3A_103, %mul3A_102 : i32
      %swap3A = arith.index_cast %add3A_104 : i32 to index
      %swap3A_105 = arith.constant 0 : index
      %swap3A_106 = tpu.vector_load %arg6[%swap3A, %swap3A_105] {strides = array<i32>} : memref<128x128xf32, #tpu.memory_space<vmem>>, vector<1x16xf32>,
      %swap3A_107 = vector.shape_cast %swap3A_106 : vector<1x16xf32> to vector<16xf32>
      %swap3A_108 = vector.shape_cast %broadcast_in_dim3A_1 : vector<16xf32> to vector<1x16xf32>
      tpu.vector_store %arg6[%swap3A, %swap3A_105], %swap3A_108 {strides = array<i32>} : memref<128x128xf32, #tpu.memory_space<vmem>>, vector<1x16xf32>,
      %swap3A_109 = arith.index_cast %add3A_104 : i32 to index
      %swap3A_110 = arith.constant 16 : index
      %swap3A_111 = tpu.vector_load %arg6[%swap3A_109, %swap3A_110] {strides = array<i32>} : memref<128x128xf32, #tpu.memory_space<vmem>>, vector<1x16xf32>,
      %swap3A_112 = vector.shape_cast %swap3A_111 : vector<1x16xf32> to vector<16xf32>
      %swap3A_113 = vector.shape_cast %broadcast_in_dim3A_1 : vector<16xf32> to vector<1x16xf32>
      tpu.vector_store %arg6[%swap3A_109, %swap3A_110], %swap3A_113 {strides = array<i32>} : memref<128x128xf32, #tpu.memory_space<vmem>>, vector<1x16xf32>,
      %swap3A_114 = arith.index_cast %add3A_104 : i32 to index
      %swap3A_115 = arith.constant 32 : index
      %swap3A_116 = tpu.vector_load %arg6[%swap3A_114, %swap3A_115] {strides = array<i32>} : memref<128x128xf32, #tpu.memory_space<vmem>>, vector<1x16xf32>,
      %swap3A_117 = vector.shape_cast %swap3A_116 : vector<1x16xf32> to vector<16xf32>
      %swap3A_118 = vector.shape_cast %broadcast_in_dim3A_1 : vector<16xf32> to vector<1x16xf32>
      tpu.vector_store %arg6[%swap3A_114, %swap3A_115], %swap3A_118 {strides = array<i32>} : memref<128x128xf32, #tpu.memory_space<vmem>>, vector<1x16xf32>,
      %swap3A_119 = arith.index_cast %add3A_104 : i32 to index
      %swap3A_120 = arith.constant 48 : index
      %swap3A_121 = tpu.vector_load %arg6[%swap3A_119, %swap3A_120] {strides = array<i32>} : memref<128x128xf32, #tpu.memory_space<vmem>>, vector<1x16xf32>,
      %swap3A_122 = vector.shape_cast %swap3A_121 : vector<1x16xf32> to vector<16xf32>
      %swap3A_123 = vector.shape_cast %broadcast_in_dim3A_1 : vector<16xf32> to vector<1x16xf32>
      tpu.vector_store %arg6[%swap3A_119, %swap3A_120], %swap3A_123 {strides = array<i32>} : memref<128x128xf32, #tpu.memory_space<vmem>>, vector<1x16xf32>,
      %swap3A_124 = arith.index_cast %add3A_104 : i32 to index
      %swap3A_125 = arith.constant 64 : index
      %swap3A_126 = tpu.vector_load %arg6[%swap3A_124, %swap3A_125] {strides = array<i32>} : memref<128x128xf32, #tpu.memory_space<vmem>>, vector<1x16xf32>,
      %swap3A_127 = vector.shape_cast %swap3A_126 : vector<1x16xf32> to vector<16xf32>
      %swap3A_128 = vector.shape_cast %broadcast_in_dim3A_1 : vector<16xf32> to vector<1x16xf32>
      tpu.vector_store %arg6[%swap3A_124, %swap3A_125], %swap3A_128 {strides = array<i32>} : memref<128x128xf32, #tpu.memory_space<vmem>>, vector<1x16xf32>,
      %swap3A_129 = arith.index_cast %add3A_104 : i32 to index
      %swap3A_130 = arith.constant 80 : index
      %swap3A_131 = tpu.vector_load %arg6[%swap3A_129, %swap3A_130] {strides = array<i32>} : memref<128x128xf32, #tpu.memory_space<vmem>>, vector<1x16xf32>,
      %swap3A_132 = vector.shape_cast %swap3A_131 : vector<1x16xf32> to vector<16xf32>
      %swap3A_133 = vector.shape_cast %broadcast_in_dim3A_1 : vector<16xf32> to vector<1x16xf32>
      tpu.vector_store %arg6[%swap3A_129, %swap3A_130], %swap3A_133 {strides = array<i32>} : memref<128x128xf32, #tpu.memory_space<vmem>>, vector<1x16xf32>,
      %swap3A_134 = arith.index_cast %add3A_104 : i32 to index
      %swap3A_135 = arith.constant 96 : index
      %swap3A_136 = tpu.vector_load %arg6[%swap3A_134, %swap3A_135] {strides = array<i32>} : memref<128x128xf32, #tpu.memory_space<vmem>>, vector<1x16xf32>,
      %swap3A_137 = vector.shape_cast %swap3A_136 : vector<1x16xf32> to vector<16xf32>
      %swap3A_138 = vector.shape_cast %broadcast_in_dim3A_1 : vector<16xf32> to vector<1x16xf32>
      tpu.vector_store %arg6[%swap3A_134, %swap3A_135], %swap3A_138 {strides = array<i32>} : memref<128x128xf32, #tpu.memory_space<vmem>>, vector<1x16xf32>,
      %swap3A_139 = arith.index_cast %add3A_104 : i32 to index
      %swap3A_140 = arith.constant 112 : index
      %swap3A_141 = tpu.vector_load %arg6[%swap3A_139, %swap3A_140] {strides = array<i32>} : memref<128x128xf32, #tpu.memory_space<vmem>>, vector<1x16xf32>,
      %swap3A_142 = vector.shape_cast %swap3A_141 : vector<1x16xf32> to vector<16xf32>
      %swap3A_143 = vector.shape_cast %broadcast_in_dim3A_1 : vector<16xf32> to vector<1x16xf32>
      tpu.vector_store %arg6[%swap3A_139, %swap3A_140], %swap3A_143 {strides = array<i32>} : memref<128x128xf32, #tpu.memory_space<vmem>>, vector<1x16xf32>,
    }
    %scan3A_7 = arith.constant 128 : i32
    %mul3A_8 = arith.constant 640 : i32
    %mul3A_9 = arith.muli %arg1, %mul3A_8 : i32
    %add3A_10 = arith.constant 0 : i32
    %add3A_11 = arith.addi %mul3A_9, %add3A_10 : i32
    "tpu.region"() ({
      %run_scoped3A_100 = tpu.sem_alloc : memref<!tpu.dma_semaphore, #tpu.memory_space<semaphore_mem>>
      %dma_start3A_101 = arith.constant 0 : i32
      %dma_start3A_102 = tpu.memref_slice %arg9[%add3A_11, %dma_start3A_101] : memref<10240x128xf32, #tpu.memory_space<vmem_shared>> -> memref<128x128xf32, #tpu.memory_space<vmem_shared>>
      %dma_start3A_103 = arith.constant 0 : i32
      %dma_start3A_104 = tpu.memref_slice %arg9[%add3A_11, %dma_start3A_103] : memref<10240x128xf32, #tpu.memory_space<vmem_shared>> -> memref<128x128xf32, #tpu.memory_space<vmem_shared>>
      tpu.enqueue_dma source(%arg6 : memref<128x128xf32, #tpu.memory_space<vmem>>) target(%dma_start3A_104 : memref<128x128xf32, #tpu.memory_space<vmem_shared>>) target_semaphore(%run_scoped3A_100 : memref<!tpu.dma_semaphore, #tpu.memory_space<semaphore_mem>>)
      %dma_wait3A_105 = arith.constant 0 : i32
      %dma_wait3A_106 = tpu.memref_slice %arg9[%add3A_11, %dma_wait3A_105] : memref<10240x128xf32, #tpu.memory_space<vmem_shared>> -> memref<128x128xf32, #tpu.memory_space<vmem_shared>>
      %dma_wait3A_107 = arith.constant 0 : i32
      %dma_wait3A_108 = tpu.memref_slice %arg9[%add3A_11, %dma_wait3A_107] : memref<10240x128xf32, #tpu.memory_space<vmem_shared>> -> memref<128x128xf32, #tpu.memory_space<vmem_shared>>
      tpu.wait_dma2 semaphore(%run_scoped3A_100 : memref<!tpu.dma_semaphore, #tpu.memory_space<semaphore_mem>>) src(%arg6 : memref<128x128xf32, #tpu.memory_space<vmem>>) dst(%dma_wait3A_108 : memref<128x128xf32, #tpu.memory_space<vmem_shared>>)
      tpu.yield
    }) : () -> ()
    %add3A_12 = arith.constant 128 : i32
    %add3A_13 = arith.addi %mul3A_9, %add3A_12 : i32
    "tpu.region"() ({
      %run_scoped3A_100 = tpu.sem_alloc : memref<!tpu.dma_semaphore, #tpu.memory_space<semaphore_mem>>
      %dma_start3A_101 = arith.constant 0 : i32
      %dma_start3A_102 = tpu.memref_slice %arg9[%add3A_13, %dma_start3A_101] : memref<10240x128xf32, #tpu.memory_space<vmem_shared>> -> memref<128x128xf32, #tpu.memory_space<vmem_shared>>
      %dma_start3A_103 = arith.constant 0 : i32
      %dma_start3A_104 = tpu.memref_slice %arg9[%add3A_13, %dma_start3A_103] : memref<10240x128xf32, #tpu.memory_space<vmem_shared>> -> memref<128x128xf32, #tpu.memory_space<vmem_shared>>
      tpu.enqueue_dma source(%arg6 : memref<128x128xf32, #tpu.memory_space<vmem>>) target(%dma_start3A_104 : memref<128x128xf32, #tpu.memory_space<vmem_shared>>) target_semaphore(%run_scoped3A_100 : memref<!tpu.dma_semaphore, #tpu.memory_space<semaphore_mem>>)
      %dma_wait3A_105 = arith.constant 0 : i32
      %dma_wait3A_106 = tpu.memref_slice %arg9[%add3A_13, %dma_wait3A_105] : memref<10240x128xf32, #tpu.memory_space<vmem_shared>> -> memref<128x128xf32, #tpu.memory_space<vmem_shared>>
      %dma_wait3A_107 = arith.constant 0 : i32
      %dma_wait3A_108 = tpu.memref_slice %arg9[%add3A_13, %dma_wait3A_107] : memref<10240x128xf32, #tpu.memory_space<vmem_shared>> -> memref<128x128xf32, #tpu.memory_space<vmem_shared>>
      tpu.wait_dma2 semaphore(%run_scoped3A_100 : memref<!tpu.dma_semaphore, #tpu.memory_space<semaphore_mem>>) src(%arg6 : memref<128x128xf32, #tpu.memory_space<vmem>>) dst(%dma_wait3A_108 : memref<128x128xf32, #tpu.memory_space<vmem_shared>>)
      tpu.yield
    }) : () -> ()
    %add3A_14 = arith.constant 256 : i32
    %add3A_15 = arith.addi %mul3A_9, %add3A_14 : i32
    "tpu.region"() ({
      %run_scoped3A_100 = tpu.sem_alloc : memref<!tpu.dma_semaphore, #tpu.memory_space<semaphore_mem>>
      %dma_start3A_101 = arith.constant 0 : i32
      %dma_start3A_102 = tpu.memref_slice %arg9[%add3A_15, %dma_start3A_101] : memref<10240x128xf32, #tpu.memory_space<vmem_shared>> -> memref<128x128xf32, #tpu.memory_space<vmem_shared>>
      %dma_start3A_103 = arith.constant 0 : i32
      %dma_start3A_104 = tpu.memref_slice %arg9[%add3A_15, %dma_start3A_103] : memref<10240x128xf32, #tpu.memory_space<vmem_shared>> -> memref<128x128xf32, #tpu.memory_space<vmem_shared>>
      tpu.enqueue_dma source(%arg6 : memref<128x128xf32, #tpu.memory_space<vmem>>) target(%dma_start3A_104 : memref<128x128xf32, #tpu.memory_space<vmem_shared>>) target_semaphore(%run_scoped3A_100 : memref<!tpu.dma_semaphore, #tpu.memory_space<semaphore_mem>>)
      %dma_wait3A_105 = arith.constant 0 : i32
      %dma_wait3A_106 = tpu.memref_slice %arg9[%add3A_15, %dma_wait3A_105] : memref<10240x128xf32, #tpu.memory_space<vmem_shared>> -> memref<128x128xf32, #tpu.memory_space<vmem_shared>>
      %dma_wait3A_107 = arith.constant 0 : i32
      %dma_wait3A_108 = tpu.memref_slice %arg9[%add3A_15, %dma_wait3A_107] : memref<10240x128xf32, #tpu.memory_space<vmem_shared>> -> memref<128x128xf32, #tpu.memory_space<vmem_shared>>
      tpu.wait_dma2 semaphore(%run_scoped3A_100 : memref<!tpu.dma_semaphore, #tpu.memory_space<semaphore_mem>>) src(%arg6 : memref<128x128xf32, #tpu.memory_space<vmem>>) dst(%dma_wait3A_108 : memref<128x128xf32, #tpu.memory_space<vmem_shared>>)
      tpu.yield
    }) : () -> ()
    %add3A_16 = arith.constant 384 : i32
    %add3A_17 = arith.addi %mul3A_9, %add3A_16 : i32
    "tpu.region"() ({
      %run_scoped3A_100 = tpu.sem_alloc : memref<!tpu.dma_semaphore, #tpu.memory_space<semaphore_mem>>
      %dma_start3A_101 = arith.constant 0 : i32
      %dma_start3A_102 = tpu.memref_slice %arg9[%add3A_17, %dma_start3A_101] : memref<10240x128xf32, #tpu.memory_space<vmem_shared>> -> memref<128x128xf32, #tpu.memory_space<vmem_shared>>
      %dma_start3A_103 = arith.constant 0 : i32
      %dma_start3A_104 = tpu.memref_slice %arg9[%add3A_17, %dma_start3A_103] : memref<10240x128xf32, #tpu.memory_space<vmem_shared>> -> memref<128x128xf32, #tpu.memory_space<vmem_shared>>
      tpu.enqueue_dma source(%arg6 : memref<128x128xf32, #tpu.memory_space<vmem>>) target(%dma_start3A_104 : memref<128x128xf32, #tpu.memory_space<vmem_shared>>) target_semaphore(%run_scoped3A_100 : memref<!tpu.dma_semaphore, #tpu.memory_space<semaphore_mem>>)
      %dma_wait3A_105 = arith.constant 0 : i32
      %dma_wait3A_106 = tpu.memref_slice %arg9[%add3A_17, %dma_wait3A_105] : memref<10240x128xf32, #tpu.memory_space<vmem_shared>> -> memref<128x128xf32, #tpu.memory_space<vmem_shared>>
      %dma_wait3A_107 = arith.constant 0 : i32
      %dma_wait3A_108 = tpu.memref_slice %arg9[%add3A_17, %dma_wait3A_107] : memref<10240x128xf32, #tpu.memory_space<vmem_shared>> -> memref<128x128xf32, #tpu.memory_space<vmem_shared>>
      tpu.wait_dma2 semaphore(%run_scoped3A_100 : memref<!tpu.dma_semaphore, #tpu.memory_space<semaphore_mem>>) src(%arg6 : memref<128x128xf32, #tpu.memory_space<vmem>>) dst(%dma_wait3A_108 : memref<128x128xf32, #tpu.memory_space<vmem_shared>>)
      tpu.yield
    }) : () -> ()
    %add3A_18 = arith.constant 512 : i32
    %add3A_19 = arith.addi %mul3A_9, %add3A_18 : i32
    "tpu.region"() ({
      %run_scoped3A_100 = tpu.sem_alloc : memref<!tpu.dma_semaphore, #tpu.memory_space<semaphore_mem>>
      %dma_start3A_101 = arith.constant 0 : i32
      %dma_start3A_102 = tpu.memref_slice %arg9[%add3A_19, %dma_start3A_101] : memref<10240x128xf32, #tpu.memory_space<vmem_shared>> -> memref<128x128xf32, #tpu.memory_space<vmem_shared>>
      %dma_start3A_103 = arith.constant 0 : i32
      %dma_start3A_104 = tpu.memref_slice %arg9[%add3A_19, %dma_start3A_103] : memref<10240x128xf32, #tpu.memory_space<vmem_shared>> -> memref<128x128xf32, #tpu.memory_space<vmem_shared>>
      tpu.enqueue_dma source(%arg6 : memref<128x128xf32, #tpu.memory_space<vmem>>) target(%dma_start3A_104 : memref<128x128xf32, #tpu.memory_space<vmem_shared>>) target_semaphore(%run_scoped3A_100 : memref<!tpu.dma_semaphore, #tpu.memory_space<semaphore_mem>>)
      %dma_wait3A_105 = arith.constant 0 : i32
      %dma_wait3A_106 = tpu.memref_slice %arg9[%add3A_19, %dma_wait3A_105] : memref<10240x128xf32, #tpu.memory_space<vmem_shared>> -> memref<128x128xf32, #tpu.memory_space<vmem_shared>>
      %dma_wait3A_107 = arith.constant 0 : i32
      %dma_wait3A_108 = tpu.memref_slice %arg9[%add3A_19, %dma_wait3A_107] : memref<10240x128xf32, #tpu.memory_space<vmem_shared>> -> memref<128x128xf32, #tpu.memory_space<vmem_shared>>
      tpu.wait_dma2 semaphore(%run_scoped3A_100 : memref<!tpu.dma_semaphore, #tpu.memory_space<semaphore_mem>>) src(%arg6 : memref<128x128xf32, #tpu.memory_space<vmem>>) dst(%dma_wait3A_108 : memref<128x128xf32, #tpu.memory_space<vmem_shared>>)
      tpu.yield
    }) : () -> ()
    %barrier3A = arith.constant 0 : index
    tpu.barrier barrier_id(%barrier3A)
    "tpu.region"() ({
      %run_scoped3A_100 = tpu.sem_alloc : memref<!tpu.dma_semaphore, #tpu.memory_space<semaphore_mem>>
      %dma_start3A_101 = arith.constant 0 : i32
      %dma_start3A_102 = arith.constant 0 : i32
      %dma_start3A_103 = arith.constant 0 : i32
      %dma_start3A_104 = tpu.memref_slice %arg3[%add3A, %dma_start3A_101, %dma_start3A_102, %dma_start3A_103] : memref<32x80x2x128xi32, #tpu.memory_space<hbm>> -> memref<1x80x2x128xi32, #tpu.memory_space<hbm>>
      %dma_start3A_105 = tpu.memref_squeeze %dma_start3A_104 : memref<1x80x2x128xi32, #tpu.memory_space<hbm>> -> memref<80x2x128xi32, #tpu.memory_space<hbm>>
      %dma_start3A_106 = arith.constant 0 : i32
      %dma_start3A_107 = arith.constant 0 : i32
      %dma_start3A_108 = arith.constant 0 : i32
      %dma_start3A_109 = tpu.memref_slice %dma_start3A_105[%dma_start3A_106, %dma_start3A_107, %dma_start3A_108] : memref<80x2x128xi32, #tpu.memory_space<hbm>> -> memref<40x2x128xi32, #tpu.memory_space<hbm>>
      %dma_start3A_110 = arith.constant 0 : i32
      %dma_start3A_111 = arith.constant 0 : i32
      %dma_start3A_112 = arith.constant 0 : i32
      %dma_start3A_113 = tpu.memref_slice %arg3[%add3A, %dma_start3A_110, %dma_start3A_111, %dma_start3A_112] : memref<32x80x2x128xi32, #tpu.memory_space<hbm>> -> memref<1x80x2x128xi32, #tpu.memory_space<hbm>>
      %dma_start3A_114 = tpu.memref_squeeze %dma_start3A_113 : memref<1x80x2x128xi32, #tpu.memory_space<hbm>> -> memref<80x2x128xi32, #tpu.memory_space<hbm>>
      %dma_start3A_115 = arith.constant 0 : i32
      %dma_start3A_116 = arith.constant 0 : i32
      %dma_start3A_117 = arith.constant 0 : i32
      %dma_start3A_118 = tpu.memref_slice %dma_start3A_114[%dma_start3A_115, %dma_start3A_116, %dma_start3A_117] : memref<80x2x128xi32, #tpu.memory_space<hbm>> -> memref<40x2x128xi32, #tpu.memory_space<hbm>>
      tpu.enqueue_dma source(%dma_start3A_118 : memref<40x2x128xi32, #tpu.memory_space<hbm>>) target(%arg5 : memref<40x2x128xi32, #tpu.memory_space<vmem>>) target_semaphore(%run_scoped3A_100 : memref<!tpu.dma_semaphore, #tpu.memory_space<semaphore_mem>>)
      %dma_wait3A_119 = arith.constant 0 : i32
      %dma_wait3A_120 = arith.constant 0 : i32
      %dma_wait3A_121 = arith.constant 0 : i32
      %dma_wait3A_122 = tpu.memref_slice %arg3[%add3A, %dma_wait3A_119, %dma_wait3A_120, %dma_wait3A_121] : memref<32x80x2x128xi32, #tpu.memory_space<hbm>> -> memref<1x80x2x128xi32, #tpu.memory_space<hbm>>
      %dma_wait3A_123 = tpu.memref_squeeze %dma_wait3A_122 : memref<1x80x2x128xi32, #tpu.memory_space<hbm>> -> memref<80x2x128xi32, #tpu.memory_space<hbm>>
      %dma_wait3A_124 = arith.constant 0 : i32
      %dma_wait3A_125 = arith.constant 0 : i32
      %dma_wait3A_126 = arith.constant 0 : i32
      %dma_wait3A_127 = tpu.memref_slice %dma_wait3A_123[%dma_wait3A_124, %dma_wait3A_125, %dma_wait3A_126] : memref<80x2x128xi32, #tpu.memory_space<hbm>> -> memref<40x2x128xi32, #tpu.memory_space<hbm>>
      %dma_wait3A_128 = arith.constant 0 : i32
      %dma_wait3A_129 = arith.constant 0 : i32
      %dma_wait3A_130 = arith.constant 0 : i32
      %dma_wait3A_131 = tpu.memref_slice %arg3[%add3A, %dma_wait3A_128, %dma_wait3A_129, %dma_wait3A_130] : memref<32x80x2x128xi32, #tpu.memory_space<hbm>> -> memref<1x80x2x128xi32, #tpu.memory_space<hbm>>
      %dma_wait3A_132 = tpu.memref_squeeze %dma_wait3A_131 : memref<1x80x2x128xi32, #tpu.memory_space<hbm>> -> memref<80x2x128xi32, #tpu.memory_space<hbm>>
      %dma_wait3A_133 = arith.constant 0 : i32
      %dma_wait3A_134 = arith.constant 0 : i32
      %dma_wait3A_135 = arith.constant 0 : i32
      %dma_wait3A_136 = tpu.memref_slice %dma_wait3A_132[%dma_wait3A_133, %dma_wait3A_134, %dma_wait3A_135] : memref<80x2x128xi32, #tpu.memory_space<hbm>> -> memref<40x2x128xi32, #tpu.memory_space<hbm>>
      tpu.wait_dma2 semaphore(%run_scoped3A_100 : memref<!tpu.dma_semaphore, #tpu.memory_space<semaphore_mem>>) src(%dma_wait3A_136 : memref<40x2x128xi32, #tpu.memory_space<hbm>>) dst(%arg5 : memref<40x2x128xi32, #tpu.memory_space<vmem>>)
      tpu.yield
    }) : () -> ()
    %dma_start3A = arith.constant 0 : i32
    %dma_start3A_20 = arith.constant 0 : i32
    %dma_start3A_21 = arith.constant 0 : i32
    %dma_start3A_22 = tpu.memref_slice %arg5[%dma_start3A, %dma_start3A_20, %dma_start3A_21] : memref<40x2x128xi32, #tpu.memory_space<vmem>> -> memref<1x1x128xi32, #tpu.memory_space<vmem>>
    %dma_start3A_23 = tpu.memref_squeeze %dma_start3A_22 : memref<1x1x128xi32, #tpu.memory_space<vmem>> -> memref<128xi32, #tpu.memory_space<vmem>>
    %dma_start3A_24 = arith.constant 0 : i32
    %dma_start3A_25 = arith.constant 0 : i32
    %dma_start3A_26 = tpu.memref_slice %arg2[%dma_start3A_24, %dma_start3A_25] : memref<10000x128xf32, #tpu.memory_space<hbm>> -> memref<10000x128xf32, #tpu.memory_space<hbm>>
    tpu.enqueue_indirect_dma source(%dma_start3A_26 : memref<10000x128xf32, #tpu.memory_space<hbm>>) target(%arg6 : memref<128x128xf32, #tpu.memory_space<vmem>>) offsets(%dma_start3A_23 : memref<128xi32, #tpu.memory_space<vmem>>) semaphore(%arg11 : memref<!tpu.dma_semaphore, #tpu.memory_space<semaphore_mem>>)
    %dma_start3A_27 = arith.constant 1 : i32
    %dma_start3A_28 = arith.constant 0 : i32
    %dma_start3A_29 = arith.constant 0 : i32
    %dma_start3A_30 = tpu.memref_slice %arg5[%dma_start3A_27, %dma_start3A_28, %dma_start3A_29] : memref<40x2x128xi32, #tpu.memory_space<vmem>> -> memref<1x1x128xi32, #tpu.memory_space<vmem>>
    %dma_start3A_31 = tpu.memref_squeeze %dma_start3A_30 : memref<1x1x128xi32, #tpu.memory_space<vmem>> -> memref<128xi32, #tpu.memory_space<vmem>>
    %dma_start3A_32 = arith.constant 0 : i32
    %dma_start3A_33 = arith.constant 0 : i32
    %dma_start3A_34 = tpu.memref_slice %arg2[%dma_start3A_32, %dma_start3A_33] : memref<10000x128xf32, #tpu.memory_space<hbm>> -> memref<10000x128xf32, #tpu.memory_space<hbm>>
    tpu.enqueue_indirect_dma source(%dma_start3A_34 : memref<10000x128xf32, #tpu.memory_space<hbm>>) target(%arg7 : memref<128x128xf32, #tpu.memory_space<vmem>>) offsets(%dma_start3A_31 : memref<128xi32, #tpu.memory_space<vmem>>) semaphore(%arg12 : memref<!tpu.dma_semaphore, #tpu.memory_space<semaphore_mem>>)
    %scan3A_35 = arith.constant 0 : i32
    %scan3A_36 = arith.constant 19 : i32
    %scan3A_37 = arith.addi %scan3A_35, %scan3A_36 : i32
    %scan3A_38 = arith.constant 1 : i32
    scf.for %scan3A_100 = %scan3A_35 to %scan3A_37 step %scan3A_38  : i32 {
      %mul3A_101 = arith.constant 1 : i32
      %mul3A_102 = arith.muli %scan3A_100, %mul3A_101 : i32
      %add3A_103 = arith.constant 0 : i32
      %add3A_104 = arith.addi %add3A_103, %mul3A_102 : i32
      %mul3A_105 = arith.constant 2 : i32
      %mul3A_106 = arith.muli %add3A_104, %mul3A_105 : i32
      %dma_wait3A_107 = arith.constant 0 : i32
      %dma_wait3A_108 = arith.constant 0 : i32
      %dma_wait3A_109 = tpu.memref_slice %arg5[%mul3A_106, %dma_wait3A_107, %dma_wait3A_108] : memref<40x2x128xi32, #tpu.memory_space<vmem>> -> memref<1x1x128xi32, #tpu.memory_space<vmem>>
      %dma_wait3A_110 = tpu.memref_squeeze %dma_wait3A_109 : memref<1x1x128xi32, #tpu.memory_space<vmem>> -> memref<128xi32, #tpu.memory_space<vmem>>
      %dma_wait3A_111 = arith.constant 0 : i32
      %dma_wait3A_112 = arith.constant 0 : i32
      %dma_wait3A_113 = tpu.memref_slice %arg2[%dma_wait3A_111, %dma_wait3A_112] : memref<10000x128xf32, #tpu.memory_space<hbm>> -> memref<10000x128xf32, #tpu.memory_space<hbm>>
      tpu.wait_indirect_dma semaphore(%arg11 : memref<!tpu.dma_semaphore, #tpu.memory_space<semaphore_mem>>) src(%dma_wait3A_113 : memref<10000x128xf32, #tpu.memory_space<hbm>>) dst(%arg6 : memref<128x128xf32, #tpu.memory_space<vmem>>)
      %run_scoped3A_114 = arith.constant 1 : i32
      "tpu.region"() ({
        %run_scoped3A_145 = tpu.sem_alloc : memref<!tpu.dma_semaphore, #tpu.memory_space<semaphore_mem>>
        %dma_start3A_146 = arith.constant 0 : i32
        %dma_start3A_147 = tpu.memref_slice %arg5[%mul3A_106, %run_scoped3A_114, %dma_start3A_146] : memref<40x2x128xi32, #tpu.memory_space<vmem>> -> memref<1x1x128xi32, #tpu.memory_space<vmem>>
        %dma_start3A_148 = tpu.memref_squeeze %dma_start3A_147 : memref<1x1x128xi32, #tpu.memory_space<vmem>> -> memref<128xi32, #tpu.memory_space<vmem>>
        %dma_start3A_149 = arith.constant 0 : i32
        %dma_start3A_150 = arith.constant 0 : i32
        %dma_start3A_151 = tpu.memref_slice %arg9[%dma_start3A_149, %dma_start3A_150] : memref<10240x128xf32, #tpu.memory_space<vmem_shared>> -> memref<10240x128xf32, #tpu.memory_space<vmem_shared>>
        tpu.enqueue_indirect_dma source(%arg6 : memref<128x128xf32, #tpu.memory_space<vmem>>) target(%dma_start3A_151 : memref<10240x128xf32, #tpu.memory_space<vmem_shared>>) offsets(%dma_start3A_148 : memref<128xi32, #tpu.memory_space<vmem>>) semaphore(%run_scoped3A_145 : memref<!tpu.dma_semaphore, #tpu.memory_space<semaphore_mem>>) {add = true}
        %dma_wait3A_152 = arith.constant 0 : i32
        %dma_wait3A_153 = tpu.memref_slice %arg5[%mul3A_106, %run_scoped3A_114, %dma_wait3A_152] : memref<40x2x128xi32, #tpu.memory_space<vmem>> -> memref<1x1x128xi32, #tpu.memory_space<vmem>>
        %dma_wait3A_154 = tpu.memref_squeeze %dma_wait3A_153 : memref<1x1x128xi32, #tpu.memory_space<vmem>> -> memref<128xi32, #tpu.memory_space<vmem>>
        %dma_wait3A_155 = arith.constant 0 : i32
        %dma_wait3A_156 = arith.constant 0 : i32
        %dma_wait3A_157 = tpu.memref_slice %arg9[%dma_wait3A_155, %dma_wait3A_156] : memref<10240x128xf32, #tpu.memory_space<vmem_shared>> -> memref<10240x128xf32, #tpu.memory_space<vmem_shared>>
        tpu.wait_indirect_dma semaphore(%run_scoped3A_145 : memref<!tpu.dma_semaphore, #tpu.memory_space<semaphore_mem>>) src(%arg6 : memref<128x128xf32, #tpu.memory_space<vmem>>) dst(%dma_wait3A_157 : memref<10240x128xf32, #tpu.memory_space<vmem_shared>>)
        tpu.yield
      }) : () -> ()
      %add3A_115 = arith.constant 2 : i32
      %add3A_116 = arith.addi %mul3A_106, %add3A_115 : i32
      %dma_start3A_117 = arith.constant 0 : i32
      %dma_start3A_118 = arith.constant 0 : i32
      %dma_start3A_119 = tpu.memref_slice %arg5[%add3A_116, %dma_start3A_117, %dma_start3A_118] : memref<40x2x128xi32, #tpu.memory_space<vmem>> -> memref<1x1x128xi32, #tpu.memory_space<vmem>>
      %dma_start3A_120 = tpu.memref_squeeze %dma_start3A_119 : memref<1x1x128xi32, #tpu.memory_space<vmem>> -> memref<128xi32, #tpu.memory_space<vmem>>
      %dma_start3A_121 = arith.constant 0 : i32
      %dma_start3A_122 = arith.constant 0 : i32
      %dma_start3A_123 = tpu.memref_slice %arg2[%dma_start3A_121, %dma_start3A_122] : memref<10000x128xf32, #tpu.memory_space<hbm>> -> memref<10000x128xf32, #tpu.memory_space<hbm>>
      tpu.enqueue_indirect_dma source(%dma_start3A_123 : memref<10000x128xf32, #tpu.memory_space<hbm>>) target(%arg6 : memref<128x128xf32, #tpu.memory_space<vmem>>) offsets(%dma_start3A_120 : memref<128xi32, #tpu.memory_space<vmem>>) semaphore(%arg11 : memref<!tpu.dma_semaphore, #tpu.memory_space<semaphore_mem>>)
      %add3A_124 = arith.constant 1 : i32
      %add3A_125 = arith.addi %mul3A_106, %add3A_124 : i32
      %dma_wait3A_126 = arith.constant 0 : i32
      %dma_wait3A_127 = arith.constant 0 : i32
      %dma_wait3A_128 = tpu.memref_slice %arg5[%add3A_125, %dma_wait3A_126, %dma_wait3A_127] : memref<40x2x128xi32, #tpu.memory_space<vmem>> -> memref<1x1x128xi32, #tpu.memory_space<vmem>>
      %dma_wait3A_129 = tpu.memref_squeeze %dma_wait3A_128 : memref<1x1x128xi32, #tpu.memory_space<vmem>> -> memref<128xi32, #tpu.memory_space<vmem>>
      %dma_wait3A_130 = arith.constant 0 : i32
      %dma_wait3A_131 = arith.constant 0 : i32
      %dma_wait3A_132 = tpu.memref_slice %arg2[%dma_wait3A_130, %dma_wait3A_131] : memref<10000x128xf32, #tpu.memory_space<hbm>> -> memref<10000x128xf32, #tpu.memory_space<hbm>>
      tpu.wait_indirect_dma semaphore(%arg12 : memref<!tpu.dma_semaphore, #tpu.memory_space<semaphore_mem>>) src(%dma_wait3A_132 : memref<10000x128xf32, #tpu.memory_space<hbm>>) dst(%arg7 : memref<128x128xf32, #tpu.memory_space<vmem>>)
      %add3A_133 = arith.constant 1 : i32
      %add3A_134 = arith.addi %mul3A_106, %add3A_133 : i32
      %run_scoped3A_135 = arith.constant 1 : i32
      "tpu.region"() ({
        %run_scoped3A_145 = tpu.sem_alloc : memref<!tpu.dma_semaphore, #tpu.memory_space<semaphore_mem>>
        %dma_start3A_146 = arith.constant 0 : i32
        %dma_start3A_147 = tpu.memref_slice %arg5[%add3A_134, %run_scoped3A_135, %dma_start3A_146] : memref<40x2x128xi32, #tpu.memory_space<vmem>> -> memref<1x1x128xi32, #tpu.memory_space<vmem>>
        %dma_start3A_148 = tpu.memref_squeeze %dma_start3A_147 : memref<1x1x128xi32, #tpu.memory_space<vmem>> -> memref<128xi32, #tpu.memory_space<vmem>>
        %dma_start3A_149 = arith.constant 0 : i32
        %dma_start3A_150 = arith.constant 0 : i32
        %dma_start3A_151 = tpu.memref_slice %arg9[%dma_start3A_149, %dma_start3A_150] : memref<10240x128xf32, #tpu.memory_space<vmem_shared>> -> memref<10240x128xf32, #tpu.memory_space<vmem_shared>>
        tpu.enqueue_indirect_dma source(%arg7 : memref<128x128xf32, #tpu.memory_space<vmem>>) target(%dma_start3A_151 : memref<10240x128xf32, #tpu.memory_space<vmem_shared>>) offsets(%dma_start3A_148 : memref<128xi32, #tpu.memory_space<vmem>>) semaphore(%run_scoped3A_145 : memref<!tpu.dma_semaphore, #tpu.memory_space<semaphore_mem>>) {add = true}
        %dma_wait3A_152 = arith.constant 0 : i32
        %dma_wait3A_153 = tpu.memref_slice %arg5[%add3A_134, %run_scoped3A_135, %dma_wait3A_152] : memref<40x2x128xi32, #tpu.memory_space<vmem>> -> memref<1x1x128xi32, #tpu.memory_space<vmem>>
        %dma_wait3A_154 = tpu.memref_squeeze %dma_wait3A_153 : memref<1x1x128xi32, #tpu.memory_space<vmem>> -> memref<128xi32, #tpu.memory_space<vmem>>
        %dma_wait3A_155 = arith.constant 0 : i32
        %dma_wait3A_156 = arith.constant 0 : i32
        %dma_wait3A_157 = tpu.memref_slice %arg9[%dma_wait3A_155, %dma_wait3A_156] : memref<10240x128xf32, #tpu.memory_space<vmem_shared>> -> memref<10240x128xf32, #tpu.memory_space<vmem_shared>>
        tpu.wait_indirect_dma semaphore(%run_scoped3A_145 : memref<!tpu.dma_semaphore, #tpu.memory_space<semaphore_mem>>) src(%arg7 : memref<128x128xf32, #tpu.memory_space<vmem>>) dst(%dma_wait3A_157 : memref<10240x128xf32, #tpu.memory_space<vmem_shared>>)
        tpu.yield
      }) : () -> ()
      %add3A_136 = arith.constant 3 : i32
      %add3A_137 = arith.addi %mul3A_106, %add3A_136 : i32
      %dma_start3A_138 = arith.constant 0 : i32
      %dma_start3A_139 = arith.constant 0 : i32
      %dma_start3A_140 = tpu.memref_slice %arg5[%add3A_137, %dma_start3A_138, %dma_start3A_139] : memref<40x2x128xi32, #tpu.memory_space<vmem>> -> memref<1x1x128xi32, #tpu.memory_space<vmem>>
      %dma_start3A_141 = tpu.memref_squeeze %dma_start3A_140 : memref<1x1x128xi32, #tpu.memory_space<vmem>> -> memref<128xi32, #tpu.memory_space<vmem>>
      %dma_start3A_142 = arith.constant 0 : i32
      %dma_start3A_143 = arith.constant 0 : i32
      %dma_start3A_144 = tpu.memref_slice %arg2[%dma_start3A_142, %dma_start3A_143] : memref<10000x128xf32, #tpu.memory_space<hbm>> -> memref<10000x128xf32, #tpu.memory_space<hbm>>
      tpu.enqueue_indirect_dma source(%dma_start3A_144 : memref<10000x128xf32, #tpu.memory_space<hbm>>) target(%arg7 : memref<128x128xf32, #tpu.memory_space<vmem>>) offsets(%dma_start3A_141 : memref<128xi32, #tpu.memory_space<vmem>>) semaphore(%arg12 : memref<!tpu.dma_semaphore, #tpu.memory_space<semaphore_mem>>)
    }
    %scan3A_39 = arith.constant 19 : i32
    %dma_wait3A = arith.constant 38 : i32
    %dma_wait3A_40 = arith.constant 0 : i32
    %dma_wait3A_41 = arith.constant 0 : i32
    %dma_wait3A_42 = tpu.memref_slice %arg5[%dma_wait3A, %dma_wait3A_40, %dma_wait3A_41] : memref<40x2x128xi32, #tpu.memory_space<vmem>> -> memref<1x1x128xi32, #tpu.memory_space<vmem>>
    %dma_wait3A_43 = tpu.memref_squeeze %dma_wait3A_42 : memref<1x1x128xi32, #tpu.memory_space<vmem>> -> memref<128xi32, #tpu.memory_space<vmem>>
    %dma_wait3A_44 = arith.constant 0 : i32
    %dma_wait3A_45 = arith.constant 0 : i32
    %dma_wait3A_46 = tpu.memref_slice %arg2[%dma_wait3A_44, %dma_wait3A_45] : memref<10000x128xf32, #tpu.memory_space<hbm>> -> memref<10000x128xf32, #tpu.memory_space<hbm>>
    tpu.wait_indirect_dma semaphore(%arg11 : memref<!tpu.dma_semaphore, #tpu.memory_space<semaphore_mem>>) src(%dma_wait3A_46 : memref<10000x128xf32, #tpu.memory_space<hbm>>) dst(%arg6 : memref<128x128xf32, #tpu.memory_space<vmem>>)
    %run_scoped3A = arith.constant 38 : i32
    %run_scoped3A_47 = arith.constant 1 : i32
    "tpu.region"() ({
      %run_scoped3A_100 = tpu.sem_alloc : memref<!tpu.dma_semaphore, #tpu.memory_space<semaphore_mem>>
      %dma_start3A_101 = arith.constant 0 : i32
      %dma_start3A_102 = tpu.memref_slice %arg5[%run_scoped3A, %run_scoped3A_47, %dma_start3A_101] : memref<40x2x128xi32, #tpu.memory_space<vmem>> -> memref<1x1x128xi32, #tpu.memory_space<vmem>>
      %dma_start3A_103 = tpu.memref_squeeze %dma_start3A_102 : memref<1x1x128xi32, #tpu.memory_space<vmem>> -> memref<128xi32, #tpu.memory_space<vmem>>
      %dma_start3A_104 = arith.constant 0 : i32
      %dma_start3A_105 = arith.constant 0 : i32
      %dma_start3A_106 = tpu.memref_slice %arg9[%dma_start3A_104, %dma_start3A_105] : memref<10240x128xf32, #tpu.memory_space<vmem_shared>> -> memref<10240x128xf32, #tpu.memory_space<vmem_shared>>
      tpu.enqueue_indirect_dma source(%arg6 : memref<128x128xf32, #tpu.memory_space<vmem>>) target(%dma_start3A_106 : memref<10240x128xf32, #tpu.memory_space<vmem_shared>>) offsets(%dma_start3A_103 : memref<128xi32, #tpu.memory_space<vmem>>) semaphore(%run_scoped3A_100 : memref<!tpu.dma_semaphore, #tpu.memory_space<semaphore_mem>>) {add = true}
      %dma_wait3A_107 = arith.constant 0 : i32
      %dma_wait3A_108 = tpu.memref_slice %arg5[%run_scoped3A, %run_scoped3A_47, %dma_wait3A_107] : memref<40x2x128xi32, #tpu.memory_space<vmem>> -> memref<1x1x128xi32, #tpu.memory_space<vmem>>
      %dma_wait3A_109 = tpu.memref_squeeze %dma_wait3A_108 : memref<1x1x128xi32, #tpu.memory_space<vmem>> -> memref<128xi32, #tpu.memory_space<vmem>>
      %dma_wait3A_110 = arith.constant 0 : i32
      %dma_wait3A_111 = arith.constant 0 : i32
      %dma_wait3A_112 = tpu.memref_slice %arg9[%dma_wait3A_110, %dma_wait3A_111] : memref<10240x128xf32, #tpu.memory_space<vmem_shared>> -> memref<10240x128xf32, #tpu.memory_space<vmem_shared>>
      tpu.wait_indirect_dma semaphore(%run_scoped3A_100 : memref<!tpu.dma_semaphore, #tpu.memory_space<semaphore_mem>>) src(%arg6 : memref<128x128xf32, #tpu.memory_space<vmem>>) dst(%dma_wait3A_112 : memref<10240x128xf32, #tpu.memory_space<vmem_shared>>)
      tpu.yield
    }) : () -> ()
    %dma_wait3A_48 = arith.constant 39 : i32
    %dma_wait3A_49 = arith.constant 0 : i32
    %dma_wait3A_50 = arith.constant 0 : i32
    %dma_wait3A_51 = tpu.memref_slice %arg5[%dma_wait3A_48, %dma_wait3A_49, %dma_wait3A_50] : memref<40x2x128xi32, #tpu.memory_space<vmem>> -> memref<1x1x128xi32, #tpu.memory_space<vmem>>
    %dma_wait3A_52 = tpu.memref_squeeze %dma_wait3A_51 : memref<1x1x128xi32, #tpu.memory_space<vmem>> -> memref<128xi32, #tpu.memory_space<vmem>>
    %dma_wait3A_53 = arith.constant 0 : i32
    %dma_wait3A_54 = arith.constant 0 : i32
    %dma_wait3A_55 = tpu.memref_slice %arg2[%dma_wait3A_53, %dma_wait3A_54] : memref<10000x128xf32, #tpu.memory_space<hbm>> -> memref<10000x128xf32, #tpu.memory_space<hbm>>
    tpu.wait_indirect_dma semaphore(%arg12 : memref<!tpu.dma_semaphore, #tpu.memory_space<semaphore_mem>>) src(%dma_wait3A_55 : memref<10000x128xf32, #tpu.memory_space<hbm>>) dst(%arg7 : memref<128x128xf32, #tpu.memory_space<vmem>>)
    %run_scoped3A_56 = arith.constant 39 : i32
    %run_scoped3A_57 = arith.constant 1 : i32
    "tpu.region"() ({
      %run_scoped3A_100 = tpu.sem_alloc : memref<!tpu.dma_semaphore, #tpu.memory_space<semaphore_mem>>
      %dma_start3A_101 = arith.constant 0 : i32
      %dma_start3A_102 = tpu.memref_slice %arg5[%run_scoped3A_56, %run_scoped3A_57, %dma_start3A_101] : memref<40x2x128xi32, #tpu.memory_space<vmem>> -> memref<1x1x128xi32, #tpu.memory_space<vmem>>
      %dma_start3A_103 = tpu.memref_squeeze %dma_start3A_102 : memref<1x1x128xi32, #tpu.memory_space<vmem>> -> memref<128xi32, #tpu.memory_space<vmem>>
      %dma_start3A_104 = arith.constant 0 : i32
      %dma_start3A_105 = arith.constant 0 : i32
      %dma_start3A_106 = tpu.memref_slice %arg9[%dma_start3A_104, %dma_start3A_105] : memref<10240x128xf32, #tpu.memory_space<vmem_shared>> -> memref<10240x128xf32, #tpu.memory_space<vmem_shared>>
      tpu.enqueue_indirect_dma source(%arg7 : memref<128x128xf32, #tpu.memory_space<vmem>>) target(%dma_start3A_106 : memref<10240x128xf32, #tpu.memory_space<vmem_shared>>) offsets(%dma_start3A_103 : memref<128xi32, #tpu.memory_space<vmem>>) semaphore(%run_scoped3A_100 : memref<!tpu.dma_semaphore, #tpu.memory_space<semaphore_mem>>) {add = true}
      %dma_wait3A_107 = arith.constant 0 : i32
      %dma_wait3A_108 = tpu.memref_slice %arg5[%run_scoped3A_56, %run_scoped3A_57, %dma_wait3A_107] : memref<40x2x128xi32, #tpu.memory_space<vmem>> -> memref<1x1x128xi32, #tpu.memory_space<vmem>>
      %dma_wait3A_109 = tpu.memref_squeeze %dma_wait3A_108 : memref<1x1x128xi32, #tpu.memory_space<vmem>> -> memref<128xi32, #tpu.memory_space<vmem>>
      %dma_wait3A_110 = arith.constant 0 : i32
      %dma_wait3A_111 = arith.constant 0 : i32
      %dma_wait3A_112 = tpu.memref_slice %arg9[%dma_wait3A_110, %dma_wait3A_111] : memref<10240x128xf32, #tpu.memory_space<vmem_shared>> -> memref<10240x128xf32, #tpu.memory_space<vmem_shared>>
      tpu.wait_indirect_dma semaphore(%run_scoped3A_100 : memref<!tpu.dma_semaphore, #tpu.memory_space<semaphore_mem>>) src(%arg7 : memref<128x128xf32, #tpu.memory_space<vmem>>) dst(%dma_wait3A_112 : memref<10240x128xf32, #tpu.memory_space<vmem_shared>>)
      tpu.yield
    }) : () -> ()
    "tpu.region"() ({
      %run_scoped3A_100 = tpu.sem_alloc : memref<!tpu.dma_semaphore, #tpu.memory_space<semaphore_mem>>
      %dma_start3A_101 = arith.constant 0 : i32
      %dma_start3A_102 = arith.constant 0 : i32
      %dma_start3A_103 = arith.constant 0 : i32
      %dma_start3A_104 = tpu.memref_slice %arg3[%add3A, %dma_start3A_101, %dma_start3A_102, %dma_start3A_103] : memref<32x80x2x128xi32, #tpu.memory_space<hbm>> -> memref<1x80x2x128xi32, #tpu.memory_space<hbm>>
      %dma_start3A_105 = tpu.memref_squeeze %dma_start3A_104 : memref<1x80x2x128xi32, #tpu.memory_space<hbm>> -> memref<80x2x128xi32, #tpu.memory_space<hbm>>
      %dma_start3A_106 = arith.constant 40 : i32
      %dma_start3A_107 = arith.constant 0 : i32
      %dma_start3A_108 = arith.constant 0 : i32
      %dma_start3A_109 = tpu.memref_slice %dma_start3A_105[%dma_start3A_106, %dma_start3A_107, %dma_start3A_108] : memref<80x2x128xi32, #tpu.memory_space<hbm>> -> memref<40x2x128xi32, #tpu.memory_space<hbm>>
      %dma_start3A_110 = arith.constant 0 : i32
      %dma_start3A_111 = arith.constant 0 : i32
      %dma_start3A_112 = arith.constant 0 : i32
      %dma_start3A_113 = tpu.memref_slice %arg3[%add3A, %dma_start3A_110, %dma_start3A_111, %dma_start3A_112] : memref<32x80x2x128xi32, #tpu.memory_space<hbm>> -> memref<1x80x2x128xi32, #tpu.memory_space<hbm>>
      %dma_start3A_114 = tpu.memref_squeeze %dma_start3A_113 : memref<1x80x2x128xi32, #tpu.memory_space<hbm>> -> memref<80x2x128xi32, #tpu.memory_space<hbm>>
      %dma_start3A_115 = arith.constant 40 : i32
      %dma_start3A_116 = arith.constant 0 : i32
      %dma_start3A_117 = arith.constant 0 : i32
      %dma_start3A_118 = tpu.memref_slice %dma_start3A_114[%dma_start3A_115, %dma_start3A_116, %dma_start3A_117] : memref<80x2x128xi32, #tpu.memory_space<hbm>> -> memref<40x2x128xi32, #tpu.memory_space<hbm>>
      tpu.enqueue_dma source(%dma_start3A_118 : memref<40x2x128xi32, #tpu.memory_space<hbm>>) target(%arg5 : memref<40x2x128xi32, #tpu.memory_space<vmem>>) target_semaphore(%run_scoped3A_100 : memref<!tpu.dma_semaphore, #tpu.memory_space<semaphore_mem>>)
      %dma_wait3A_119 = arith.constant 0 : i32
      %dma_wait3A_120 = arith.constant 0 : i32
      %dma_wait3A_121 = arith.constant 0 : i32
      %dma_wait3A_122 = tpu.memref_slice %arg3[%add3A, %dma_wait3A_119, %dma_wait3A_120, %dma_wait3A_121] : memref<32x80x2x128xi32, #tpu.memory_space<hbm>> -> memref<1x80x2x128xi32, #tpu.memory_space<hbm>>
      %dma_wait3A_123 = tpu.memref_squeeze %dma_wait3A_122 : memref<1x80x2x128xi32, #tpu.memory_space<hbm>> -> memref<80x2x128xi32, #tpu.memory_space<hbm>>
      %dma_wait3A_124 = arith.constant 40 : i32
      %dma_wait3A_125 = arith.constant 0 : i32
      %dma_wait3A_126 = arith.constant 0 : i32
      %dma_wait3A_127 = tpu.memref_slice %dma_wait3A_123[%dma_wait3A_124, %dma_wait3A_125, %dma_wait3A_126] : memref<80x2x128xi32, #tpu.memory_space<hbm>> -> memref<40x2x128xi32, #tpu.memory_space<hbm>>
      %dma_wait3A_128 = arith.constant 0 : i32
      %dma_wait3A_129 = arith.constant 0 : i32
      %dma_wait3A_130 = arith.constant 0 : i32
      %dma_wait3A_131 = tpu.memref_slice %arg3[%add3A, %dma_wait3A_128, %dma_wait3A_129, %dma_wait3A_130] : memref<32x80x2x128xi32, #tpu.memory_space<hbm>> -> memref<1x80x2x128xi32, #tpu.memory_space<hbm>>
      %dma_wait3A_132 = tpu.memref_squeeze %dma_wait3A_131 : memref<1x80x2x128xi32, #tpu.memory_space<hbm>> -> memref<80x2x128xi32, #tpu.memory_space<hbm>>
      %dma_wait3A_133 = arith.constant 40 : i32
      %dma_wait3A_134 = arith.constant 0 : i32
      %dma_wait3A_135 = arith.constant 0 : i32
      %dma_wait3A_136 = tpu.memref_slice %dma_wait3A_132[%dma_wait3A_133, %dma_wait3A_134, %dma_wait3A_135] : memref<80x2x128xi32, #tpu.memory_space<hbm>> -> memref<40x2x128xi32, #tpu.memory_space<hbm>>
      tpu.wait_dma2 semaphore(%run_scoped3A_100 : memref<!tpu.dma_semaphore, #tpu.memory_space<semaphore_mem>>) src(%dma_wait3A_136 : memref<40x2x128xi32, #tpu.memory_space<hbm>>) dst(%arg5 : memref<40x2x128xi32, #tpu.memory_space<vmem>>)
      tpu.yield
    }) : () -> ()
    %dma_start3A_58 = arith.constant 0 : i32
    %dma_start3A_59 = arith.constant 0 : i32
    %dma_start3A_60 = arith.constant 0 : i32
    %dma_start3A_61 = tpu.memref_slice %arg5[%dma_start3A_58, %dma_start3A_59, %dma_start3A_60] : memref<40x2x128xi32, #tpu.memory_space<vmem>> -> memref<1x1x128xi32, #tpu.memory_space<vmem>>
    %dma_start3A_62 = tpu.memref_squeeze %dma_start3A_61 : memref<1x1x128xi32, #tpu.memory_space<vmem>> -> memref<128xi32, #tpu.memory_space<vmem>>
    %dma_start3A_63 = arith.constant 0 : i32
    %dma_start3A_64 = arith.constant 0 : i32
    %dma_start3A_65 = tpu.memref_slice %arg2[%dma_start3A_63, %dma_start3A_64] : memref<10000x128xf32, #tpu.memory_space<hbm>> -> memref<10000x128xf32, #tpu.memory_space<hbm>>
    tpu.enqueue_indirect_dma source(%dma_start3A_65 : memref<10000x128xf32, #tpu.memory_space<hbm>>) target(%arg6 : memref<128x128xf32, #tpu.memory_space<vmem>>) offsets(%dma_start3A_62 : memref<128xi32, #tpu.memory_space<vmem>>) semaphore(%arg11 : memref<!tpu.dma_semaphore, #tpu.memory_space<semaphore_mem>>)
    %dma_start3A_66 = arith.constant 1 : i32
    %dma_start3A_67 = arith.constant 0 : i32
    %dma_start3A_68 = arith.constant 0 : i32
    %dma_start3A_69 = tpu.memref_slice %arg5[%dma_start3A_66, %dma_start3A_67, %dma_start3A_68] : memref<40x2x128xi32, #tpu.memory_space<vmem>> -> memref<1x1x128xi32, #tpu.memory_space<vmem>>
    %dma_start3A_70 = tpu.memref_squeeze %dma_start3A_69 : memref<1x1x128xi32, #tpu.memory_space<vmem>> -> memref<128xi32, #tpu.memory_space<vmem>>
    %dma_start3A_71 = arith.constant 0 : i32
    %dma_start3A_72 = arith.constant 0 : i32
    %dma_start3A_73 = tpu.memref_slice %arg2[%dma_start3A_71, %dma_start3A_72] : memref<10000x128xf32, #tpu.memory_space<hbm>> -> memref<10000x128xf32, #tpu.memory_space<hbm>>
    tpu.enqueue_indirect_dma source(%dma_start3A_73 : memref<10000x128xf32, #tpu.memory_space<hbm>>) target(%arg7 : memref<128x128xf32, #tpu.memory_space<vmem>>) offsets(%dma_start3A_70 : memref<128xi32, #tpu.memory_space<vmem>>) semaphore(%arg12 : memref<!tpu.dma_semaphore, #tpu.memory_space<semaphore_mem>>)
    %scan3A_74 = arith.constant 0 : i32
    %scan3A_75 = arith.constant 19 : i32
    %scan3A_76 = arith.addi %scan3A_74, %scan3A_75 : i32
    %scan3A_77 = arith.constant 1 : i32
    scf.for %scan3A_100 = %scan3A_74 to %scan3A_76 step %scan3A_77  : i32 {
      %mul3A_101 = arith.constant 1 : i32
      %mul3A_102 = arith.muli %scan3A_100, %mul3A_101 : i32
      %add3A_103 = arith.constant 0 : i32
      %add3A_104 = arith.addi %add3A_103, %mul3A_102 : i32
      %mul3A_105 = arith.constant 2 : i32
      %mul3A_106 = arith.muli %add3A_104, %mul3A_105 : i32
      %dma_wait3A_107 = arith.constant 0 : i32
      %dma_wait3A_108 = arith.constant 0 : i32
      %dma_wait3A_109 = tpu.memref_slice %arg5[%mul3A_106, %dma_wait3A_107, %dma_wait3A_108] : memref<40x2x128xi32, #tpu.memory_space<vmem>> -> memref<1x1x128xi32, #tpu.memory_space<vmem>>
      %dma_wait3A_110 = tpu.memref_squeeze %dma_wait3A_109 : memref<1x1x128xi32, #tpu.memory_space<vmem>> -> memref<128xi32, #tpu.memory_space<vmem>>
      %dma_wait3A_111 = arith.constant 0 : i32
      %dma_wait3A_112 = arith.constant 0 : i32
      %dma_wait3A_113 = tpu.memref_slice %arg2[%dma_wait3A_111, %dma_wait3A_112] : memref<10000x128xf32, #tpu.memory_space<hbm>> -> memref<10000x128xf32, #tpu.memory_space<hbm>>
      tpu.wait_indirect_dma semaphore(%arg11 : memref<!tpu.dma_semaphore, #tpu.memory_space<semaphore_mem>>) src(%dma_wait3A_113 : memref<10000x128xf32, #tpu.memory_space<hbm>>) dst(%arg6 : memref<128x128xf32, #tpu.memory_space<vmem>>)
      %run_scoped3A_114 = arith.constant 1 : i32
      "tpu.region"() ({
        %run_scoped3A_145 = tpu.sem_alloc : memref<!tpu.dma_semaphore, #tpu.memory_space<semaphore_mem>>
        %dma_start3A_146 = arith.constant 0 : i32
        %dma_start3A_147 = tpu.memref_slice %arg5[%mul3A_106, %run_scoped3A_114, %dma_start3A_146] : memref<40x2x128xi32, #tpu.memory_space<vmem>> -> memref<1x1x128xi32, #tpu.memory_space<vmem>>
        %dma_start3A_148 = tpu.memref_squeeze %dma_start3A_147 : memref<1x1x128xi32, #tpu.memory_space<vmem>> -> memref<128xi32, #tpu.memory_space<vmem>>
        %dma_start3A_149 = arith.constant 0 : i32
        %dma_start3A_150 = arith.constant 0 : i32
        %dma_start3A_151 = tpu.memref_slice %arg9[%dma_start3A_149, %dma_start3A_150] : memref<10240x128xf32, #tpu.memory_space<vmem_shared>> -> memref<10240x128xf32, #tpu.memory_space<vmem_shared>>
        tpu.enqueue_indirect_dma source(%arg6 : memref<128x128xf32, #tpu.memory_space<vmem>>) target(%dma_start3A_151 : memref<10240x128xf32, #tpu.memory_space<vmem_shared>>) offsets(%dma_start3A_148 : memref<128xi32, #tpu.memory_space<vmem>>) semaphore(%run_scoped3A_145 : memref<!tpu.dma_semaphore, #tpu.memory_space<semaphore_mem>>) {add = true}
        %dma_wait3A_152 = arith.constant 0 : i32
        %dma_wait3A_153 = tpu.memref_slice %arg5[%mul3A_106, %run_scoped3A_114, %dma_wait3A_152] : memref<40x2x128xi32, #tpu.memory_space<vmem>> -> memref<1x1x128xi32, #tpu.memory_space<vmem>>
        %dma_wait3A_154 = tpu.memref_squeeze %dma_wait3A_153 : memref<1x1x128xi32, #tpu.memory_space<vmem>> -> memref<128xi32, #tpu.memory_space<vmem>>
        %dma_wait3A_155 = arith.constant 0 : i32
        %dma_wait3A_156 = arith.constant 0 : i32
        %dma_wait3A_157 = tpu.memref_slice %arg9[%dma_wait3A_155, %dma_wait3A_156] : memref<10240x128xf32, #tpu.memory_space<vmem_shared>> -> memref<10240x128xf32, #tpu.memory_space<vmem_shared>>
        tpu.wait_indirect_dma semaphore(%run_scoped3A_145 : memref<!tpu.dma_semaphore, #tpu.memory_space<semaphore_mem>>) src(%arg6 : memref<128x128xf32, #tpu.memory_space<vmem>>) dst(%dma_wait3A_157 : memref<10240x128xf32, #tpu.memory_space<vmem_shared>>)
        tpu.yield
      }) : () -> ()
      %add3A_115 = arith.constant 2 : i32
      %add3A_116 = arith.addi %mul3A_106, %add3A_115 : i32
      %dma_start3A_117 = arith.constant 0 : i32
      %dma_start3A_118 = arith.constant 0 : i32
      %dma_start3A_119 = tpu.memref_slice %arg5[%add3A_116, %dma_start3A_117, %dma_start3A_118] : memref<40x2x128xi32, #tpu.memory_space<vmem>> -> memref<1x1x128xi32, #tpu.memory_space<vmem>>
      %dma_start3A_120 = tpu.memref_squeeze %dma_start3A_119 : memref<1x1x128xi32, #tpu.memory_space<vmem>> -> memref<128xi32, #tpu.memory_space<vmem>>
      %dma_start3A_121 = arith.constant 0 : i32
      %dma_start3A_122 = arith.constant 0 : i32
      %dma_start3A_123 = tpu.memref_slice %arg2[%dma_start3A_121, %dma_start3A_122] : memref<10000x128xf32, #tpu.memory_space<hbm>> -> memref<10000x128xf32, #tpu.memory_space<hbm>>
      tpu.enqueue_indirect_dma source(%dma_start3A_123 : memref<10000x128xf32, #tpu.memory_space<hbm>>) target(%arg6 : memref<128x128xf32, #tpu.memory_space<vmem>>) offsets(%dma_start3A_120 : memref<128xi32, #tpu.memory_space<vmem>>) semaphore(%arg11 : memref<!tpu.dma_semaphore, #tpu.memory_space<semaphore_mem>>)
      %add3A_124 = arith.constant 1 : i32
      %add3A_125 = arith.addi %mul3A_106, %add3A_124 : i32
      %dma_wait3A_126 = arith.constant 0 : i32
      %dma_wait3A_127 = arith.constant 0 : i32
      %dma_wait3A_128 = tpu.memref_slice %arg5[%add3A_125, %dma_wait3A_126, %dma_wait3A_127] : memref<40x2x128xi32, #tpu.memory_space<vmem>> -> memref<1x1x128xi32, #tpu.memory_space<vmem>>
      %dma_wait3A_129 = tpu.memref_squeeze %dma_wait3A_128 : memref<1x1x128xi32, #tpu.memory_space<vmem>> -> memref<128xi32, #tpu.memory_space<vmem>>
      %dma_wait3A_130 = arith.constant 0 : i32
      %dma_wait3A_131 = arith.constant 0 : i32
      %dma_wait3A_132 = tpu.memref_slice %arg2[%dma_wait3A_130, %dma_wait3A_131] : memref<10000x128xf32, #tpu.memory_space<hbm>> -> memref<10000x128xf32, #tpu.memory_space<hbm>>
      tpu.wait_indirect_dma semaphore(%arg12 : memref<!tpu.dma_semaphore, #tpu.memory_space<semaphore_mem>>) src(%dma_wait3A_132 : memref<10000x128xf32, #tpu.memory_space<hbm>>) dst(%arg7 : memref<128x128xf32, #tpu.memory_space<vmem>>)
      %add3A_133 = arith.constant 1 : i32
      %add3A_134 = arith.addi %mul3A_106, %add3A_133 : i32
      %run_scoped3A_135 = arith.constant 1 : i32
      "tpu.region"() ({
        %run_scoped3A_145 = tpu.sem_alloc : memref<!tpu.dma_semaphore, #tpu.memory_space<semaphore_mem>>
        %dma_start3A_146 = arith.constant 0 : i32
        %dma_start3A_147 = tpu.memref_slice %arg5[%add3A_134, %run_scoped3A_135, %dma_start3A_146] : memref<40x2x128xi32, #tpu.memory_space<vmem>> -> memref<1x1x128xi32, #tpu.memory_space<vmem>>
        %dma_start3A_148 = tpu.memref_squeeze %dma_start3A_147 : memref<1x1x128xi32, #tpu.memory_space<vmem>> -> memref<128xi32, #tpu.memory_space<vmem>>
        %dma_start3A_149 = arith.constant 0 : i32
        %dma_start3A_150 = arith.constant 0 : i32
        %dma_start3A_151 = tpu.memref_slice %arg9[%dma_start3A_149, %dma_start3A_150] : memref<10240x128xf32, #tpu.memory_space<vmem_shared>> -> memref<10240x128xf32, #tpu.memory_space<vmem_shared>>
        tpu.enqueue_indirect_dma source(%arg7 : memref<128x128xf32, #tpu.memory_space<vmem>>) target(%dma_start3A_151 : memref<10240x128xf32, #tpu.memory_space<vmem_shared>>) offsets(%dma_start3A_148 : memref<128xi32, #tpu.memory_space<vmem>>) semaphore(%run_scoped3A_145 : memref<!tpu.dma_semaphore, #tpu.memory_space<semaphore_mem>>) {add = true}
        %dma_wait3A_152 = arith.constant 0 : i32
        %dma_wait3A_153 = tpu.memref_slice %arg5[%add3A_134, %run_scoped3A_135, %dma_wait3A_152] : memref<40x2x128xi32, #tpu.memory_space<vmem>> -> memref<1x1x128xi32, #tpu.memory_space<vmem>>
        %dma_wait3A_154 = tpu.memref_squeeze %dma_wait3A_153 : memref<1x1x128xi32, #tpu.memory_space<vmem>> -> memref<128xi32, #tpu.memory_space<vmem>>
        %dma_wait3A_155 = arith.constant 0 : i32
        %dma_wait3A_156 = arith.constant 0 : i32
        %dma_wait3A_157 = tpu.memref_slice %arg9[%dma_wait3A_155, %dma_wait3A_156] : memref<10240x128xf32, #tpu.memory_space<vmem_shared>> -> memref<10240x128xf32, #tpu.memory_space<vmem_shared>>
        tpu.wait_indirect_dma semaphore(%run_scoped3A_145 : memref<!tpu.dma_semaphore, #tpu.memory_space<semaphore_mem>>) src(%arg7 : memref<128x128xf32, #tpu.memory_space<vmem>>) dst(%dma_wait3A_157 : memref<10240x128xf32, #tpu.memory_space<vmem_shared>>)
        tpu.yield
      }) : () -> ()
      %add3A_136 = arith.constant 3 : i32
      %add3A_137 = arith.addi %mul3A_106, %add3A_136 : i32
      %dma_start3A_138 = arith.constant 0 : i32
      %dma_start3A_139 = arith.constant 0 : i32
      %dma_start3A_140 = tpu.memref_slice %arg5[%add3A_137, %dma_start3A_138, %dma_start3A_139] : memref<40x2x128xi32, #tpu.memory_space<vmem>> -> memref<1x1x128xi32, #tpu.memory_space<vmem>>
      %dma_start3A_141 = tpu.memref_squeeze %dma_start3A_140 : memref<1x1x128xi32, #tpu.memory_space<vmem>> -> memref<128xi32, #tpu.memory_space<vmem>>
      %dma_start3A_142 = arith.constant 0 : i32
      %dma_start3A_143 = arith.constant 0 : i32
      %dma_start3A_144 = tpu.memref_slice %arg2[%dma_start3A_142, %dma_start3A_143] : memref<10000x128xf32, #tpu.memory_space<hbm>> -> memref<10000x128xf32, #tpu.memory_space<hbm>>
      tpu.enqueue_indirect_dma source(%dma_start3A_144 : memref<10000x128xf32, #tpu.memory_space<hbm>>) target(%arg7 : memref<128x128xf32, #tpu.memory_space<vmem>>) offsets(%dma_start3A_141 : memref<128xi32, #tpu.memory_space<vmem>>) semaphore(%arg12 : memref<!tpu.dma_semaphore, #tpu.memory_space<semaphore_mem>>)
    }
    %scan3A_78 = arith.constant 19 : i32
    %dma_wait3A_79 = arith.constant 38 : i32
    %dma_wait3A_80 = arith.constant 0 : i32
    %dma_wait3A_81 = arith.constant 0 : i32
    %dma_wait3A_82 = tpu.memref_slice %arg5[%dma_wait3A_79, %dma_wait3A_80, %dma_wait3A_81] : memref<40x2x128xi32, #tpu.memory_space<vmem>> -> memref<1x1x128xi32, #tpu.memory_space<vmem>>
    %dma_wait3A_83 = tpu.memref_squeeze %dma_wait3A_82 : memref<1x1x128xi32, #tpu.memory_space<vmem>> -> memref<128xi32, #tpu.memory_space<vmem>>
    %dma_wait3A_84 = arith.constant 0 : i32
    %dma_wait3A_85 = arith.constant 0 : i32
    %dma_wait3A_86 = tpu.memref_slice %arg2[%dma_wait3A_84, %dma_wait3A_85] : memref<10000x128xf32, #tpu.memory_space<hbm>> -> memref<10000x128xf32, #tpu.memory_space<hbm>>
    tpu.wait_indirect_dma semaphore(%arg11 : memref<!tpu.dma_semaphore, #tpu.memory_space<semaphore_mem>>) src(%dma_wait3A_86 : memref<10000x128xf32, #tpu.memory_space<hbm>>) dst(%arg6 : memref<128x128xf32, #tpu.memory_space<vmem>>)
    %run_scoped3A_87 = arith.constant 38 : i32
    %run_scoped3A_88 = arith.constant 1 : i32
    "tpu.region"() ({
      %run_scoped3A_100 = tpu.sem_alloc : memref<!tpu.dma_semaphore, #tpu.memory_space<semaphore_mem>>
      %dma_start3A_101 = arith.constant 0 : i32
      %dma_start3A_102 = tpu.memref_slice %arg5[%run_scoped3A_87, %run_scoped3A_88, %dma_start3A_101] : memref<40x2x128xi32, #tpu.memory_space<vmem>> -> memref<1x1x128xi32, #tpu.memory_space<vmem>>
      %dma_start3A_103 = tpu.memref_squeeze %dma_start3A_102 : memref<1x1x128xi32, #tpu.memory_space<vmem>> -> memref<128xi32, #tpu.memory_space<vmem>>
      %dma_start3A_104 = arith.constant 0 : i32
      %dma_start3A_105 = arith.constant 0 : i32
      %dma_start3A_106 = tpu.memref_slice %arg9[%dma_start3A_104, %dma_start3A_105] : memref<10240x128xf32, #tpu.memory_space<vmem_shared>> -> memref<10240x128xf32, #tpu.memory_space<vmem_shared>>
      tpu.enqueue_indirect_dma source(%arg6 : memref<128x128xf32, #tpu.memory_space<vmem>>) target(%dma_start3A_106 : memref<10240x128xf32, #tpu.memory_space<vmem_shared>>) offsets(%dma_start3A_103 : memref<128xi32, #tpu.memory_space<vmem>>) semaphore(%run_scoped3A_100 : memref<!tpu.dma_semaphore, #tpu.memory_space<semaphore_mem>>) {add = true}
      %dma_wait3A_107 = arith.constant 0 : i32
      %dma_wait3A_108 = tpu.memref_slice %arg5[%run_scoped3A_87, %run_scoped3A_88, %dma_wait3A_107] : memref<40x2x128xi32, #tpu.memory_space<vmem>> -> memref<1x1x128xi32, #tpu.memory_space<vmem>>
      %dma_wait3A_109 = tpu.memref_squeeze %dma_wait3A_108 : memref<1x1x128xi32, #tpu.memory_space<vmem>> -> memref<128xi32, #tpu.memory_space<vmem>>
      %dma_wait3A_110 = arith.constant 0 : i32
      %dma_wait3A_111 = arith.constant 0 : i32
      %dma_wait3A_112 = tpu.memref_slice %arg9[%dma_wait3A_110, %dma_wait3A_111] : memref<10240x128xf32, #tpu.memory_space<vmem_shared>> -> memref<10240x128xf32, #tpu.memory_space<vmem_shared>>
      tpu.wait_indirect_dma semaphore(%run_scoped3A_100 : memref<!tpu.dma_semaphore, #tpu.memory_space<semaphore_mem>>) src(%arg6 : memref<128x128xf32, #tpu.memory_space<vmem>>) dst(%dma_wait3A_112 : memref<10240x128xf32, #tpu.memory_space<vmem_shared>>)
      tpu.yield
    }) : () -> ()
    %dma_wait3A_89 = arith.constant 39 : i32
    %dma_wait3A_90 = arith.constant 0 : i32
    %dma_wait3A_91 = arith.constant 0 : i32
    %dma_wait3A_92 = tpu.memref_slice %arg5[%dma_wait3A_89, %dma_wait3A_90, %dma_wait3A_91] : memref<40x2x128xi32, #tpu.memory_space<vmem>> -> memref<1x1x128xi32, #tpu.memory_space<vmem>>
    %dma_wait3A_93 = tpu.memref_squeeze %dma_wait3A_92 : memref<1x1x128xi32, #tpu.memory_space<vmem>> -> memref<128xi32, #tpu.memory_space<vmem>>
    %dma_wait3A_94 = arith.constant 0 : i32
    %dma_wait3A_95 = arith.constant 0 : i32
    %dma_wait3A_96 = tpu.memref_slice %arg2[%dma_wait3A_94, %dma_wait3A_95] : memref<10000x128xf32, #tpu.memory_space<hbm>> -> memref<10000x128xf32, #tpu.memory_space<hbm>>
    tpu.wait_indirect_dma semaphore(%arg12 : memref<!tpu.dma_semaphore, #tpu.memory_space<semaphore_mem>>) src(%dma_wait3A_96 : memref<10000x128xf32, #tpu.memory_space<hbm>>) dst(%arg7 : memref<128x128xf32, #tpu.memory_space<vmem>>)
    %run_scoped3A_97 = arith.constant 39 : i32
    %run_scoped3A_98 = arith.constant 1 : i32
    "tpu.region"() ({
      %run_scoped3A_100 = tpu.sem_alloc : memref<!tpu.dma_semaphore, #tpu.memory_space<semaphore_mem>>
      %dma_start3A_101 = arith.constant 0 : i32
      %dma_start3A_102 = tpu.memref_slice %arg5[%run_scoped3A_97, %run_scoped3A_98, %dma_start3A_101] : memref<40x2x128xi32, #tpu.memory_space<vmem>> -> memref<1x1x128xi32, #tpu.memory_space<vmem>>
      %dma_start3A_103 = tpu.memref_squeeze %dma_start3A_102 : memref<1x1x128xi32, #tpu.memory_space<vmem>> -> memref<128xi32, #tpu.memory_space<vmem>>
      %dma_start3A_104 = arith.constant 0 : i32
      %dma_start3A_105 = arith.constant 0 : i32
      %dma_start3A_106 = tpu.memref_slice %arg9[%dma_start3A_104, %dma_start3A_105] : memref<10240x128xf32, #tpu.memory_space<vmem_shared>> -> memref<10240x128xf32, #tpu.memory_space<vmem_shared>>
      tpu.enqueue_indirect_dma source(%arg7 : memref<128x128xf32, #tpu.memory_space<vmem>>) target(%dma_start3A_106 : memref<10240x128xf32, #tpu.memory_space<vmem_shared>>) offsets(%dma_start3A_103 : memref<128xi32, #tpu.memory_space<vmem>>) semaphore(%run_scoped3A_100 : memref<!tpu.dma_semaphore, #tpu.memory_space<semaphore_mem>>) {add = true}
      %dma_wait3A_107 = arith.constant 0 : i32
      %dma_wait3A_108 = tpu.memref_slice %arg5[%run_scoped3A_97, %run_scoped3A_98, %dma_wait3A_107] : memref<40x2x128xi32, #tpu.memory_space<vmem>> -> memref<1x1x128xi32, #tpu.memory_space<vmem>>
      %dma_wait3A_109 = tpu.memref_squeeze %dma_wait3A_108 : memref<1x1x128xi32, #tpu.memory_space<vmem>> -> memref<128xi32, #tpu.memory_space<vmem>>
      %dma_wait3A_110 = arith.constant 0 : i32
      %dma_wait3A_111 = arith.constant 0 : i32
      %dma_wait3A_112 = tpu.memref_slice %arg9[%dma_wait3A_110, %dma_wait3A_111] : memref<10240x128xf32, #tpu.memory_space<vmem_shared>> -> memref<10240x128xf32, #tpu.memory_space<vmem_shared>>
      tpu.wait_indirect_dma semaphore(%run_scoped3A_100 : memref<!tpu.dma_semaphore, #tpu.memory_space<semaphore_mem>>) src(%arg7 : memref<128x128xf32, #tpu.memory_space<vmem>>) dst(%dma_wait3A_112 : memref<10240x128xf32, #tpu.memory_space<vmem_shared>>)
      tpu.yield
    }) : () -> ()
    %barrier3A_99 = arith.constant 0 : index
    tpu.barrier barrier_id(%barrier3A_99)
    "tpu.region"() ({
      %run_scoped3A_100 = tpu.sem_alloc : memref<!tpu.dma_semaphore, #tpu.memory_space<semaphore_mem>>
      %dma_start3A_101 = arith.constant 0 : i32
      %dma_start3A_102 = arith.constant 0 : i32
      %dma_start3A_103 = tpu.memref_slice %arg4[%arg0, %dma_start3A_101, %dma_start3A_102] : memref<2x10240x128xf32, #tpu.memory_space<hbm>> -> memref<1x10240x128xf32, #tpu.memory_space<hbm>>
      %dma_start3A_104 = tpu.memref_squeeze %dma_start3A_103 : memref<1x10240x128xf32, #tpu.memory_space<hbm>> -> memref<10240x128xf32, #tpu.memory_space<hbm>>
      %dma_start3A_105 = arith.constant 0 : i32
      %dma_start3A_106 = tpu.memref_slice %dma_start3A_104[%mul3A_9, %dma_start3A_105] : memref<10240x128xf32, #tpu.memory_space<hbm>> -> memref<640x128xf32, #tpu.memory_space<hbm>>
      %dma_start3A_107 = arith.constant 0 : i32
      %dma_start3A_108 = tpu.memref_slice %arg9[%mul3A_9, %dma_start3A_107] : memref<10240x128xf32, #tpu.memory_space<vmem_shared>> -> memref<640x128xf32, #tpu.memory_space<vmem_shared>>
      tpu.enqueue_dma source(%dma_start3A_108 : memref<640x128xf32, #tpu.memory_space<vmem_shared>>) target(%dma_start3A_106 : memref<640x128xf32, #tpu.memory_space<hbm>>) target_semaphore(%run_scoped3A_100 : memref<!tpu.dma_semaphore, #tpu.memory_space<semaphore_mem>>)
      %dma_wait3A_109 = arith.constant 0 : i32
      %dma_wait3A_110 = arith.constant 0 : i32
      %dma_wait3A_111 = tpu.memref_slice %arg4[%arg0, %dma_wait3A_109, %dma_wait3A_110] : memref<2x10240x128xf32, #tpu.memory_space<hbm>> -> memref<1x10240x128xf32, #tpu.memory_space<hbm>>
      %dma_wait3A_112 = tpu.memref_squeeze %dma_wait3A_111 : memref<1x10240x128xf32, #tpu.memory_space<hbm>> -> memref<10240x128xf32, #tpu.memory_space<hbm>>
      %dma_wait3A_113 = arith.constant 0 : i32
      %dma_wait3A_114 = tpu.memref_slice %dma_wait3A_112[%mul3A_9, %dma_wait3A_113] : memref<10240x128xf32, #tpu.memory_space<hbm>> -> memref<640x128xf32, #tpu.memory_space<hbm>>
      %dma_wait3A_115 = arith.constant 0 : i32
      %dma_wait3A_116 = tpu.memref_slice %arg9[%mul3A_9, %dma_wait3A_115] : memref<10240x128xf32, #tpu.memory_space<vmem_shared>> -> memref<640x128xf32, #tpu.memory_space<vmem_shared>>
      tpu.wait_dma2 semaphore(%run_scoped3A_100 : memref<!tpu.dma_semaphore, #tpu.memory_space<semaphore_mem>>) src(%dma_wait3A_116 : memref<640x128xf32, #tpu.memory_space<vmem_shared>>) dst(%dma_wait3A_114 : memref<640x128xf32, #tpu.memory_space<hbm>>)
      tpu.yield
    }) : () -> ()
    return
  }
}

module attributes {stable_mosaic.version = 14 : i64} {
  func.func @sage_tc_matmul(%arg0: memref<2x10240x128xf32, #tpu.memory_space<vmem>>, %arg1: memref<2x10240xf32, #tpu.memory_space<vmem>>, %arg2: memref<10000x128xf32, #tpu.memory_space<vmem>>, %arg3: memref<128x128xf32, #tpu.memory_space<vmem>>, %arg4: memref<128x128xf32, #tpu.memory_space<vmem>>, %arg5: memref<128xf32, #tpu.memory_space<vmem>>, %arg6: memref<10000x128xf32, #tpu.memory_space<vmem>>) attributes {dimension_semantics = [], scalar_prefetch = 0 : i64, scratch_operands = 0 : i64, tpu.core_type = #tpu.core_type<tc>} {
    %get3A = arith.constant 0 : index
    %get3A_0 = arith.constant 0 : index
    %get3A_1 = arith.constant 0 : index
    %get3A_2 = vector.load %arg0[%get3A, %get3A_0, %get3A_1] : memref<2x10240x128xf32, #tpu.memory_space<vmem>>, vector<1x10000x128xf32>
    %get3A_3 = vector.shape_cast %get3A_2 : vector<1x10000x128xf32> to vector<10000x128xf32>
    %get3A_4 = arith.constant 1 : index
    %get3A_5 = arith.constant 0 : index
    %get3A_6 = arith.constant 0 : index
    %get3A_7 = vector.load %arg0[%get3A_4, %get3A_5, %get3A_6] : memref<2x10240x128xf32, #tpu.memory_space<vmem>>, vector<1x10000x128xf32>
    %get3A_8 = vector.shape_cast %get3A_7 : vector<1x10000x128xf32> to vector<10000x128xf32>
    %add3A = arith.addf %get3A_3, %get3A_8 : vector<10000x128xf32>
    %get3A_9 = arith.constant 0 : index
    %get3A_10 = arith.constant 0 : index
    %get3A_11 = vector.load %arg1[%get3A_9, %get3A_10] : memref<2x10240xf32, #tpu.memory_space<vmem>>, vector<1x10000xf32>
    %get3A_12 = vector.shape_cast %get3A_11 : vector<1x10000xf32> to vector<10000xf32>
    %get3A_13 = arith.constant 1 : index
    %get3A_14 = arith.constant 0 : index
    %get3A_15 = vector.load %arg1[%get3A_13, %get3A_14] : memref<2x10240xf32, #tpu.memory_space<vmem>>, vector<1x10000xf32>
    %get3A_16 = vector.shape_cast %get3A_15 : vector<1x10000xf32> to vector<10000xf32>
    %add3A_17 = arith.addf %get3A_12, %get3A_16 : vector<10000xf32>
    %max3A = arith.constant 1.000000e+00 : f32
    %max3A_18 = vector.broadcast %max3A : f32 to vector<10000xf32>
    %max3A_19 = arith.maximumf %add3A_17, %max3A_18 : vector<10000xf32>
    %div3A = arith.constant 1.000000e+00 : f32
    %div3A_20 = vector.broadcast %div3A : f32 to vector<10000xf32>
    %div3A_21 = arith.divf %div3A_20, %max3A_19 : vector<10000xf32>
    %broadcast_in_dim3A = vector.shape_cast %div3A_21 : vector<10000xf32> to vector<10000x1xf32>
    %mul3A = vector.broadcast %broadcast_in_dim3A : vector<10000x1xf32> to vector<10000x128xf32>
    %mul3A_22 = arith.mulf %add3A, %mul3A : vector<10000x128xf32>
    %get3A_23 = arith.constant 0 : index
    %get3A_24 = arith.constant 0 : index
    %get3A_25 = vector.load %arg3[%get3A_23, %get3A_24] : memref<128x128xf32, #tpu.memory_space<vmem>>, vector<128x128xf32>
    %transpose3A = tpu.transpose %get3A_25, [1, 0] : vector<128x128xf32> -> vector<128x128xf32>
    %dot_general3A = arith.constant dense<0.000000e+00> : vector<10000x128xf32>
    %dot_general3A_26 = tpu.matmul %mul3A_22, %transpose3A, %dot_general3A {dimension_numbers = #tpu.dot_dimension_numbers<[1], [0], [0], [1], [0, 0, 1, 1], [], []>, transpose_lhs_hint = false} : vector<10000x128xf32>, vector<128x128xf32>, vector<10000x128xf32> -> vector<10000x128xf32>
    %get3A_27 = arith.constant 0 : index
    %get3A_28 = vector.load %arg5[%get3A_27] : memref<128xf32, #tpu.memory_space<vmem>>, vector<128xf32>
    %broadcast_in_dim3A_29 = vector.shape_cast %get3A_28 : vector<128xf32> to vector<1x128xf32>
    %add3A_30 = vector.broadcast %broadcast_in_dim3A_29 : vector<1x128xf32> to vector<10000x128xf32>
    %add3A_31 = arith.addf %dot_general3A_26, %add3A_30 : vector<10000x128xf32>
    %get3A_32 = arith.constant 0 : index
    %get3A_33 = arith.constant 0 : index
    %get3A_34 = vector.load %arg2[%get3A_32, %get3A_33] : memref<10000x128xf32, #tpu.memory_space<vmem>>, vector<10000x128xf32>
    %get3A_35 = arith.constant 0 : index
    %get3A_36 = arith.constant 0 : index
    %get3A_37 = vector.load %arg4[%get3A_35, %get3A_36] : memref<128x128xf32, #tpu.memory_space<vmem>>, vector<128x128xf32>
    %transpose3A_38 = tpu.transpose %get3A_37, [1, 0] : vector<128x128xf32> -> vector<128x128xf32>
    %dot_general3A_39 = arith.constant dense<0.000000e+00> : vector<10000x128xf32>
    %dot_general3A_40 = tpu.matmul %get3A_34, %transpose3A_38, %dot_general3A_39 {dimension_numbers = #tpu.dot_dimension_numbers<[1], [0], [0], [1], [0, 0, 1, 1], [], []>, transpose_lhs_hint = false} : vector<10000x128xf32>, vector<128x128xf32>, vector<10000x128xf32> -> vector<10000x128xf32>
    %add3A_41 = arith.addf %add3A_31, %dot_general3A_40 : vector<10000x128xf32>
    %max3A_42 = arith.constant 0.000000e+00 : f32
    %max3A_43 = vector.broadcast %max3A_42 : f32 to vector<10000x128xf32>
    %max3A_44 = arith.maximumf %add3A_41, %max3A_43 : vector<10000x128xf32>
    %swap3A = arith.constant 0 : index
    %swap3A_45 = arith.constant 0 : index
    %swap3A_46 = vector.load %arg6[%swap3A, %swap3A_45] : memref<10000x128xf32, #tpu.memory_space<vmem>>, vector<10000x128xf32>
    tpu.vector_store %arg6[%swap3A, %swap3A_45], %max3A_44 {strides = array<i32>} : memref<10000x128xf32, #tpu.memory_space<vmem>>, vector<10000x128xf32>,
    return
  }
}

module attributes {stable_mosaic.version = 14 : i64} {
  func.func @sage_tc_matmul(%arg0: memref<2x10240x128xf32, #tpu.memory_space<vmem>>, %arg1: memref<2x10240xf32, #tpu.memory_space<vmem>>, %arg2: memref<10000x128xf32, #tpu.memory_space<vmem>>, %arg3: memref<128x128xf32, #tpu.memory_space<vmem>>, %arg4: memref<128x128xf32, #tpu.memory_space<vmem>>, %arg5: memref<128xf32, #tpu.memory_space<vmem>>, %arg6: memref<10000x128xf32, #tpu.memory_space<vmem>>) attributes {dimension_semantics = [], scalar_prefetch = 0 : i64, scratch_operands = 0 : i64, tpu.core_type = #tpu.core_type<tc>} {
    %get3A = arith.constant 0 : index
    %get3A_0 = arith.constant 0 : index
    %get3A_1 = arith.constant 0 : index
    %get3A_2 = vector.load %arg0[%get3A, %get3A_0, %get3A_1] : memref<2x10240x128xf32, #tpu.memory_space<vmem>>, vector<1x10000x128xf32>
    %get3A_3 = vector.shape_cast %get3A_2 : vector<1x10000x128xf32> to vector<10000x128xf32>
    %get3A_4 = arith.constant 1 : index
    %get3A_5 = arith.constant 0 : index
    %get3A_6 = arith.constant 0 : index
    %get3A_7 = vector.load %arg0[%get3A_4, %get3A_5, %get3A_6] : memref<2x10240x128xf32, #tpu.memory_space<vmem>>, vector<1x10000x128xf32>
    %get3A_8 = vector.shape_cast %get3A_7 : vector<1x10000x128xf32> to vector<10000x128xf32>
    %add3A = arith.addf %get3A_3, %get3A_8 : vector<10000x128xf32>
    %get3A_9 = arith.constant 0 : index
    %get3A_10 = arith.constant 0 : index
    %get3A_11 = vector.load %arg1[%get3A_9, %get3A_10] : memref<2x10240xf32, #tpu.memory_space<vmem>>, vector<1x10000xf32>
    %get3A_12 = vector.shape_cast %get3A_11 : vector<1x10000xf32> to vector<10000xf32>
    %get3A_13 = arith.constant 1 : index
    %get3A_14 = arith.constant 0 : index
    %get3A_15 = vector.load %arg1[%get3A_13, %get3A_14] : memref<2x10240xf32, #tpu.memory_space<vmem>>, vector<1x10000xf32>
    %get3A_16 = vector.shape_cast %get3A_15 : vector<1x10000xf32> to vector<10000xf32>
    %add3A_17 = arith.addf %get3A_12, %get3A_16 : vector<10000xf32>
    %max3A = arith.constant 1.000000e+00 : f32
    %max3A_18 = vector.broadcast %max3A : f32 to vector<10000xf32>
    %max3A_19 = arith.maximumf %add3A_17, %max3A_18 : vector<10000xf32>
    %div3A = arith.constant 1.000000e+00 : f32
    %div3A_20 = vector.broadcast %div3A : f32 to vector<10000xf32>
    %div3A_21 = arith.divf %div3A_20, %max3A_19 : vector<10000xf32>
    %broadcast_in_dim3A = vector.shape_cast %div3A_21 : vector<10000xf32> to vector<10000x1xf32>
    %mul3A = vector.broadcast %broadcast_in_dim3A : vector<10000x1xf32> to vector<10000x128xf32>
    %mul3A_22 = arith.mulf %add3A, %mul3A : vector<10000x128xf32>
    %get3A_23 = arith.constant 0 : index
    %get3A_24 = arith.constant 0 : index
    %get3A_25 = vector.load %arg3[%get3A_23, %get3A_24] : memref<128x128xf32, #tpu.memory_space<vmem>>, vector<128x128xf32>
    %transpose3A = tpu.transpose %get3A_25, [1, 0] : vector<128x128xf32> -> vector<128x128xf32>
    %dot_general3A = arith.constant dense<0.000000e+00> : vector<10000x128xf32>
    %dot_general3A_26 = tpu.matmul %mul3A_22, %transpose3A, %dot_general3A {dimension_numbers = #tpu.dot_dimension_numbers<[1], [0], [0], [1], [0, 0, 1, 1], [], []>, transpose_lhs_hint = false} : vector<10000x128xf32>, vector<128x128xf32>, vector<10000x128xf32> -> vector<10000x128xf32>
    %get3A_27 = arith.constant 0 : index
    %get3A_28 = vector.load %arg5[%get3A_27] : memref<128xf32, #tpu.memory_space<vmem>>, vector<128xf32>
    %broadcast_in_dim3A_29 = vector.shape_cast %get3A_28 : vector<128xf32> to vector<1x128xf32>
    %add3A_30 = vector.broadcast %broadcast_in_dim3A_29 : vector<1x128xf32> to vector<10000x128xf32>
    %add3A_31 = arith.addf %dot_general3A_26, %add3A_30 : vector<10000x128xf32>
    %get3A_32 = arith.constant 0 : index
    %get3A_33 = arith.constant 0 : index
    %get3A_34 = vector.load %arg2[%get3A_32, %get3A_33] : memref<10000x128xf32, #tpu.memory_space<vmem>>, vector<10000x128xf32>
    %get3A_35 = arith.constant 0 : index
    %get3A_36 = arith.constant 0 : index
    %get3A_37 = vector.load %arg4[%get3A_35, %get3A_36] : memref<128x128xf32, #tpu.memory_space<vmem>>, vector<128x128xf32>
    %transpose3A_38 = tpu.transpose %get3A_37, [1, 0] : vector<128x128xf32> -> vector<128x128xf32>
    %dot_general3A_39 = arith.constant dense<0.000000e+00> : vector<10000x128xf32>
    %dot_general3A_40 = tpu.matmul %get3A_34, %transpose3A_38, %dot_general3A_39 {dimension_numbers = #tpu.dot_dimension_numbers<[1], [0], [0], [1], [0, 0, 1, 1], [], []>, transpose_lhs_hint = false} : vector<10000x128xf32>, vector<128x128xf32>, vector<10000x128xf32> -> vector<10000x128xf32>
    %add3A_41 = arith.addf %add3A_31, %dot_general3A_40 : vector<10000x128xf32>
    %swap3A = arith.constant 0 : index
    %swap3A_42 = arith.constant 0 : index
    %swap3A_43 = vector.load %arg6[%swap3A, %swap3A_42] : memref<10000x128xf32, #tpu.memory_space<vmem>>, vector<10000x128xf32>
    tpu.vector_store %arg6[%swap3A, %swap3A_42], %add3A_41 {strides = array<i32>} : memref<10000x128xf32, #tpu.memory_space<vmem>>, vector<10000x128xf32>,
    return
  }
}

</mosaic_0001>

<sc_bundles>
// kernel: sage_sc_agg.3.cloned.1.call-start
scs
__scs_entry_jumppad:
0x0: {  	(pc) =	sbr.rel $0x88, $3  }
0x1: {  	(tag) =	ssettag $0x0;
	lr =	simm.s32 $0x1  }
0x2: {  	[smem:$0x3F99] =	sst lr;
	_ =	strace $0xD0000000  }
0x3: {  	_ = 	snop  }
0x4: {  	_ = 	snop  }
0x5: {  	_ = 	snop  }
0x6: {  	_ = 	snop  }
0x7: {  	_ = 	snop  }
__scs_overlays_trampoline_lowered:
0x8: {  	[smem:$0x3FA8] =	sst s0  }
0x9: {  	[smem:$0x3FA9] =	sst s1  }
0xa: {  	[smem:$0x3FAA] =	sst s2  }
0xb: {  	[smem:$0x3FAB] =	sst s3  }
0xc: {  	[smem:$0x3FAC] =	sst s4  }
0xd: {  	[smem:$0x3FAD] =	sst s5  }
0xe: {  	[smem:$0x3FAE] =	sst s6  }
0xf: {  	[smem:$0x3FAF] =	sst s7  }
0x10: {  	[smem:$0x3FB0] =	sst s8  }
0x11: {  	[smem:$0x3FB1] =	sst s9;
	s0 =	simm.s32 @!p0 $0x0  }
0x12: {  	s1 =	sld [smem:$0x3F97];
	s0 =	simm.s32 @p0 $0x1  }
0x13: {  	[smem:$0x3FB2] =	sst s0;
	s0 =	simm.s32 @!p1 $0x0  }
0x14: {  	s2 =	sld [smem:$0x3F96];
	s0 =	simm.s32 @p1 $0x1  }
0x15: {  	[smem:$0x3FB3] =	sst s0;
	s0 =	simm.s32 @!p2 $0x0  }
0x16: {  	s3 =	sld [smem:$0x3FDB];
	s0 =	simm.s32 @p2 $0x1  }
0x17: {  	s4 =	simm.s32 $0x1BF5;
	[smem:$0x3FB5] =	sst s0  }
0x18: {  	s0 =	sld [smem:$0x3F98];
	_ =	swait.ge [sflag:s4], $0x0  }
0x19: {  	s7 =	sld [smem:$0x3F99]  }
0x1a: {  	s8 =	sadd.s32 $0xFFFFE003, lr  }
0x1b: {  	s9 =	sadd.s32 $0xFFFFFEF7, lr;
	s5 =	simm.s32 $0xFFFFFFFF;
	p2 =	slt.u32 s8, $0xFFFFF086  }
0x1c: {  	p1 =	slt.u32 s9, $0xF7A;
	s5 =	simm.s32 @!p2 $0x0  }
0x1d: {  	s5 =	simm.s32 @p1 $0x1;
	p0 =	seq.s32 s7, s2  }
0x1e: {  	s7 =	smul.u32 @!p0 $0xF7A, s2;
	p2 =	seq.s32 @!p0 s5, $0x0  }
0x1f: {  	s9 =	smul.u32 $0xF7A, s1;
	s8 =	simm.s32 @!p0 $0x1BF5;
	p2 =	por !p2, p0  }
0x20: {  	[sflag:s8] =	ssyncset.s32 @!p0 $0xFFFFF086;
	s6 =	sadd.s32 @!p0 s3, s7;
	s7 =	simm.s32 @!p0 $0x108  }
0x21: {  	s3 =	sadd.s32 s3, s9;
	s6 =	sadd.s32 @!p0 $0x88, s6;
	s7 =	simm.s32 @p2 $0x1082  }
0x22: {  	[simem:s7], [sflag:s8] =	dma.local @!p0 [hbm:s6], $0xF7A  }
0x23: {  	s9 =	sor.u32 $0xD0000000, s2;
	s6 =	simm.s32 $0x108;
	_ =	swait.ge @!p0 [sflag:s8], $0x0  }
0x24: {  	s3 =	sadd.s32 $0x88, s3;
	s6 =	simm.s32 @!p1 $0x1082;
	[sflag:s4] =	ssyncset.s32 $0xFFFFF086  }
0x25: {  	[simem:s6], [sflag:s4] =	dma.local [hbm:s3], $0xF7A  }
0x26: {  	[smem:$0x3F99] =	sst s1;
	(tag) =	ssettag s2;
	_ =	strace s9  }
0x27: {  	s1 =	sld [smem:$0x3FA9]  }
0x28: {  	s2 =	sld [smem:$0x3FAA]  }
0x29: {  	s4 =	sld [smem:$0x3FAC]  }
0x2a: {  	p0 =	seq.s32 s5, $0x0;
	s5 =	sld [smem:$0x3FAD]  }
0x2b: {  	s6 =	sld [smem:$0x3FAE]  }
0x2c: {  	s7 =	sld [smem:$0x3FAF]  }
0x2d: {  	s3 =	simm.s32 $0x108;
	s8 =	sld [smem:$0x3FB0]  }
0x2e: {  	s3 =	simm.s32 @!p0 $0x1082;
	s9 =	sld [smem:$0x3FB1]  }
0x2f: {  	lr =	sadd.s32 s0, s3;
	s0 =	sld [smem:$0x3FA8]  }
0x30: {  	s3 =	sld [smem:$0x3FAB]  }
0x31: {  	[smem:$0x3FB4] =	sst s10  }
0x32: {  	s10 =	sld [smem:$0x3FB2];
	_ =	sdelay $0x3  }
0x33: {  	p0 =	seq.s32 s10, $0x1;
	s10 =	sld [smem:$0x3FB4];
	_ =	sdelay $0x3  }
0x34: {  	[smem:$0x3FB4] =	sst s10  }
0x35: {  	s10 =	sld [smem:$0x3FB3];
	_ =	sdelay $0x3  }
0x36: {  	p1 =	seq.s32 s10, $0x1;
	s10 =	sld [smem:$0x3FB4];
	_ =	sdelay $0x3  }
0x37: {  	[smem:$0x3FB4] =	sst s10  }
0x38: {  	s10 =	sld [smem:$0x3FB5]  }
0x39: {  	_ = 	snop;
	(pc) =	sbr.ind lr, $3  }
0x3a: {  	_ = 	snop  }
0x3b: {  	_ = 	snop  }
0x3c: {  	p2 =	seq.s32 s10, $0x1;
	s10 =	sld [smem:$0x3FB4]  }
0x3d: {  	_ =	shalt  }
0x3e: {  	_ =	shalt  }
0x3f: {  	_ =	shalt  }
0x40: {  	_ =	shalt  }
0x41: {  	_ =	shalt  }
0x42: {  	_ =	shalt  }
0x43: {  	_ =	shalt  }
0x44: {  	_ =	shalt  }
0x45: {  	_ =	shalt  }
0x46: {  	_ =	shalt  }
0x47: {  	_ =	shalt  }
0x48: {  	_ =	shalt  }
0x49: {  	_ =	shalt  }
0x4a: {  	_ =	shalt  }
0x4b: {  	_ =	shalt  }
0x4c: {  	_ =	shalt  }
0x4d: {  	_ =	shalt  }
0x4e: {  	_ =	shalt  }
0x4f: {  	_ =	shalt  }
0x50: {  	_ =	shalt  }
0x51: {  	_ =	shalt  }
0x52: {  	_ =	shalt  }
0x53: {  	_ =	shalt  }
0x54: {  	_ =	shalt  }
0x55: {  	_ =	shalt  }
0x56: {  	_ =	shalt  }
0x57: {  	_ =	shalt  }
0x58: {  	_ =	shalt  }
0x59: {  	_ =	shalt  }
0x5a: {  	_ =	shalt  }
0x5b: {  	_ =	shalt  }
0x5c: {  	_ =	shalt  }
0x5d: {  	_ =	shalt  }
0x5e: {  	_ =	shalt  }
0x5f: {  	_ =	shalt  }
0x60: {  	_ =	shalt  }
0x61: {  	_ =	shalt  }
0x62: {  	_ =	shalt  }
0x63: {  	_ =	shalt  }
0x64: {  	_ =	shalt  }
0x65: {  	_ =	shalt  }
0x66: {  	_ =	shalt  }
0x67: {  	_ =	shalt  }
0x68: {  	_ =	shalt  }
0x69: {  	_ =	shalt  }
0x6a: {  	_ =	shalt  }
0x6b: {  	_ =	shalt  }
0x6c: {  	_ =	shalt  }
0x6d: {  	_ =	shalt  }
0x6e: {  	_ =	shalt  }
0x6f: {  	_ =	shalt  }
0x70: {  	_ =	shalt  }
0x71: {  	_ =	shalt  }
0x72: {  	_ =	shalt  }
0x73: {  	_ =	shalt  }
0x74: {  	_ =	shalt  }
0x75: {  	_ =	shalt  }
0x76: {  	_ =	shalt  }
0x77: {  	_ =	shalt  }
0x78: {  	_ =	shalt  }
0x79: {  	_ =	shalt  }
0x7a: {  	_ =	shalt  }
0x7b: {  	_ =	shalt  }
0x7c: {  	_ =	shalt  }
0x7d: {  	_ =	shalt  }
0x7e: {  	_ =	shalt  }
0x7f: {  	_ =	shalt  }
0x80: {  	_ =	shalt  }
0x81: {  	_ =	shalt  }
0x82: {  	_ =	shalt  }
0x83: {  	_ =	shalt  }
0x84: {  	_ =	shalt  }
0x85: {  	_ =	shalt  }
0x86: {  	_ =	shalt  }
0x87: {  	_ =	shalt  }
.Lfunc_end0:
.L_simem_size_0:
called_computation.1_lowered:
.L_overlay_start_0:
0x88: {  	s2 =	sld [smem:$0x3FD9]  }
0x89: {  	s3 =	sld [smem:$0x3FFE];
	_ =	sdelay $0x1  }
0x8a: {  	s1 =	srdreg.scid  }
0x8b: {  	s0 =	sand.u32 $0x1, s1  }
0x8c: {  	s17 =	sshll.u32 s0, $0xA;
	s2 =	sadd.s32 s3, s2  }
0x8d: {  	s2 =	sadd.s32 s2, s17  }
0x8e: {  	[smem:$0x3FC0] =	sst s2  }
0x8f: {  	_ = 	snop  }
0x90: {  	s2 =	sld [smem:$0x3FD0];
	(tm) =	ssettm $0x1  }
0x91: {  	s18 =	sld [smem:$0x3FFB];
	_ =	sdelay $0x3  }
0x92: {  	_ =	strace s18  }
0x93: {  	s3 =	sld [smem:$0x3FFC];
	_ =	sdelay $0x3  }
0x94: {  	_ =	strace s3  }
0x95: {  	s3 =	sld [smem:$0x3FFD];
	_ =	sdelay $0x3  }
0x96: {  	_ =	strace s3  }
0x97: {  	_ =	strace $0x8FFFFFFF  }
0x98: {  	s19 =	sld [smem:$0x3FDB];
	_ =	sdelay $0x1  }
0x99: {  	s4 =	simm.s32 $_scs_section_size  }
0x9a: {  	s5 =	simm.s32 $_size__tile_overlayer_lowered;
	s6 =	simm.s32 $_tile_overlayer_lowered  }
0x9b: {  	s22 =	simm.s32 $0x1BFF;
	s21 =	sshll.u32 s6, $0x1;
	s3 =	sadd.s32 s4, s19  }
0x9c: {  	s7 =	simm.s32 $0x0;
	s20 =	sshll.u32 s5, $0x1;
	s5 =	sadd.s32 s21, s3  }
0x9d: {  	[timem:s7], [sflag:s22] =	dma.local [hbm:s5], s20  }
0x9e: {  	_ =	swait.ge [sflag:s22], s20  }
0x9f: {  	s4 =	ssub.s32 $0x0, s20;
	[sflag:s22] =	ssyncset.done $0x0  }
0xa0: {  	[sflag:s22] =	ssyncadd.s32 s4;
	_ =	sdelay $0x1  }
0xa1: {  	s23 =	simm.s32 $0x1B8B  }
0xa2: {  	_ =	swait.ge [sflag:s23], $0x1  }
0xa3: {  	[sflag:s23] =	ssyncset.done $0x0  }
0xa4: {  	s25 =	simm.s32 $0x1B8E;
	s24 =	sld [smem:$0x3FFE];
	[sflag:s23] =	ssyncadd.s32 $0xFFFFFFFF  }
0xa5: {  	s26 =	simm.s32 $execute0_lowered;
	[smem:$0x3FD2] =	sst s25  }
0xa6: {  	s5 =	sshll.u32 s26, $0x1;
	_ =	strace $0x80000049;
	[dreg:$0x1] =	wrdreg $0xFFFFFFFF  }
0xa7: {  	s28 =	simm.s32 $_size_execute0_lowered;
	s3 =	sadd.s32 s3, s5;
	[dreg:$0x0] =	wrdreg $0x0  }
0xa8: {  	s5 =	sshll.u32 s28, $0x1;
	[dreg:$0x2] =	wrdreg s3  }
0xa9: {  	[dreg:$0x3] =	wrdreg s5  }
0xaa: {  	[dreg:$0x4] =	wrdreg $0xC0  }
0xab: {  	_ =	task [dreg:s7], $0x5FFFF  }
0xac: {  	[dreg:$0x1] =	wrdreg $0xFFFFFFFF  }
0xad: {  	[dreg:$0x0] =	wrdreg $0x60  }
0xae: {  	[dreg:$0x2] =	wrdreg s2  }
0xaf: {  	[dreg:$0x3] =	wrdreg s24  }
0xb0: {  	[dreg:$0x4] =	wrdreg $0xA8000  }
0xb1: {  	[dreg:$0x5] =	wrdreg $0x9  }
0xb2: {  	_ =	task.clear_ibuf [dreg:s7], $0x6FFFF;
	_ =	strace $0x90000049  }
0xb3: {  	s29 =	simm.s32 $0x9;
	_ =	strace $0x8000004B  }
0xb4: {  	_ =	swait.ge [sflag:s29], $0x1  }
0xb5: {  	[sflag:s29] =	ssyncadd.s32 $0xFFFFFFFF  }
0xb6: {  	_ =	strace $0x9000004B  }
0xb7: {  	_ =	sfence  }
0xb8: {  	s30 =	sld [smem:$0x0];
	_ =	sdelay $0x2  }
0xb9: {  	s31 =	sshll.u32 s1, $0xD;
	s1 =	sshrl.u32 s1, $0x2  }
0xba: {  	s3 =	sand.u32 $0x4000, s31;
	s1 =	sadd.s32 s1, s30  }
0xbb: {  	s0 =	sor.u32 s3, s0;
	s1 =	sshll.u32 s1, $0x11  }
0xbc: {  	s0 =	sor.u32 s1, s0  }
0xbd: {  	s0 =	sadd.s32 $0x8F2B, s0  }
0xbe: {  	[sflag:s0] =	ssyncadd.remote.s32 $0x1  }
0xbf: {  	_ =	sfence.sel $0xFFFF  }
0xc0: {  	[dreg:$0x0] =	wrdreg $0xFFFFFFFF;
	(pc) =	sbr.abs _section_cstart, $3  }
0xc1: {  	[dreg:$0x1] =	wrdreg $0xFFFFFFFF  }
0xc2: {  	_ =	task.clear_ibuf [dreg:s7], $0x2FFFF;
	_ =	strace $0x9FFFFFFF  }
0xc3: {  	(tm) =	ssettm $0x7FFFFFFF  }
tec
execute0_lowered:
.L_overlay_start_1:
0x0: {  	(tag) =	ssettag $0x1  }
0x1: {  	s1 =	rddreg [dreg:$0x0]  }
0x2: {  	s6 =	rddreg [dreg:$0x1]  }
0x3: {  	s0 =	srdreg.scid;
	s3 =	rddreg [dreg:$0x2]  }
0x4: {  	s4 =	simm.s32 $0x0;
	s13 =	simm.s32 $0x3;
	s14 =	simm.s32 $0x80  }
0x5: {  	s15 =	simm.s32 $0x100;
	s16 =	simm.s32 $0x6800;
	s17 =	simm.s32 $0x1  }
0x6: {  	s18 =	simm.s32 $0x2;
	s5 =	sand.u32 $0x1, s0;
	s0 =	stileid.u32  }
0x7: {  	s19 =	simm.s32 $0x2680;
	s20 =	simm.s32 $0x2780;
	s8 =	smul.u32 $0x50000, s0  }
0x8: {  	[smem:$0x7FF] =	sst s4;
	s2 =	sshll.u32 s5, $0x4;
	s9 =	smul.u32 $0x28000, s5  }
0x9: {  	s5 =	ssub.s32 $0x2, s5;
	s22 =	smul.u32 $0x2800, s0;
	s23 =	sshll.u32 s0, $0x6  }
0xa: {  	s7 =	sor.u32 s0, s2;
	s2 =	rddreg [dreg:$0x3];
	_ =	strace $0x8000004A  }
0xb: {  	s31 =	sshrl.u32 s5, $0x1;
	s7 =	smul.u32 $0xA00, s7;
	s8 =	sshrl.u32 s8, $0x2  }
0xc: {  	s11 =	sadd.s32 s9, s6;
	s12 =	ssub.s32 s5, s31;
	s5 =	sadd.s32 s8, s3  }
0xd: {  	s21 =	sadd.s32 $0x16600, s11;
	s11 =	smax.u32 s12, $0x1;
	s12 =	simm.s32 $0x2800  }
0xe: {  	s10 =	sadd.s32 s7, s6;
	s6 =	sadd.s32 $0x4000, s5;
	s7 =	sadd.s32 $0x8000, s5  }
0xf: {  	s8 =	sadd.s32 $0xC000, s5;
	s9 =	sadd.s32 $0x10000, s5;
	s21 =	sadd.s32 s22, s21  }
0x10: {  	v0 =	vimm.f32 $0.0e+00;
	s22 =	sor.u32 $0x1C03, s23;
	s23 =	simm.s32 $0x0;
	s10 =	sadd.s32 $0x2600, s10  }
.LBB2_1:
0x11: {  	s24 =	simm.s32 $0x0;
	s25 =	simm.s32 $0x200  }
.LBB2_2:
0x12: {  	p0 =	sne.s32 s25, $0xFE00;
	[tilespmem:s24+$0x2870] =	vst v0  }
0x13: {  	[tilespmem:s24+$0x2800] =	vst v0  }
0x14: {  	[tilespmem:s24+$0x2810] =	vst v0  }
.Ltmp0:
0x15: {  	[tilespmem:s24+$0x2820] =	vst v0;
	(pc) =	sbr.rel @p0 .LBB2_2-.Ltmp0, $4  }
0x16: {  	[tilespmem:s24+$0x2830] =	vst v0  }
0x17: {  	[tilespmem:s24+$0x2840] =	vst v0  }
0x18: {  	[tilespmem:s24+$0x2850] =	vst v0  }
0x19: {  	[tilespmem:s24+$0x2860] =	vst v0;
	s24 =	sshra.s32 s25, $0x2;
	s25 =	sadd.s32 $0x200, s25  }
0x1a: {  	[tilespmem:s24+$0x2870] =	vst v0  }
0x1b: {  	[tilespmem:s24+$0x2800] =	vst v0  }
0x1c: {  	[tilespmem:s24+$0x2810] =	vst v0  }
0x1d: {  	[tilespmem:s24+$0x2820] =	vst v0  }
0x1e: {  	[tilespmem:s24+$0x2830] =	vst v0  }
0x1f: {  	[tilespmem:s24+$0x2840] =	vst v0  }
0x20: {  	[tilespmem:s24+$0x2850] =	vst v0  }
0x21: {  	[tilespmem:s24+$0x2860] =	vst v0  }
0x22: {  	[spmem:s5] =	stream.linear.scatter [tilespmem:s12], [sflag:$0x3], $0x4000, $0x38;
	[tilespmem:$0x1E800] =	vst v63  }
0x23: {  	_ =	swait.ge [sflag:s13], $0x4000  }
0x24: {  	[sflag:s13] =	ssyncset.done $0x0  }
0x25: {  	[sflag:s13] =	ssyncadd.s32 $0xFFFFC000  }
0x26: {  	[spmem:s6] =	stream.linear.scatter [tilespmem:s12], [sflag:$0x3], $0x4000, $0x38;
	[tilespmem:$0x1E800] =	vst v63  }
0x27: {  	_ =	swait.ge [sflag:s13], $0x4000  }
0x28: {  	[sflag:s13] =	ssyncset.done $0x0  }
0x29: {  	[sflag:s13] =	ssyncadd.s32 $0xFFFFC000  }
0x2a: {  	[spmem:s7] =	stream.linear.scatter [tilespmem:s12], [sflag:$0x3], $0x4000, $0x38;
	[tilespmem:$0x1E800] =	vst v63  }
0x2b: {  	_ =	swait.ge [sflag:s13], $0x4000  }
0x2c: {  	[sflag:s13] =	ssyncset.done $0x0  }
0x2d: {  	[sflag:s13] =	ssyncadd.s32 $0xFFFFC000  }
0x2e: {  	[spmem:s8] =	stream.linear.scatter [tilespmem:s12], [sflag:$0x3], $0x4000, $0x38;
	[tilespmem:$0x1E800] =	vst v63  }
0x2f: {  	_ =	swait.ge [sflag:s13], $0x4000  }
0x30: {  	[sflag:s13] =	ssyncset.done $0x0  }
0x31: {  	[sflag:s13] =	ssyncadd.s32 $0xFFFFC000  }
0x32: {  	[spmem:s9] =	stream.linear.scatter [tilespmem:s12], [sflag:$0x3], $0x4000, $0x38;
	[tilespmem:$0x1E800] =	vst v63  }
0x33: {  	_ =	swait.ge [sflag:s13], $0x4000  }
0x34: {  	[sflag:s13] =	ssyncset.done $0x0  }
0x35: {  	[sflag:s13] =	ssyncadd.s32 $0xFFFFC000  }
0x36: {  	[bflag:$0x0] =	sbarrier.arrive $0xFFFF  }
0x37: {  	[tilespmem:s4], [sflag:$0x3] =	stream.linear.gather [hbm4b:s10+s4], $0x2800, $0x38;
	[tilespmem:$0x1E800] =	vst v63  }
0x38: {  	_ =	swait.ge [sflag:s13], $0x2800  }
0x39: {  	[sflag:s13] =	ssyncset.done $0x0  }
0x3a: {  	[sflag:s13] =	ssyncadd.s32 $0xFFFFD800  }
0x3b: {  	[tilespmem:s12], [sflag:$0x1] =	stream.indirect.gather [hbm4b:s1+s14], $0x80, s4, s14, $0xb8;
	[tilespmem:$0x1E800] =	vst v63  }
0x3c: {  	_ = 	snop  }
0x3d: {  	[tilespmem:s16], [sflag:$0x2] =	stream.indirect.gather [hbm4b:s1+s14], $0x80, s15, s14, $0xb8;
	[tilespmem:$0x1E800] =	vst v63  }
0x3e: {  	_ =	swait.ge [sflag:s17], $0x4000  }
0x3f: {  	[sflag:s17] =	ssyncset.done $0x0  }
0x40: {  	s29 =	simm.s32 $0x80;
	[sflag:s17] =	ssyncadd.s32 $0xFFFFC000  }
0x41: {  	[spmem:s3] =	stream.indirect.scatter.add.f32 [tilespmem:s12], [sflag:$0x3], $0x80, s29, s14, $0xb8;
	[tilespmem:$0x1E800] =	vst v63  }
0x42: {  	_ =	swait.ge [sflag:s13], $0x4000  }
0x43: {  	[sflag:s13] =	ssyncset.done $0x0  }
0x44: {  	s30 =	simm.s32 $0x200;
	[sflag:s13] =	ssyncadd.s32 $0xFFFFC000  }
0x45: {  	[tilespmem:s12], [sflag:$0x1] =	stream.indirect.gather [hbm4b:s1+s14], $0x80, s30, s14, $0xb8;
	[tilespmem:$0x1E800] =	vst v63  }
0x46: {  	_ =	swait.ge [sflag:s18], $0x4000  }
0x47: {  	[sflag:s18] =	ssyncset.done $0x0  }
0x48: {  	s31 =	simm.s32 $0x180;
	[sflag:s18] =	ssyncadd.s32 $0xFFFFC000  }
0x49: {  	[spmem:s3] =	stream.indirect.scatter.add.f32 [tilespmem:s16], [sflag:$0x3], $0x80, s31, s14, $0xb8;
	[tilespmem:$0x1E800] =	vst v63  }
0x4a: {  	_ =	swait.ge [sflag:s13], $0x4000  }
0x4b: {  	[sflag:s13] =	ssyncset.done $0x0  }
0x4c: {  	s24 =	simm.s32 $0xFFFF7000;
	s25 =	simm.s32 $0x300;
	[sflag:s13] =	ssyncadd.s32 $0xFFFFC000  }
.LBB2_4:
0x4d: {  	[tilespmem:s16], [sflag:$0x2] =	stream.indirect.gather [hbm4b:s1+s14], $0x80, s25, s14, $0xb8;
	[tilespmem:$0x1E800] =	vst v63  }
0x4e: {  	s25 =	smov.u32 s24  }
0x4f: {  	p0 =	sne.s32 s24, $0xFFFFF800;
	s24 =	sadd.s32 $0x800, s24;
	_ =	swait.ge [sflag:s17], $0x4000  }
0x50: {  	s25 =	sshra.s32 s25, $0x2;
	[sflag:s17] =	ssyncset.done $0x0  }
0x51: {  	s26 =	sadd.s32 $0x2680, s25;
	[sflag:s17] =	ssyncadd.s32 $0xFFFFC000  }
0x52: {  	[spmem:s3] =	stream.indirect.scatter.add.f32 [tilespmem:s12], [sflag:$0x3], $0x80, s26, s14, $0xb8;
	[tilespmem:$0x1E800] =	vst v63  }
0x53: {  	_ =	swait.ge [sflag:s13], $0x4000  }
0x54: {  	[sflag:s13] =	ssyncset.done $0x0  }
0x55: {  	s26 =	sadd.s32 $0x2800, s25;
	[sflag:s13] =	ssyncadd.s32 $0xFFFFC000  }
0x56: {  	[tilespmem:s12], [sflag:$0x1] =	stream.indirect.gather [hbm4b:s1+s14], $0x80, s26, s14, $0xb8;
	[tilespmem:$0x1E800] =	vst v63  }
0x57: {  	_ =	swait.ge [sflag:s18], $0x4000  }
0x58: {  	[sflag:s18] =	ssyncset.done $0x0  }
.Ltmp1:
0x59: {  	s26 =	sadd.s32 $0x2780, s25;
	[sflag:s18] =	ssyncadd.s32 $0xFFFFC000;
	(pc) =	sbr.rel @p0 .LBB2_4-.Ltmp1, $4  }
0x5a: {  	[spmem:s3] =	stream.indirect.scatter.add.f32 [tilespmem:s16], [sflag:$0x3], $0x80, s26, s14, $0xb8;
	[tilespmem:$0x1E800] =	vst v63  }
0x5b: {  	_ =	swait.ge [sflag:s13], $0x4000  }
0x5c: {  	[sflag:s13] =	ssyncset.done $0x0  }
0x5d: {  	s25 =	sadd.s32 $0x2900, s25;
	[sflag:s13] =	ssyncadd.s32 $0xFFFFC000  }
0x5e: {  	[tilespmem:s16], [sflag:$0x2] =	stream.indirect.gather [hbm4b:s1+s14], $0x80, s25, s14, $0xb8;
	[tilespmem:$0x1E800] =	vst v63  }
0x5f: {  	_ =	swait.ge [sflag:s17], $0x4000  }
0x60: {  	[sflag:s17] =	ssyncset.done $0x0  }
0x61: {  	[sflag:s17] =	ssyncadd.s32 $0xFFFFC000  }
0x62: {  	[spmem:s3] =	stream.indirect.scatter.add.f32 [tilespmem:s12], [sflag:$0x3], $0x80, s19, s14, $0xb8;
	[tilespmem:$0x1E800] =	vst v63  }
0x63: {  	_ =	swait.ge [sflag:s13], $0x4000  }
0x64: {  	[sflag:s13] =	ssyncset.done $0x0  }
0x65: {  	[sflag:s13] =	ssyncadd.s32 $0xFFFFC000  }
0x66: {  	_ =	swait.ge [sflag:s18], $0x4000  }
0x67: {  	[sflag:s18] =	ssyncset.done $0x0  }
0x68: {  	[sflag:s18] =	ssyncadd.s32 $0xFFFFC000  }
0x69: {  	[spmem:s3] =	stream.indirect.scatter.add.f32 [tilespmem:s16], [sflag:$0x3], $0x80, s20, s14, $0xb8;
	[tilespmem:$0x1E800] =	vst v63  }
0x6a: {  	_ =	swait.ge [sflag:s13], $0x4000  }
0x6b: {  	[sflag:s13] =	ssyncset.done $0x0  }
0x6c: {  	s24 =	sadd.s32 $0x500, s10;
	[sflag:s13] =	ssyncadd.s32 $0xFFFFC000  }
0x6d: {  	[tilespmem:s4], [sflag:$0x3] =	stream.linear.gather [hbm4b:s24+s4], $0x2800, $0x38;
	[tilespmem:$0x1E800] =	vst v63  }
0x6e: {  	_ =	swait.ge [sflag:s13], $0x2800  }
0x6f: {  	[sflag:s13] =	ssyncset.done $0x0  }
0x70: {  	[sflag:s13] =	ssyncadd.s32 $0xFFFFD800  }
0x71: {  	[tilespmem:s12], [sflag:$0x1] =	stream.indirect.gather [hbm4b:s1+s14], $0x80, s4, s14, $0xb8;
	[tilespmem:$0x1E800] =	vst v63  }
0x72: {  	_ = 	snop  }
0x73: {  	[tilespmem:s16], [sflag:$0x2] =	stream.indirect.gather [hbm4b:s1+s14], $0x80, s15, s14, $0xb8;
	[tilespmem:$0x1E800] =	vst v63  }
0x74: {  	_ =	swait.ge [sflag:s17], $0x4000  }
0x75: {  	[sflag:s17] =	ssyncset.done $0x0  }
0x76: {  	s29 =	simm.s32 $0x80;
	[sflag:s17] =	ssyncadd.s32 $0xFFFFC000  }
0x77: {  	[spmem:s3] =	stream.indirect.scatter.add.f32 [tilespmem:s12], [sflag:$0x3], $0x80, s29, s14, $0xb8;
	[tilespmem:$0x1E800] =	vst v63  }
0x78: {  	_ =	swait.ge [sflag:s13], $0x4000  }
0x79: {  	[sflag:s13] =	ssyncset.done $0x0  }
0x7a: {  	s30 =	simm.s32 $0x200;
	[sflag:s13] =	ssyncadd.s32 $0xFFFFC000  }
0x7b: {  	[tilespmem:s12], [sflag:$0x1] =	stream.indirect.gather [hbm4b:s1+s14], $0x80, s30, s14, $0xb8;
	[tilespmem:$0x1E800] =	vst v63  }
0x7c: {  	_ =	swait.ge [sflag:s18], $0x4000  }
0x7d: {  	[sflag:s18] =	ssyncset.done $0x0  }
0x7e: {  	s31 =	simm.s32 $0x180;
	[sflag:s18] =	ssyncadd.s32 $0xFFFFC000  }
0x7f: {  	[spmem:s3] =	stream.indirect.scatter.add.f32 [tilespmem:s16], [sflag:$0x3], $0x80, s31, s14, $0xb8;
	[tilespmem:$0x1E800] =	vst v63  }
0x80: {  	_ =	swait.ge [sflag:s13], $0x4000  }
0x81: {  	[sflag:s13] =	ssyncset.done $0x0  }
0x82: {  	s25 =	simm.s32 $0x300;
	s24 =	simm.s32 $0xFFFF7000;
	[sflag:s13] =	ssyncadd.s32 $0xFFFFC000  }
.LBB2_6:
0x83: {  	[tilespmem:s16], [sflag:$0x2] =	stream.indirect.gather [hbm4b:s1+s14], $0x80, s25, s14, $0xb8;
	[tilespmem:$0x1E800] =	vst v63  }
0x84: {  	s25 =	smov.u32 s24  }
0x85: {  	p0 =	sne.s32 s24, $0xFFFFF800;
	s24 =	sadd.s32 $0x800, s24;
	_ =	swait.ge [sflag:s17], $0x4000  }
0x86: {  	s25 =	sshra.s32 s25, $0x2;
	[sflag:s17] =	ssyncset.done $0x0  }
0x87: {  	s26 =	sadd.s32 $0x2680, s25;
	[sflag:s17] =	ssyncadd.s32 $0xFFFFC000  }
0x88: {  	[spmem:s3] =	stream.indirect.scatter.add.f32 [tilespmem:s12], [sflag:$0x3], $0x80, s26, s14, $0xb8;
	[tilespmem:$0x1E800] =	vst v63  }
0x89: {  	_ =	swait.ge [sflag:s13], $0x4000  }
0x8a: {  	[sflag:s13] =	ssyncset.done $0x0  }
0x8b: {  	s26 =	sadd.s32 $0x2800, s25;
	[sflag:s13] =	ssyncadd.s32 $0xFFFFC000  }
0x8c: {  	[tilespmem:s12], [sflag:$0x1] =	stream.indirect.gather [hbm4b:s1+s14], $0x80, s26, s14, $0xb8;
	[tilespmem:$0x1E800] =	vst v63  }
0x8d: {  	_ =	swait.ge [sflag:s18], $0x4000  }
0x8e: {  	[sflag:s18] =	ssyncset.done $0x0  }
.Ltmp2:
0x8f: {  	s26 =	sadd.s32 $0x2780, s25;
	[sflag:s18] =	ssyncadd.s32 $0xFFFFC000;
	(pc) =	sbr.rel @p0 .LBB2_6-.Ltmp2, $4  }
0x90: {  	[spmem:s3] =	stream.indirect.scatter.add.f32 [tilespmem:s16], [sflag:$0x3], $0x80, s26, s14, $0xb8;
	[tilespmem:$0x1E800] =	vst v63  }
0x91: {  	_ =	swait.ge [sflag:s13], $0x4000  }
0x92: {  	[sflag:s13] =	ssyncset.done $0x0  }
0x93: {  	s25 =	sadd.s32 $0x2900, s25;
	[sflag:s13] =	ssyncadd.s32 $0xFFFFC000  }
0x94: {  	[tilespmem:s16], [sflag:$0x2] =	stream.indirect.gather [hbm4b:s1+s14], $0x80, s25, s14, $0xb8;
	[tilespmem:$0x1E800] =	vst v63  }
0x95: {  	_ =	swait.ge [sflag:s17], $0x4000  }
0x96: {  	[sflag:s17] =	ssyncset.done $0x0  }
0x97: {  	[sflag:s17] =	ssyncadd.s32 $0xFFFFC000  }
0x98: {  	[spmem:s3] =	stream.indirect.scatter.add.f32 [tilespmem:s12], [sflag:$0x3], $0x80, s19, s14, $0xb8;
	[tilespmem:$0x1E800] =	vst v63  }
0x99: {  	_ =	swait.ge [sflag:s13], $0x4000  }
0x9a: {  	[sflag:s13] =	ssyncset.done $0x0  }
0x9b: {  	[sflag:s13] =	ssyncadd.s32 $0xFFFFC000  }
0x9c: {  	_ =	swait.ge [sflag:s18], $0x4000  }
0x9d: {  	[sflag:s18] =	ssyncset.done $0x0  }
0x9e: {  	[sflag:s18] =	ssyncadd.s32 $0xFFFFC000  }
0x9f: {  	[spmem:s3] =	stream.indirect.scatter.add.f32 [tilespmem:s16], [sflag:$0x3], $0x80, s20, s14, $0xb8;
	[tilespmem:$0x1E800] =	vst v63  }
0xa0: {  	_ =	swait.ge [sflag:s13], $0x4000  }
0xa1: {  	s23 =	sadd.s32 $0x1, s23;
	[sflag:s13] =	ssyncset.done $0x0  }
0xa2: {  	p0 =	sne.s32 s23, s11;
	[sflag:s13] =	ssyncadd.s32 $0xFFFFC000  }
.Ltmp3:
0xa3: {  	s24 =	sshrl.u32 s5, $0x3;
	[bflag:$0x0] =	sbarrier.arrive $0xFFFF;
	(pc) =	sbr.rel @p0 .LBB2_1-.Ltmp3, $4  }
0xa4: {  	[hbm:s21], [sflag:s22] =	dma.local [spmem:s24], $0x2800  }
0xa5: {  	_ =	swait.ge [sflag:s13], $0x2800  }
0xa6: {  	[sflag:s13] =	ssyncset.done $0x0  }
0xa7: {  	[sflag:s13] =	ssyncadd.s32 $0xFFFFD800  }
0xa8: {  	_ =	sfence.sel $0x180000  }
0xa9: {  	[bflag:$0x0] =	sbarrier.arrive $0xFFFF  }
0xaa: {  	p0 =	sne.s32 s0, $0x0;
	_ =	strace $0x9000004A  }
0xab: {  	s0 =	sadd.s32 @!p0 $0x100000, s2;
	[bflag:$0x2] =	sbarrier.arrive $0xFFFF  }
0xac: {  	[sflag:s0] =	ssyncadd.tile.s32 @!p0 $0x1;
	_ =	shalt  }
.Lfunc_end2:
_tile_overlayer_lowered:
.L_overlay_start_2:
0xad: {  	(tag) =	ssettag $0x2  }
0xae: {  	s0 =	rddreg [dreg:$0x0];
	s2 =	stileid.u32  }
0xaf: {  	s1 =	rddreg [dreg:$0x1];
	p0 =	sne.s32 s2, $0x0  }
0xb0: {  	s3 =	rddreg [dreg:$0x2];
	[bflag:$0x3] =	sbarrier.arrive $0xFFFF;
	s2 =	simm.s32 @!p0 $0x1C03  }
0xb1: {  	[timem:s3], [sflag:s2] =	dma.local @!p0 [hbm:s0], s1  }
0xb2: {  	s0 =	simm.s32 @!p0 $0x3  }
0xb3: {  	_ =	swait.ge @!p0 [sflag:s0], s1  }
0xb4: {  	s1 =	ssub.s32 @!p0 $0x0, s1;
	[sflag:s0] =	ssyncset.done @!p0 $0x0  }
0xb5: {  	[sflag:s0] =	ssyncadd.s32 @!p0 s1  }
0xb6: {  	[bflag:$0x3] =	sbarrier.arrive $0xFFFF  }
0xb7: {  	_ =	shalt  }

// kernel: sage_sc_agg_cnt.3.cloned.1.call-start
scs
__scs_entry_jumppad:
0x0: {  	(pc) =	sbr.rel $0x88, $3  }
0x1: {  	(tag) =	ssettag $0x0;
	lr =	simm.s32 $0x1  }
0x2: {  	[smem:$0x3F99] =	sst lr;
	_ =	strace $0xD0000000  }
0x3: {  	_ = 	snop  }
0x4: {  	_ = 	snop  }
0x5: {  	_ = 	snop  }
0x6: {  	_ = 	snop  }
0x7: {  	_ = 	snop  }
__scs_overlays_trampoline_lowered:
0x8: {  	[smem:$0x3FA8] =	sst s0  }
0x9: {  	[smem:$0x3FA9] =	sst s1  }
0xa: {  	[smem:$0x3FAA] =	sst s2  }
0xb: {  	[smem:$0x3FAB] =	sst s3  }
0xc: {  	[smem:$0x3FAC] =	sst s4  }
0xd: {  	[smem:$0x3FAD] =	sst s5  }
0xe: {  	[smem:$0x3FAE] =	sst s6  }
0xf: {  	[smem:$0x3FAF] =	sst s7  }
0x10: {  	[smem:$0x3FB0] =	sst s8  }
0x11: {  	[smem:$0x3FB1] =	sst s9;
	s0 =	simm.s32 @!p0 $0x0  }
0x12: {  	s1 =	sld [smem:$0x3F97];
	s0 =	simm.s32 @p0 $0x1  }
0x13: {  	[smem:$0x3FB2] =	sst s0;
	s0 =	simm.s32 @!p1 $0x0  }
0x14: {  	s2 =	sld [smem:$0x3F96];
	s0 =	simm.s32 @p1 $0x1  }
0x15: {  	[smem:$0x3FB3] =	sst s0;
	s0 =	simm.s32 @!p2 $0x0  }
0x16: {  	s3 =	sld [smem:$0x3FDB];
	s0 =	simm.s32 @p2 $0x1  }
0x17: {  	s4 =	simm.s32 $0x1BF5;
	[smem:$0x3FB5] =	sst s0  }
0x18: {  	s0 =	sld [smem:$0x3F98];
	_ =	swait.ge [sflag:s4], $0x0  }
0x19: {  	s7 =	sld [smem:$0x3F99]  }
0x1a: {  	s8 =	sadd.s32 $0xFFFFE003, lr  }
0x1b: {  	s9 =	sadd.s32 $0xFFFFFEF7, lr;
	s5 =	simm.s32 $0xFFFFFFFF;
	p2 =	slt.u32 s8, $0xFFFFF086  }
0x1c: {  	p1 =	slt.u32 s9, $0xF7A;
	s5 =	simm.s32 @!p2 $0x0  }
0x1d: {  	s5 =	simm.s32 @p1 $0x1;
	p0 =	seq.s32 s7, s2  }
0x1e: {  	s7 =	smul.u32 @!p0 $0xF7A, s2;
	p2 =	seq.s32 @!p0 s5, $0x0  }
0x1f: {  	s9 =	smul.u32 $0xF7A, s1;
	s8 =	simm.s32 @!p0 $0x1BF5;
	p2 =	por !p2, p0  }
0x20: {  	[sflag:s8] =	ssyncset.s32 @!p0 $0xFFFFF086;
	s6 =	sadd.s32 @!p0 s3, s7;
	s7 =	simm.s32 @!p0 $0x108  }
0x21: {  	s3 =	sadd.s32 s3, s9;
	s6 =	sadd.s32 @!p0 $0x88, s6;
	s7 =	simm.s32 @p2 $0x1082  }
0x22: {  	[simem:s7], [sflag:s8] =	dma.local @!p0 [hbm:s6], $0xF7A  }
0x23: {  	s9 =	sor.u32 $0xD0000000, s2;
	s6 =	simm.s32 $0x108;
	_ =	swait.ge @!p0 [sflag:s8], $0x0  }
0x24: {  	s3 =	sadd.s32 $0x88, s3;
	s6 =	simm.s32 @!p1 $0x1082;
	[sflag:s4] =	ssyncset.s32 $0xFFFFF086  }
0x25: {  	[simem:s6], [sflag:s4] =	dma.local [hbm:s3], $0xF7A  }
0x26: {  	[smem:$0x3F99] =	sst s1;
	(tag) =	ssettag s2;
	_ =	strace s9  }
0x27: {  	s1 =	sld [smem:$0x3FA9]  }
0x28: {  	s2 =	sld [smem:$0x3FAA]  }
0x29: {  	s4 =	sld [smem:$0x3FAC]  }
0x2a: {  	p0 =	seq.s32 s5, $0x0;
	s5 =	sld [smem:$0x3FAD]  }
0x2b: {  	s6 =	sld [smem:$0x3FAE]  }
0x2c: {  	s7 =	sld [smem:$0x3FAF]  }
0x2d: {  	s3 =	simm.s32 $0x108;
	s8 =	sld [smem:$0x3FB0]  }
0x2e: {  	s3 =	simm.s32 @!p0 $0x1082;
	s9 =	sld [smem:$0x3FB1]  }
0x2f: {  	lr =	sadd.s32 s0, s3;
	s0 =	sld [smem:$0x3FA8]  }
0x30: {  	s3 =	sld [smem:$0x3FAB]  }
0x31: {  	[smem:$0x3FB4] =	sst s10  }
0x32: {  	s10 =	sld [smem:$0x3FB2];
	_ =	sdelay $0x3  }
0x33: {  	p0 =	seq.s32 s10, $0x1;
	s10 =	sld [smem:$0x3FB4];
	_ =	sdelay $0x3  }
0x34: {  	[smem:$0x3FB4] =	sst s10  }
0x35: {  	s10 =	sld [smem:$0x3FB3];
	_ =	sdelay $0x3  }
0x36: {  	p1 =	seq.s32 s10, $0x1;
	s10 =	sld [smem:$0x3FB4];
	_ =	sdelay $0x3  }
0x37: {  	[smem:$0x3FB4] =	sst s10  }
0x38: {  	s10 =	sld [smem:$0x3FB5]  }
0x39: {  	_ = 	snop;
	(pc) =	sbr.ind lr, $3  }
0x3a: {  	_ = 	snop  }
0x3b: {  	_ = 	snop  }
0x3c: {  	p2 =	seq.s32 s10, $0x1;
	s10 =	sld [smem:$0x3FB4]  }
0x3d: {  	_ =	shalt  }
0x3e: {  	_ =	shalt  }
0x3f: {  	_ =	shalt  }
0x40: {  	_ =	shalt  }
0x41: {  	_ =	shalt  }
0x42: {  	_ =	shalt  }
0x43: {  	_ =	shalt  }
0x44: {  	_ =	shalt  }
0x45: {  	_ =	shalt  }
0x46: {  	_ =	shalt  }
0x47: {  	_ =	shalt  }
0x48: {  	_ =	shalt  }
0x49: {  	_ =	shalt  }
0x4a: {  	_ =	shalt  }
0x4b: {  	_ =	shalt  }
0x4c: {  	_ =	shalt  }
0x4d: {  	_ =	shalt  }
0x4e: {  	_ =	shalt  }
0x4f: {  	_ =	shalt  }
0x50: {  	_ =	shalt  }
0x51: {  	_ =	shalt  }
0x52: {  	_ =	shalt  }
0x53: {  	_ =	shalt  }
0x54: {  	_ =	shalt  }
0x55: {  	_ =	shalt  }
0x56: {  	_ =	shalt  }
0x57: {  	_ =	shalt  }
0x58: {  	_ =	shalt  }
0x59: {  	_ =	shalt  }
0x5a: {  	_ =	shalt  }
0x5b: {  	_ =	shalt  }
0x5c: {  	_ =	shalt  }
0x5d: {  	_ =	shalt  }
0x5e: {  	_ =	shalt  }
0x5f: {  	_ =	shalt  }
0x60: {  	_ =	shalt  }
0x61: {  	_ =	shalt  }
0x62: {  	_ =	shalt  }
0x63: {  	_ =	shalt  }
0x64: {  	_ =	shalt  }
0x65: {  	_ =	shalt  }
0x66: {  	_ =	shalt  }
0x67: {  	_ =	shalt  }
0x68: {  	_ =	shalt  }
0x69: {  	_ =	shalt  }
0x6a: {  	_ =	shalt  }
0x6b: {  	_ =	shalt  }
0x6c: {  	_ =	shalt  }
0x6d: {  	_ =	shalt  }
0x6e: {  	_ =	shalt  }
0x6f: {  	_ =	shalt  }
0x70: {  	_ =	shalt  }
0x71: {  	_ =	shalt  }
0x72: {  	_ =	shalt  }
0x73: {  	_ =	shalt  }
0x74: {  	_ =	shalt  }
0x75: {  	_ =	shalt  }
0x76: {  	_ =	shalt  }
0x77: {  	_ =	shalt  }
0x78: {  	_ =	shalt  }
0x79: {  	_ =	shalt  }
0x7a: {  	_ =	shalt  }
0x7b: {  	_ =	shalt  }
0x7c: {  	_ =	shalt  }
0x7d: {  	_ =	shalt  }
0x7e: {  	_ =	shalt  }
0x7f: {  	_ =	shalt  }
0x80: {  	_ =	shalt  }
0x81: {  	_ =	shalt  }
0x82: {  	_ =	shalt  }
0x83: {  	_ =	shalt  }
0x84: {  	_ =	shalt  }
0x85: {  	_ =	shalt  }
0x86: {  	_ =	shalt  }
0x87: {  	_ =	shalt  }
.Lfunc_end0:
.L_simem_size_0:
called_computation_lowered:
.L_overlay_start_0:
0x88: {  	s2 =	sld [smem:$0x3FD9]  }
0x89: {  	s3 =	sld [smem:$0x3FFE];
	_ =	sdelay $0x1  }
0x8a: {  	s1 =	srdreg.scid  }
0x8b: {  	s0 =	sand.u32 $0x1, s1  }
0x8c: {  	s17 =	sshll.u32 s0, $0xA;
	s2 =	sadd.s32 s3, s2  }
0x8d: {  	s2 =	sadd.s32 s2, s17  }
0x8e: {  	[smem:$0x3FC0] =	sst s2  }
0x8f: {  	_ = 	snop  }
0x90: {  	s2 =	sld [smem:$0x3FC9];
	(tm) =	ssettm $0x1  }
0x91: {  	s18 =	sld [smem:$0x3FFB];
	_ =	sdelay $0x3  }
0x92: {  	_ =	strace s18  }
0x93: {  	s3 =	sld [smem:$0x3FFC];
	_ =	sdelay $0x3  }
0x94: {  	_ =	strace s3  }
0x95: {  	s3 =	sld [smem:$0x3FFD];
	_ =	sdelay $0x3  }
0x96: {  	_ =	strace s3  }
0x97: {  	_ =	strace $0x8FFFFFFF  }
0x98: {  	s19 =	sld [smem:$0x3FDB];
	_ =	sdelay $0x1  }
0x99: {  	s4 =	simm.s32 $_scs_section_size  }
0x9a: {  	s5 =	simm.s32 $_size__tile_overlayer_lowered;
	s6 =	simm.s32 $_tile_overlayer_lowered  }
0x9b: {  	s22 =	simm.s32 $0x1BFF;
	s21 =	sshll.u32 s6, $0x1;
	s3 =	sadd.s32 s4, s19  }
0x9c: {  	s7 =	simm.s32 $0x0;
	s20 =	sshll.u32 s5, $0x1;
	s5 =	sadd.s32 s21, s3  }
0x9d: {  	[timem:s7], [sflag:s22] =	dma.local [hbm:s5], s20  }
0x9e: {  	_ =	swait.ge [sflag:s22], s20  }
0x9f: {  	s4 =	ssub.s32 $0x0, s20;
	[sflag:s22] =	ssyncset.done $0x0  }
0xa0: {  	[sflag:s22] =	ssyncadd.s32 s4;
	_ =	sdelay $0x1  }
0xa1: {  	s23 =	simm.s32 $0x1B8B  }
0xa2: {  	_ =	swait.ge [sflag:s23], $0x1  }
0xa3: {  	[sflag:s23] =	ssyncset.done $0x0  }
0xa4: {  	s25 =	simm.s32 $0x1B8E;
	s24 =	sld [smem:$0x3FFE];
	[sflag:s23] =	ssyncadd.s32 $0xFFFFFFFF  }
0xa5: {  	s26 =	simm.s32 $execute0_lowered;
	[smem:$0x3FD2] =	sst s25  }
0xa6: {  	s5 =	sshll.u32 s26, $0x1;
	_ =	strace $0x80000046;
	[dreg:$0x1] =	wrdreg $0xFFFFFFFF  }
0xa7: {  	s28 =	simm.s32 $_size_execute0_lowered;
	s3 =	sadd.s32 s3, s5;
	[dreg:$0x0] =	wrdreg $0x0  }
0xa8: {  	s5 =	sshll.u32 s28, $0x1;
	[dreg:$0x2] =	wrdreg s3  }
0xa9: {  	[dreg:$0x3] =	wrdreg s5  }
0xaa: {  	[dreg:$0x4] =	wrdreg $0xC0  }
0xab: {  	_ =	task [dreg:s7], $0x5FFFF  }
0xac: {  	[dreg:$0x1] =	wrdreg $0xFFFFFFFF  }
0xad: {  	[dreg:$0x0] =	wrdreg $0x60  }
0xae: {  	[dreg:$0x2] =	wrdreg s2  }
0xaf: {  	[dreg:$0x3] =	wrdreg s24  }
0xb0: {  	[dreg:$0x4] =	wrdreg $0xA8800  }
0xb1: {  	[dreg:$0x5] =	wrdreg $0x1E8800  }
0xb2: {  	[dreg:$0x6] =	wrdreg $0x9  }
0xb3: {  	_ =	task.clear_ibuf [dreg:s7], $0x7FFFF;
	_ =	strace $0x90000046  }
0xb4: {  	s29 =	simm.s32 $0x9;
	_ =	strace $0x80000048  }
0xb5: {  	_ =	swait.ge [sflag:s29], $0x1  }
0xb6: {  	[sflag:s29] =	ssyncadd.s32 $0xFFFFFFFF  }
0xb7: {  	_ =	strace $0x90000048  }
0xb8: {  	_ =	sfence  }
0xb9: {  	s30 =	sld [smem:$0x0];
	_ =	sdelay $0x2  }
0xba: {  	s31 =	sshll.u32 s1, $0xD;
	s1 =	sshrl.u32 s1, $0x2  }
0xbb: {  	s3 =	sand.u32 $0x4000, s31;
	s1 =	sadd.s32 s1, s30  }
0xbc: {  	s0 =	sor.u32 s3, s0;
	s1 =	sshll.u32 s1, $0x11  }
0xbd: {  	s0 =	sor.u32 s1, s0  }
0xbe: {  	s0 =	sadd.s32 $0x8F2B, s0  }
0xbf: {  	[sflag:s0] =	ssyncadd.remote.s32 $0x1  }
0xc0: {  	_ =	sfence.sel $0xFFFF  }
0xc1: {  	[dreg:$0x0] =	wrdreg $0xFFFFFFFF;
	(pc) =	sbr.abs _section_cstart, $3  }
0xc2: {  	[dreg:$0x1] =	wrdreg $0xFFFFFFFF  }
0xc3: {  	_ =	task.clear_ibuf [dreg:s7], $0x2FFFF;
	_ =	strace $0x9FFFFFFF  }
0xc4: {  	(tm) =	ssettm $0x7FFFFFFF  }
0xc5: {  	_ =	shalt  }
tec
execute0_lowered:
.L_overlay_start_1:
0x0: {  	(tag) =	ssettag $0x1  }
0x1: {  	s1 =	rddreg [dreg:$0x0]  }
0x2: {  	s2 =	rddreg [dreg:$0x1]  }
0x3: {  	s0 =	srdreg.scid;
	s3 =	rddreg [dreg:$0x2]  }
0x4: {  	s18 =	stileid.u32;
	s4 =	rddreg [dreg:$0x3]  }
0x5: {  	s19 =	simm.s32 $0x3;
	s20 =	simm.s32 $0x80;
	s21 =	simm.s32 $0x100  }
0x6: {  	s28 =	simm.s32 $0x2;
	s29 =	simm.s32 $0x2680;
	s30 =	simm.s32 $0x2780  }
0x7: {  	s31 =	simm.s32 $0x0;
	s0 =	sand.u32 $0x1, s0;
	s11 =	smul.u32 $0x280, s18  }
0x8: {  	s6 =	sshll.u32 s0, $0x4;
	s8 =	smul.u32 $0x28000, s0;
	s0 =	ssub.s32 $0x2, s0  }
0x9: {  	s22 =	smul.u32 $0x50000, s18;
	s5 =	sor.u32 s18, s6;
	s23 =	sshrl.u32 s0, $0x1  }
0xa: {  	s12 =	sadd.s32 $0x80, s11;
	s13 =	sadd.s32 $0x100, s11;
	s14 =	sadd.s32 $0x180, s11  }
0xb: {  	s15 =	sadd.s32 $0x200, s11;
	s11 =	sadd.s32 s11, s4;
	s7 =	smul.u32 $0xA00, s5  }
0xc: {  	s5 =	simm.s32 $0x0;
	s17 =	sadd.s32 s8, s2;
	s0 =	ssub.s32 s0, s23  }
0xd: {  	s24 =	sshll.u32 s12, $0x7;
	s25 =	sshll.u32 s13, $0x7;
	s9 =	sshll.u32 s14, $0x7  }
0xe: {  	s10 =	sshll.u32 s15, $0x7;
	s12 =	sadd.s32 s12, s4;
	s13 =	sadd.s32 s13, s4  }
0xf: {  	s14 =	sadd.s32 s14, s4;
	s15 =	sadd.s32 s15, s4;
	s23 =	smul.u32 $0x2800, s18  }
0x10: {  	s8 =	simm.s32 $0x10;
	[smem:$0x7FF] =	sst s5;
	s26 =	sadd.s32 s25, s3  }
0x11: {  	s9 =	sadd.s32 s9, s3;
	s10 =	sadd.s32 s10, s3;
	s25 =	simm.s32 $0x1  }
0x12: {  	_ =	strace $0x80000047;
	s16 =	sadd.s32 s7, s2;
	s2 =	sadd.s32 s6, s2  }
0x13: {  	s7 =	sshrl.u32 s22, $0x2;
	[dreg:$0x6] =	wrdreg s26;
	s22 =	sadd.s32 $0x16600, s17  }
0x14: {  	s17 =	smax.u32 s0, $0x1;
	s26 =	simm.s32 $0xA800;
	s6 =	sadd.s32 s7, s3  }
0x15: {  	s7 =	sadd.s32 s24, s3;
	s16 =	sadd.s32 $0x2600, s16;
	s24 =	smul.u32 $0xA0, s18  }
0x16: {  	s2 =	sadd.s32 $0x66600, s2;
	s18 =	simm.s32 $0x2800;
	s22 =	sadd.s32 s23, s22  }
0x17: {  	v0 =	vimm.f32 $0.0e+00;
	v1 =	vimm.f32 $1.000000000e+00;
	s23 =	simm.s32 $0x6800;
	[dreg:$0x5] =	wrdreg s7;
	s24 =	sadd.s32 s24, s2  }
.LBB2_1:
0x18: {  	s2 =	simm.s32 $0x0;
	s0 =	simm.s32 $0x200  }
.LBB2_2:
0x19: {  	p0 =	sne.s32 s0, $0xFE00;
	[tilespmem:s2+$0x2870] =	vst v0  }
0x1a: {  	[tilespmem:s2+$0x2800] =	vst v0  }
0x1b: {  	[tilespmem:s2+$0x2810] =	vst v0  }
.Ltmp0:
0x1c: {  	[tilespmem:s2+$0x2820] =	vst v0;
	(pc) =	sbr.rel @p0 .LBB2_2-.Ltmp0, $4  }
0x1d: {  	[tilespmem:s2+$0x2830] =	vst v0  }
0x1e: {  	[tilespmem:s2+$0x2840] =	vst v0  }
0x1f: {  	[tilespmem:s2+$0x2850] =	vst v0  }
0x20: {  	[tilespmem:s2+$0x2860] =	vst v0;
	s2 =	sshra.s32 s0, $0x2;
	s0 =	sadd.s32 $0x200, s0  }
0x21: {  	[tilespmem:s2+$0x2870] =	vst v0  }
0x22: {  	[tilespmem:s2+$0x2800] =	vst v0  }
0x23: {  	[tilespmem:s2+$0x2810] =	vst v0  }
0x24: {  	[tilespmem:s2+$0x2820] =	vst v0  }
0x25: {  	[tilespmem:s2+$0x2830] =	vst v0  }
0x26: {  	[tilespmem:s2+$0x2840] =	vst v0  }
0x27: {  	[tilespmem:s2+$0x2850] =	vst v0  }
0x28: {  	[tilespmem:s2+$0x2860] =	vst v0  }
0x29: {  	[spmem:s6] =	stream.linear.scatter [tilespmem:s18], [sflag:$0x3], $0x4000, $0x38;
	[tilespmem:$0x1EB00] =	vst v63  }
0x2a: {  	_ =	swait.ge [sflag:s19], $0x4000  }
0x2b: {  	[sflag:s19] =	ssyncset.done $0x0  }
0x2c: {  	s0 =	rddreg [dreg:$0x5];
	[sflag:s19] =	ssyncadd.s32 $0xFFFFC000  }
0x2d: {  	[spmem:s0] =	stream.linear.scatter [tilespmem:s18], [sflag:$0x3], $0x4000, $0x38;
	[tilespmem:$0x1EB00] =	vst v63  }
0x2e: {  	_ =	swait.ge [sflag:s19], $0x4000  }
0x2f: {  	[sflag:s19] =	ssyncset.done $0x0  }
0x30: {  	s2 =	rddreg [dreg:$0x6];
	[sflag:s19] =	ssyncadd.s32 $0xFFFFC000  }
0x31: {  	[spmem:s2] =	stream.linear.scatter [tilespmem:s18], [sflag:$0x3], $0x4000, $0x38;
	[tilespmem:$0x1EB00] =	vst v63  }
0x32: {  	_ =	swait.ge [sflag:s19], $0x4000  }
0x33: {  	[sflag:s19] =	ssyncset.done $0x0  }
0x34: {  	[sflag:s19] =	ssyncadd.s32 $0xFFFFC000  }
0x35: {  	[spmem:s9] =	stream.linear.scatter [tilespmem:s18], [sflag:$0x3], $0x4000, $0x38;
	[tilespmem:$0x1EB00] =	vst v63  }
0x36: {  	_ =	swait.ge [sflag:s19], $0x4000  }
0x37: {  	[sflag:s19] =	ssyncset.done $0x0  }
0x38: {  	[sflag:s19] =	ssyncadd.s32 $0xFFFFC000  }
0x39: {  	[spmem:s10] =	stream.linear.scatter [tilespmem:s18], [sflag:$0x3], $0x4000, $0x38;
	[tilespmem:$0x1EB00] =	vst v63  }
0x3a: {  	_ =	swait.ge [sflag:s19], $0x4000  }
0x3b: {  	[sflag:s19] =	ssyncset.done $0x0  }
0x3c: {  	[sflag:s19] =	ssyncadd.s32 $0xFFFFC000  }
0x3d: {  	[tilespmem:$0xA800] =	vst v1  }
0x3e: {  	[tilespmem:$0xA810] =	vst v1  }
0x3f: {  	[tilespmem:$0xA820] =	vst v1  }
0x40: {  	[tilespmem:$0xA830] =	vst v1  }
0x41: {  	[tilespmem:$0xA840] =	vst v1  }
0x42: {  	[tilespmem:$0xA850] =	vst v1  }
0x43: {  	[tilespmem:$0xA860] =	vst v1  }
0x44: {  	[tilespmem:$0xA870] =	vst v1  }
0x45: {  	[spmem:s11] =	stream.linear.scatter [tilespmem:s18], [sflag:$0x3], $0x80, $0x38;
	[tilespmem:$0x1EB00] =	vst v63  }
0x46: {  	_ =	swait.ge [sflag:s19], $0x80  }
0x47: {  	[sflag:s19] =	ssyncset.done $0x0  }
0x48: {  	[sflag:s19] =	ssyncadd.s32 $0xFFFFFF80  }
0x49: {  	[spmem:s12] =	stream.linear.scatter [tilespmem:s18], [sflag:$0x3], $0x80, $0x38;
	[tilespmem:$0x1EB00] =	vst v63  }
0x4a: {  	_ =	swait.ge [sflag:s19], $0x80  }
0x4b: {  	[sflag:s19] =	ssyncset.done $0x0  }
0x4c: {  	[sflag:s19] =	ssyncadd.s32 $0xFFFFFF80  }
0x4d: {  	[spmem:s13] =	stream.linear.scatter [tilespmem:s18], [sflag:$0x3], $0x80, $0x38;
	[tilespmem:$0x1EB00] =	vst v63  }
0x4e: {  	_ =	swait.ge [sflag:s19], $0x80  }
0x4f: {  	[sflag:s19] =	ssyncset.done $0x0  }
0x50: {  	[sflag:s19] =	ssyncadd.s32 $0xFFFFFF80  }
0x51: {  	[spmem:s14] =	stream.linear.scatter [tilespmem:s18], [sflag:$0x3], $0x80, $0x38;
	[tilespmem:$0x1EB00] =	vst v63  }
0x52: {  	_ =	swait.ge [sflag:s19], $0x80  }
0x53: {  	[sflag:s19] =	ssyncset.done $0x0  }
0x54: {  	[sflag:s19] =	ssyncadd.s32 $0xFFFFFF80  }
0x55: {  	[spmem:s15] =	stream.linear.scatter [tilespmem:s18], [sflag:$0x3], $0x80, $0x38;
	[tilespmem:$0x1EB00] =	vst v63  }
0x56: {  	_ =	swait.ge [sflag:s19], $0x80  }
0x57: {  	[sflag:s19] =	ssyncset.done $0x0  }
0x58: {  	[sflag:s19] =	ssyncadd.s32 $0xFFFFFF80  }
0x59: {  	[bflag:$0x0] =	sbarrier.arrive $0xFFFF  }
0x5a: {  	[tilespmem:s5], [sflag:$0x3] =	stream.linear.gather [hbm4b:s16+s5], $0x2800, $0x38;
	[tilespmem:$0x1EB00] =	vst v63  }
0x5b: {  	_ =	swait.ge [sflag:s19], $0x2800  }
0x5c: {  	[sflag:s19] =	ssyncset.done $0x0  }
0x5d: {  	[sflag:s19] =	ssyncadd.s32 $0xFFFFD800  }
0x5e: {  	[tilespmem:s18], [sflag:$0x1] =	stream.indirect.gather [hbm4b:s1+s20], $0x80, s5, s20, $0xb8;
	[tilespmem:$0x1EB00] =	vst v63  }
0x5f: {  	_ = 	snop  }
0x60: {  	[tilespmem:s23], [sflag:$0x2] =	stream.indirect.gather [hbm4b:s1+s20], $0x80, s21, s20, $0xb8;
	[tilespmem:$0x1EB00] =	vst v63  }
0x61: {  	_ =	swait.ge [sflag:s25], $0x4000  }
0x62: {  	[sflag:s25] =	ssyncset.done $0x0  }
0x63: {  	s7 =	simm.s32 $0x80;
	[sflag:s25] =	ssyncadd.s32 $0xFFFFC000  }
0x64: {  	[spmem:s3] =	stream.indirect.scatter.add.f32 [tilespmem:s18], [sflag:$0x3], $0x80, s7, s20, $0xb8;
	[tilespmem:$0x1EB00] =	vst v63  }
0x65: {  	_ =	swait.ge [sflag:s19], $0x4000  }
0x66: {  	[sflag:s19] =	ssyncset.done $0x0  }
0x67: {  	[sflag:s19] =	ssyncadd.s32 $0xFFFFC000  }
0x68: {  	[spmem:s4] =	stream.indirect.scatter.add.f32 [tilespmem:s26], [sflag:$0x3], $0x1, s7, s20, $0xb8;
	[tilespmem:$0x1EB00] =	vst v63  }
0x69: {  	_ =	swait.ge [sflag:s19], $0x80  }
0x6a: {  	[sflag:s19] =	ssyncset.done $0x0  }
0x6b: {  	s2 =	simm.s32 $0x200;
	[sflag:s19] =	ssyncadd.s32 $0xFFFFFF80  }
0x6c: {  	[tilespmem:s18], [sflag:$0x1] =	stream.indirect.gather [hbm4b:s1+s20], $0x80, s2, s20, $0xb8;
	[tilespmem:$0x1EB00] =	vst v63  }
0x6d: {  	_ =	swait.ge [sflag:s28], $0x4000  }
0x6e: {  	[sflag:s28] =	ssyncset.done $0x0  }
0x6f: {  	s7 =	simm.s32 $0x180;
	[sflag:s28] =	ssyncadd.s32 $0xFFFFC000  }
0x70: {  	[spmem:s3] =	stream.indirect.scatter.add.f32 [tilespmem:s23], [sflag:$0x3], $0x80, s7, s20, $0xb8;
	[tilespmem:$0x1EB00] =	vst v63  }
0x71: {  	_ =	swait.ge [sflag:s19], $0x4000  }
0x72: {  	[sflag:s19] =	ssyncset.done $0x0  }
0x73: {  	[sflag:s19] =	ssyncadd.s32 $0xFFFFC000  }
0x74: {  	[spmem:s4] =	stream.indirect.scatter.add.f32 [tilespmem:s26], [sflag:$0x3], $0x1, s7, s20, $0xb8;
	[tilespmem:$0x1EB00] =	vst v63  }
0x75: {  	_ =	swait.ge [sflag:s19], $0x80  }
0x76: {  	[sflag:s19] =	ssyncset.done $0x0  }
0x77: {  	s0 =	simm.s32 $0x300;
	s2 =	simm.s32 $0xFFFF7000;
	[sflag:s19] =	ssyncadd.s32 $0xFFFFFF80  }
.LBB2_4:
0x78: {  	[tilespmem:s23], [sflag:$0x2] =	stream.indirect.gather [hbm4b:s1+s20], $0x80, s0, s20, $0xb8;
	[tilespmem:$0x1EB00] =	vst v63  }
0x79: {  	s0 =	smov.u32 s2  }
0x7a: {  	p0 =	sne.s32 s2, $0xFFFFF800;
	s2 =	sadd.s32 $0x800, s2;
	_ =	swait.ge [sflag:s25], $0x4000  }
0x7b: {  	s0 =	sshra.s32 s0, $0x2;
	[sflag:s25] =	ssyncset.done $0x0  }
0x7c: {  	s7 =	sadd.s32 $0x2680, s0;
	[sflag:s25] =	ssyncadd.s32 $0xFFFFC000  }
0x7d: {  	[spmem:s3] =	stream.indirect.scatter.add.f32 [tilespmem:s18], [sflag:$0x3], $0x80, s7, s20, $0xb8;
	[tilespmem:$0x1EB00] =	vst v63  }
0x7e: {  	_ =	swait.ge [sflag:s19], $0x4000  }
0x7f: {  	[sflag:s19] =	ssyncset.done $0x0  }
0x80: {  	[sflag:s19] =	ssyncadd.s32 $0xFFFFC000  }
0x81: {  	[spmem:s4] =	stream.indirect.scatter.add.f32 [tilespmem:s26], [sflag:$0x3], $0x1, s7, s20, $0xb8;
	[tilespmem:$0x1EB00] =	vst v63  }
0x82: {  	_ =	swait.ge [sflag:s19], $0x80  }
0x83: {  	[sflag:s19] =	ssyncset.done $0x0  }
0x84: {  	s7 =	sadd.s32 $0x2800, s0;
	[sflag:s19] =	ssyncadd.s32 $0xFFFFFF80  }
0x85: {  	[tilespmem:s18], [sflag:$0x1] =	stream.indirect.gather [hbm4b:s1+s20], $0x80, s7, s20, $0xb8;
	[tilespmem:$0x1EB00] =	vst v63  }
0x86: {  	_ =	swait.ge [sflag:s28], $0x4000  }
0x87: {  	[sflag:s28] =	ssyncset.done $0x0  }
0x88: {  	s7 =	sadd.s32 $0x2780, s0;
	[sflag:s28] =	ssyncadd.s32 $0xFFFFC000  }
0x89: {  	[spmem:s3] =	stream.indirect.scatter.add.f32 [tilespmem:s23], [sflag:$0x3], $0x80, s7, s20, $0xb8;
	[tilespmem:$0x1EB00] =	vst v63  }
0x8a: {  	_ =	swait.ge [sflag:s19], $0x4000  }
0x8b: {  	[sflag:s19] =	ssyncset.done $0x0  }
.Ltmp1:
0x8c: {  	[sflag:s19] =	ssyncadd.s32 $0xFFFFC000;
	(pc) =	sbr.rel @p0 .LBB2_4-.Ltmp1, $4  }
0x8d: {  	[spmem:s4] =	stream.indirect.scatter.add.f32 [tilespmem:s26], [sflag:$0x3], $0x1, s7, s20, $0xb8;
	[tilespmem:$0x1EB00] =	vst v63  }
0x8e: {  	_ =	swait.ge [sflag:s19], $0x80  }
0x8f: {  	[sflag:s19] =	ssyncset.done $0x0  }
0x90: {  	s0 =	sadd.s32 $0x2900, s0;
	[sflag:s19] =	ssyncadd.s32 $0xFFFFFF80  }
0x91: {  	[tilespmem:s23], [sflag:$0x2] =	stream.indirect.gather [hbm4b:s1+s20], $0x80, s0, s20, $0xb8;
	[tilespmem:$0x1EB00] =	vst v63  }
0x92: {  	_ =	swait.ge [sflag:s25], $0x4000  }
0x93: {  	[sflag:s25] =	ssyncset.done $0x0  }
0x94: {  	[sflag:s25] =	ssyncadd.s32 $0xFFFFC000  }
0x95: {  	[spmem:s3] =	stream.indirect.scatter.add.f32 [tilespmem:s18], [sflag:$0x3], $0x80, s29, s20, $0xb8;
	[tilespmem:$0x1EB00] =	vst v63  }
0x96: {  	_ =	swait.ge [sflag:s19], $0x4000  }
0x97: {  	[sflag:s19] =	ssyncset.done $0x0  }
0x98: {  	[sflag:s19] =	ssyncadd.s32 $0xFFFFC000  }
0x99: {  	[spmem:s4] =	stream.indirect.scatter.add.f32 [tilespmem:s26], [sflag:$0x3], $0x1, s29, s20, $0xb8;
	[tilespmem:$0x1EB00] =	vst v63  }
0x9a: {  	_ =	swait.ge [sflag:s19], $0x80  }
0x9b: {  	[sflag:s19] =	ssyncset.done $0x0  }
0x9c: {  	[sflag:s19] =	ssyncadd.s32 $0xFFFFFF80  }
0x9d: {  	_ =	swait.ge [sflag:s28], $0x4000  }
0x9e: {  	[sflag:s28] =	ssyncset.done $0x0  }
0x9f: {  	[sflag:s28] =	ssyncadd.s32 $0xFFFFC000  }
0xa0: {  	[spmem:s3] =	stream.indirect.scatter.add.f32 [tilespmem:s23], [sflag:$0x3], $0x80, s30, s20, $0xb8;
	[tilespmem:$0x1EB00] =	vst v63  }
0xa1: {  	_ =	swait.ge [sflag:s19], $0x4000  }
0xa2: {  	[sflag:s19] =	ssyncset.done $0x0  }
0xa3: {  	[sflag:s19] =	ssyncadd.s32 $0xFFFFC000  }
0xa4: {  	[spmem:s4] =	stream.indirect.scatter.add.f32 [tilespmem:s26], [sflag:$0x3], $0x1, s30, s20, $0xb8;
	[tilespmem:$0x1EB00] =	vst v63  }
0xa5: {  	_ =	swait.ge [sflag:s19], $0x80  }
0xa6: {  	[sflag:s19] =	ssyncset.done $0x0  }
0xa7: {  	s2 =	sadd.s32 $0x500, s16;
	[sflag:s19] =	ssyncadd.s32 $0xFFFFFF80  }
0xa8: {  	[tilespmem:s5], [sflag:$0x3] =	stream.linear.gather [hbm4b:s2+s5], $0x2800, $0x38;
	[tilespmem:$0x1EB00] =	vst v63  }
0xa9: {  	_ =	swait.ge [sflag:s19], $0x2800  }
0xaa: {  	[sflag:s19] =	ssyncset.done $0x0  }
0xab: {  	[sflag:s19] =	ssyncadd.s32 $0xFFFFD800  }
0xac: {  	[tilespmem:s18], [sflag:$0x1] =	stream.indirect.gather [hbm4b:s1+s20], $0x80, s5, s20, $0xb8;
	[tilespmem:$0x1EB00] =	vst v63  }
0xad: {  	_ = 	snop  }
0xae: {  	[tilespmem:s23], [sflag:$0x2] =	stream.indirect.gather [hbm4b:s1+s20], $0x80, s21, s20, $0xb8;
	[tilespmem:$0x1EB00] =	vst v63  }
0xaf: {  	_ =	swait.ge [sflag:s25], $0x4000  }
0xb0: {  	[sflag:s25] =	ssyncset.done $0x0  }
0xb1: {  	s7 =	simm.s32 $0x80;
	[sflag:s25] =	ssyncadd.s32 $0xFFFFC000  }
0xb2: {  	[spmem:s3] =	stream.indirect.scatter.add.f32 [tilespmem:s18], [sflag:$0x3], $0x80, s7, s20, $0xb8;
	[tilespmem:$0x1EB00] =	vst v63  }
0xb3: {  	_ =	swait.ge [sflag:s19], $0x4000  }
0xb4: {  	[sflag:s19] =	ssyncset.done $0x0  }
0xb5: {  	[sflag:s19] =	ssyncadd.s32 $0xFFFFC000  }
0xb6: {  	[spmem:s4] =	stream.indirect.scatter.add.f32 [tilespmem:s26], [sflag:$0x3], $0x1, s7, s20, $0xb8;
	[tilespmem:$0x1EB00] =	vst v63  }
0xb7: {  	_ =	swait.ge [sflag:s19], $0x80  }
0xb8: {  	[sflag:s19] =	ssyncset.done $0x0  }
0xb9: {  	s2 =	simm.s32 $0x200;
	[sflag:s19] =	ssyncadd.s32 $0xFFFFFF80  }
0xba: {  	[tilespmem:s18], [sflag:$0x1] =	stream.indirect.gather [hbm4b:s1+s20], $0x80, s2, s20, $0xb8;
	[tilespmem:$0x1EB00] =	vst v63  }
0xbb: {  	_ =	swait.ge [sflag:s28], $0x4000  }
0xbc: {  	[sflag:s28] =	ssyncset.done $0x0  }
0xbd: {  	s7 =	simm.s32 $0x180;
	[sflag:s28] =	ssyncadd.s32 $0xFFFFC000  }
0xbe: {  	[spmem:s3] =	stream.indirect.scatter.add.f32 [tilespmem:s23], [sflag:$0x3], $0x80, s7, s20, $0xb8;
	[tilespmem:$0x1EB00] =	vst v63  }
0xbf: {  	_ =	swait.ge [sflag:s19], $0x4000  }
0xc0: {  	[sflag:s19] =	ssyncset.done $0x0  }
0xc1: {  	[sflag:s19] =	ssyncadd.s32 $0xFFFFC000  }
0xc2: {  	[spmem:s4] =	stream.indirect.scatter.add.f32 [tilespmem:s26], [sflag:$0x3], $0x1, s7, s20, $0xb8;
	[tilespmem:$0x1EB00] =	vst v63  }
0xc3: {  	_ =	swait.ge [sflag:s19], $0x80  }
0xc4: {  	[sflag:s19] =	ssyncset.done $0x0  }
0xc5: {  	s0 =	simm.s32 $0x300;
	s2 =	simm.s32 $0xFFFF7000;
	[sflag:s19] =	ssyncadd.s32 $0xFFFFFF80  }
.LBB2_6:
0xc6: {  	[tilespmem:s23], [sflag:$0x2] =	stream.indirect.gather [hbm4b:s1+s20], $0x80, s0, s20, $0xb8;
	[tilespmem:$0x1EB00] =	vst v63  }
0xc7: {  	s0 =	smov.u32 s2  }
0xc8: {  	p0 =	sne.s32 s2, $0xFFFFF800;
	s2 =	sadd.s32 $0x800, s2;
	_ =	swait.ge [sflag:s25], $0x4000  }
0xc9: {  	s0 =	sshra.s32 s0, $0x2;
	[sflag:s25] =	ssyncset.done $0x0  }
0xca: {  	s7 =	sadd.s32 $0x2680, s0;
	[sflag:s25] =	ssyncadd.s32 $0xFFFFC000  }
0xcb: {  	[spmem:s3] =	stream.indirect.scatter.add.f32 [tilespmem:s18], [sflag:$0x3], $0x80, s7, s20, $0xb8;
	[tilespmem:$0x1EB00] =	vst v63  }
0xcc: {  	_ =	swait.ge [sflag:s19], $0x4000  }
0xcd: {  	[sflag:s19] =	ssyncset.done $0x0  }
0xce: {  	[sflag:s19] =	ssyncadd.s32 $0xFFFFC000  }
0xcf: {  	[spmem:s4] =	stream.indirect.scatter.add.f32 [tilespmem:s26], [sflag:$0x3], $0x1, s7, s20, $0xb8;
	[tilespmem:$0x1EB00] =	vst v63  }
0xd0: {  	_ =	swait.ge [sflag:s19], $0x80  }
0xd1: {  	[sflag:s19] =	ssyncset.done $0x0  }
0xd2: {  	s7 =	sadd.s32 $0x2800, s0;
	[sflag:s19] =	ssyncadd.s32 $0xFFFFFF80  }
0xd3: {  	[tilespmem:s18], [sflag:$0x1] =	stream.indirect.gather [hbm4b:s1+s20], $0x80, s7, s20, $0xb8;
	[tilespmem:$0x1EB00] =	vst v63  }
0xd4: {  	_ =	swait.ge [sflag:s28], $0x4000  }
0xd5: {  	[sflag:s28] =	ssyncset.done $0x0  }
0xd6: {  	s7 =	sadd.s32 $0x2780, s0;
	[sflag:s28] =	ssyncadd.s32 $0xFFFFC000  }
0xd7: {  	[spmem:s3] =	stream.indirect.scatter.add.f32 [tilespmem:s23], [sflag:$0x3], $0x80, s7, s20, $0xb8;
	[tilespmem:$0x1EB00] =	vst v63  }
0xd8: {  	_ =	swait.ge [sflag:s19], $0x4000  }
0xd9: {  	[sflag:s19] =	ssyncset.done $0x0  }
.Ltmp2:
0xda: {  	[sflag:s19] =	ssyncadd.s32 $0xFFFFC000;
	(pc) =	sbr.rel @p0 .LBB2_6-.Ltmp2, $4  }
0xdb: {  	[spmem:s4] =	stream.indirect.scatter.add.f32 [tilespmem:s26], [sflag:$0x3], $0x1, s7, s20, $0xb8;
	[tilespmem:$0x1EB00] =	vst v63  }
0xdc: {  	_ =	swait.ge [sflag:s19], $0x80  }
0xdd: {  	[sflag:s19] =	ssyncset.done $0x0  }
0xde: {  	s0 =	sadd.s32 $0x2900, s0;
	[sflag:s19] =	ssyncadd.s32 $0xFFFFFF80  }
0xdf: {  	[tilespmem:s23], [sflag:$0x2] =	stream.indirect.gather [hbm4b:s1+s20], $0x80, s0, s20, $0xb8;
	[tilespmem:$0x1EB00] =	vst v63  }
0xe0: {  	_ =	swait.ge [sflag:s25], $0x4000  }
0xe1: {  	[sflag:s25] =	ssyncset.done $0x0  }
0xe2: {  	[sflag:s25] =	ssyncadd.s32 $0xFFFFC000  }
0xe3: {  	[spmem:s3] =	stream.indirect.scatter.add.f32 [tilespmem:s18], [sflag:$0x3], $0x80, s29, s20, $0xb8;
	[tilespmem:$0x1EB00] =	vst v63  }
0xe4: {  	_ =	swait.ge [sflag:s19], $0x4000  }
0xe5: {  	[sflag:s19] =	ssyncset.done $0x0  }
0xe6: {  	[sflag:s19] =	ssyncadd.s32 $0xFFFFC000  }
0xe7: {  	[spmem:s4] =	stream.indirect.scatter.add.f32 [tilespmem:s26], [sflag:$0x3], $0x1, s29, s20, $0xb8;
	[tilespmem:$0x1EB00] =	vst v63  }
0xe8: {  	_ =	swait.ge [sflag:s19], $0x80  }
0xe9: {  	[sflag:s19] =	ssyncset.done $0x0  }
0xea: {  	[sflag:s19] =	ssyncadd.s32 $0xFFFFFF80  }
0xeb: {  	_ =	swait.ge [sflag:s28], $0x4000  }
0xec: {  	[sflag:s28] =	ssyncset.done $0x0  }
0xed: {  	[sflag:s28] =	ssyncadd.s32 $0xFFFFC000  }
0xee: {  	[spmem:s3] =	stream.indirect.scatter.add.f32 [tilespmem:s23], [sflag:$0x3], $0x80, s30, s20, $0xb8;
	[tilespmem:$0x1EB00] =	vst v63  }
0xef: {  	_ =	swait.ge [sflag:s19], $0x4000  }
0xf0: {  	[sflag:s19] =	ssyncset.done $0x0  }
0xf1: {  	[sflag:s19] =	ssyncadd.s32 $0xFFFFC000  }
0xf2: {  	[spmem:s4] =	stream.indirect.scatter.add.f32 [tilespmem:s26], [sflag:$0x3], $0x1, s30, s20, $0xb8;
	[tilespmem:$0x1EB00] =	vst v63  }
0xf3: {  	_ =	swait.ge [sflag:s19], $0x80  }
0xf4: {  	s7 =	stileid.u32;
	[sflag:s19] =	ssyncset.done $0x0  }
0xf5: {  	s0 =	sshll.u32 s7, $0x6;
	[sflag:s19] =	ssyncadd.s32 $0xFFFFFF80  }
0xf6: {  	s2 =	sshrl.u32 s6, $0x3;
	s0 =	sor.u32 $0x1C03, s0;
	[bflag:$0x0] =	sbarrier.arrive $0xFFFF  }
0xf7: {  	[hbm:s22], [sflag:s0] =	dma.local [spmem:s2], $0x2800  }
0xf8: {  	s31 =	sadd.s32 $0x1, s31;
	_ =	swait.ge [sflag:s19], $0x2800  }
0xf9: {  	s7 =	simm.s32 $0x20;
	p0 =	sne.s32 s31, s17;
	[sflag:s19] =	ssyncset.done $0x0  }
.Ltmp3:
0xfa: {  	s2 =	sshrl.u32 s11, $0x3;
	[sflag:s19] =	ssyncadd.s32 $0xFFFFD800;
	(pc) =	sbr.rel @p0 .LBB2_1-.Ltmp3, $4  }
0xfb: {  	[hbm:s24@s7], [sflag:s0] =	dma.strided [spmem:s2@s8], $0x50, s25, $0x10   }
0xfc: {  	_ =	swait.ge [sflag:s19], $0x50  }
0xfd: {  	[sflag:s19] =	ssyncset.done $0x0  }
0xfe: {  	[sflag:s19] =	ssyncadd.s32 $0xFFFFFFB0  }
0xff: {  	_ =	sfence.sel $0x180000  }
0x100: {  	[bflag:$0x0] =	sbarrier.arrive $0xFFFF  }
0x101: {  	_ =	strace $0x90000047  }
0x102: {  	s0 =	stileid.u32;
	[bflag:$0x2] =	sbarrier.arrive $0xFFFF  }
0x103: {  	p0 =	sne.s32 s0, $0x0;
	s0 =	rddreg [dreg:$0x4]  }
0x104: {  	s0 =	sadd.s32 @!p0 $0x100000, s0  }
0x105: {  	[sflag:s0] =	ssyncadd.tile.s32 @!p0 $0x1;
	_ =	shalt  }
.Lfunc_end2:
_tile_overlayer_lowered:
.L_overlay_start_2:
0x106: {  	(tag) =	ssettag $0x2  }
0x107: {  	s0 =	rddreg [dreg:$0x0];
	s2 =	stileid.u32  }
0x108: {  	s1 =	rddreg [dreg:$0x1];
	p0 =	sne.s32 s2, $0x0  }
0x109: {  	s3 =	rddreg [dreg:$0x2];
	[bflag:$0x3] =	sbarrier.arrive $0xFFFF;
	s2 =	simm.s32 @!p0 $0x1C03  }
0x10a: {  	[timem:s3], [sflag:s2] =	dma.local @!p0 [hbm:s0], s1  }
0x10b: {  	s0 =	simm.s32 @!p0 $0x3  }
0x10c: {  	_ =	swait.ge @!p0 [sflag:s0], s1  }
0x10d: {  	s1 =	ssub.s32 @!p0 $0x0, s1;
	[sflag:s0] =	ssyncset.done @!p0 $0x0  }
0x10e: {  	[sflag:s0] =	ssyncadd.s32 @!p0 s1  }
0x10f: {  	[bflag:$0x3] =	sbarrier.arrive $0xFFFF  }
0x110: {  	_ =	shalt  }

</sc_bundles>
